<compile_context>
chip_gen: v7x
topology: tpu7x:2x2x1
jax: 0.10.2.dev20260603
libtpu: 0.0.44.dev20260713+nightly
codegen_flags: <defaults>
</compile_context>

<pallas_src>
import jax
import jax.numpy as jnp
from jax import lax
from jax.experimental import pallas as pl
from jax.experimental.pallas import tpu as pltpu
from jax.experimental.pallas import tpu_sc as plsc

_N = 10000
_E = 320000
_D = 128
_NC = 2
_NS = 16
_NT = _NC * _NS
_CH = 128
_NCH = 80
_EPT = _CH * _NCH
_EP = _EPT * _NT
_NP = 10240
_WIN = 16
_NW = _NCH // _WIN
_BLK = 2000
_GRID = _N // _BLK



def _sc_deg_body(edges_hbm, deg_hbm, dst_v, zb, ob, deg_sp, sem_d):
    c = lax.axis_index("c")
    s = lax.axis_index("s")
    wid = c * _NS + s
    zeros16 = jnp.zeros((16,), jnp.float32)
    ones16 = jnp.ones((16,), jnp.float32)
    for j in range(8):
        zb[pl.ds(j * 16, 16)] = zeros16
        ob[pl.ds(j * 16, 16)] = ones16
    for j in range(5):
        pltpu.sync_copy(zb, deg_sp.at[pl.ds((s * 5 + j) * _CH, _CH)])
    pltpu.sync_copy(edges_hbm.at[1, wid], dst_v)
    plsc.subcore_barrier()

    def body(k, carry):
        pltpu.async_copy(ob, deg_sp.at[dst_v.at[k]], sem_d, add=True)
        return carry

    lax.fori_loop(0, _NCH, body, 0)

    def drain(k, carry):
        pltpu.make_async_copy(ob, deg_sp.at[dst_v.at[k]], sem_d).wait()
        return carry

    lax.fori_loop(0, _NCH, drain, 0)
    plsc.subcore_barrier()
    pltpu.sync_copy(deg_sp.at[pl.ds(s * 640, 640)],
                    deg_hbm.at[c, pl.ds(s * 640, 640)])


def _sc_agg_body(h_hbm, edges_hbm, out_hbm,
                 src_v, dst_v, buf_a, buf_b, agg_sp, sem_a, sem_b, sem_i):
    c = lax.axis_index("c")
    s = lax.axis_index("s")
    wid = c * _NS + s
    zeros16 = jnp.zeros((16,), jnp.float32)

    def zbody(i, carry):
        for j in range(8):
            buf_a[i, pl.ds(j * 16, 16)] = zeros16
        return carry

    lax.fori_loop(0, _CH, zbody, 0)
    for j in range(5):
        pltpu.sync_copy(buf_a, agg_sp.at[pl.ds((s * 5 + j) * _CH, _CH)])
    plsc.subcore_barrier()

    pltpu.async_copy(edges_hbm.at[0, wid, pl.ds(0, _WIN)], src_v.at[0], sem_i)
    pltpu.async_copy(edges_hbm.at[1, wid, pl.ds(0, _WIN)], dst_v.at[0], sem_i)

    def wbody(w, carry):
        p = lax.rem(w, 2)
        pltpu.make_async_copy(edges_hbm.at[0, wid, pl.ds(0, _WIN)],
                              src_v.at[p], sem_i).wait()
        pltpu.make_async_copy(edges_hbm.at[1, wid, pl.ds(0, _WIN)],
                              dst_v.at[p], sem_i).wait()

        @pl.when(w + 1 < _NW)
        def _():
            pn = lax.rem(w + 1, 2)
            pltpu.async_copy(edges_hbm.at[0, wid, pl.ds((w + 1) * _WIN, _WIN)],
                             src_v.at[pn], sem_i)
            pltpu.async_copy(edges_hbm.at[1, wid, pl.ds((w + 1) * _WIN, _WIN)],
                             dst_v.at[pn], sem_i)

        pltpu.async_copy(h_hbm.at[src_v.at[p, 0]], buf_a, sem_a)

        def body(i, carry2):
            k0 = 2 * i
            k1 = k0 + 1
            pltpu.async_copy(h_hbm.at[src_v.at[p, k1]], buf_b, sem_b)
            pltpu.make_async_copy(h_hbm.at[src_v.at[p, k0]], buf_a,
                                  sem_a).wait()
            pltpu.sync_copy(buf_a, agg_sp.at[dst_v.at[p, k0]], add=True)

            @pl.when(i < _WIN // 2 - 1)
            def _():
                pltpu.async_copy(h_hbm.at[src_v.at[p, k0 + 2]], buf_a, sem_a)

            pltpu.make_async_copy(h_hbm.at[src_v.at[p, k1]], buf_b,
                                  sem_b).wait()
            pltpu.sync_copy(buf_b, agg_sp.at[dst_v.at[p, k1]], add=True)
            return carry2

        lax.fori_loop(0, _WIN // 2, body, 0)
        return carry

    lax.fori_loop(0, _NW, wbody, 0)
    plsc.subcore_barrier()
    pltpu.sync_copy(agg_sp.at[pl.ds(s * 640, 640)],
                    out_hbm.at[c, pl.ds(s * 640, 640)])


def _sc_mesh():
    return plsc.VectorSubcoreMesh(core_axis_name="c", subcore_axis_name="s",
                                  num_cores=_NC, num_subcores=_NS)


def _sc_deg(edges):
    return pl.kernel(
        _sc_deg_body,
        out_type=jax.ShapeDtypeStruct((_NC, _NP), jnp.float32),
        mesh=_sc_mesh(),
        scratch_types=[
            pltpu.VMEM((_NCH, _CH), jnp.int32),
            pltpu.VMEM((_CH,), jnp.float32),
            pltpu.VMEM((_CH,), jnp.float32),
            pltpu.VMEM_SHARED((_NP,), jnp.float32),
            pltpu.SemaphoreType.DMA,
        ],
    )(edges)


def _sc_agg(h, edges):
    return pl.kernel(
        _sc_agg_body,
        out_type=jax.ShapeDtypeStruct((_NC, _NP, _D), jnp.float32),
        mesh=_sc_mesh(),
        scratch_types=[
            pltpu.VMEM((2, _WIN, _CH), jnp.int32),
            pltpu.VMEM((2, _WIN, _CH), jnp.int32),
            pltpu.VMEM((_CH, _D), jnp.float32),
            pltpu.VMEM((_CH, _D), jnp.float32),
            pltpu.VMEM_SHARED((_NP, _D), jnp.float32),
            pltpu.SemaphoreType.DMA,
            pltpu.SemaphoreType.DMA,
            pltpu.SemaphoreType.DMA,
        ],
    )(h, edges)



def _mm_body(x_ref, w_ref, o_ref):
    o_ref[...] = jnp.dot(x_ref[...], w_ref[...],
                         preferred_element_type=jnp.float32)


def _tc_matmul(x, w):
    return pl.pallas_call(
        _mm_body,
        grid=(_GRID,),
        in_specs=[pl.BlockSpec((_BLK, _D), lambda i: (i, 0)),
                  pl.BlockSpec((_D, _D), lambda i: (0, 0))],
        out_specs=pl.BlockSpec((_BLK, _D), lambda i: (i, 0)),
        out_shape=jax.ShapeDtypeStruct((_N, _D), jnp.float32),
    )(x, w)


_BLKC = 2560


def _comb1_body(h_ref, d_ref, h1p_ref, dinv_ref):
    dsum = d_ref[0:1, :] + d_ref[1:2, :]
    dinv = lax.rsqrt(jnp.swapaxes(dsum, 0, 1) + 1.0)
    dinv_ref[...] = dinv
    h1p_ref[...] = h_ref[...] * dinv


def _tc_combine1(h_raw, degp):
    return pl.pallas_call(
        _comb1_body,
        grid=(_NP // _BLKC,),
        in_specs=[pl.BlockSpec((_BLKC, _D), lambda i: (i, 0)),
                  pl.BlockSpec((_NC, _BLKC), lambda i: (0, i))],
        out_specs=[pl.BlockSpec((_BLKC, _D), lambda i: (i, 0)),
                   pl.BlockSpec((_BLKC, 1), lambda i: (i, 0))],
        out_shape=[jax.ShapeDtypeStruct((_N, _D), jnp.float32),
                   jax.ShapeDtypeStruct((_N, 1), jnp.float32)],
    )(h_raw, degp)


def _layer_body(a0_ref, a1_ref, h1p_ref, dinv_ref, b1_ref, g_ref, be_ref,
                mu_ref, var_ref, w2_ref, o_ref):
    z = (a0_ref[0] + a1_ref[0] + h1p_ref[...]) * dinv_ref[...] + b1_ref[...]
    z = (z - mu_ref[...]) * lax.rsqrt(var_ref[...] + 1e-5) * g_ref[...] \
        + be_ref[...]
    z = jnp.maximum(z, 0.0)
    o_ref[...] = jnp.dot(z, w2_ref[...],
                         preferred_element_type=jnp.float32) * dinv_ref[...]


def _tc_layer(agg, h1p, dinv, b1, gamma, beta, mu, var, w2):
    vec = pl.BlockSpec((1, _D), lambda i: (0, 0))
    return pl.pallas_call(
        _layer_body,
        grid=(_GRID,),
        in_specs=[pl.BlockSpec((1, _BLK, _D), lambda i: (0, i, 0)),
                  pl.BlockSpec((1, _BLK, _D), lambda i: (1, i, 0)),
                  pl.BlockSpec((_BLK, _D), lambda i: (i, 0)),
                  pl.BlockSpec((_BLK, 1), lambda i: (i, 0)),
                  vec, vec, vec, vec, vec,
                  pl.BlockSpec((_D, _D), lambda i: (0, 0))],
        out_specs=pl.BlockSpec((_BLK, _D), lambda i: (i, 0)),
        out_shape=jax.ShapeDtypeStruct((_N, _D), jnp.float32),
    )(agg, agg, h1p, dinv, b1, gamma, beta, mu, var, w2)


def _final_body(a0_ref, a1_ref, h2p_ref, dinv_ref, b2_ref, o_ref):
    z = (a0_ref[0] + a1_ref[0] + h2p_ref[...]) * dinv_ref[...] + b2_ref[...]
    m = jnp.max(z, axis=1, keepdims=True)
    lse = jnp.log(jnp.sum(jnp.exp(z - m), axis=1, keepdims=True)) + m
    o_ref[...] = z - lse


def _tc_final(agg, h2p, dinv, b2):
    return pl.pallas_call(
        _final_body,
        grid=(_GRID,),
        in_specs=[pl.BlockSpec((1, _BLK, _D), lambda i: (0, i, 0)),
                  pl.BlockSpec((1, _BLK, _D), lambda i: (1, i, 0)),
                  pl.BlockSpec((_BLK, _D), lambda i: (i, 0)),
                  pl.BlockSpec((_BLK, 1), lambda i: (i, 0)),
                  pl.BlockSpec((1, _D), lambda i: (0, 0))],
        out_specs=pl.BlockSpec((_BLK, _D), lambda i: (i, 0)),
        out_shape=jax.ShapeDtypeStruct((_N, _D), jnp.float32),
    )(agg, agg, h2p, dinv, b2)



def kernel(x, edge_index, W1, b1, W2, b2, gamma, beta, bn_mean, bn_var):
    pad = _EP - _E
    ppt = pad // _NT
    padr = jnp.arange(ppt, dtype=jnp.int32)
    pads = jnp.broadcast_to(
        jnp.stack([padr % 256, _N + padr])[:, None, :], (2, _NT, ppt))
    edges = jnp.concatenate(
        [edge_index.astype(jnp.int32).reshape(2, _NT, _E // _NT), pads],
        axis=2).reshape(2, _NT, _NCH, _CH)

    degp = _sc_deg(edges)
    h_raw = _tc_matmul(x, W1)
    h1p, dinv = _tc_combine1(h_raw, degp)

    agg1 = _sc_agg(h1p, edges)
    h2p = _tc_layer(agg1, h1p, dinv, b1.reshape(1, _D), gamma.reshape(1, _D),
                    beta.reshape(1, _D), bn_mean.reshape(1, _D),
                    bn_var.reshape(1, _D), W2)

    agg2 = _sc_agg(h2p, edges)
    return _tc_final(agg2, h2p, dinv, b2.reshape(1, _D))

# --- scband reference (transcript-rebuilt; emitter-appended) ---
"""Pipeline reference for scband-gcn-84670985273387 (READ-ONLY COPY).

The authoritative reference and input builder live on the scoring server;
editing this copy changes nothing except your own understanding.
"""

import jax, jax.numpy as jnp
import numpy as np

N_NODES = 10000
N_EDGES = 320000
D_IN = 128
D_HID = 128
D_OUT = 128


def setup_inputs(seed: int = 0) -> dict:
    key = jax.random.key(seed)
    ks = jax.random.split(key, 8)
    x = jax.random.normal(ks[0], (N_NODES, D_IN), dtype=jnp.float32)
    edge_index = jax.random.randint(ks[1], (2, N_EDGES), 0, N_NODES, dtype=jnp.int64 if jax.config.jax_enable_x64 else jnp.int32)
    s1 = 1.0 / np.sqrt(D_IN)
    s2 = 1.0 / np.sqrt(D_HID)
    W1 = jax.random.uniform(ks[2], (D_IN, D_HID), dtype=jnp.float32, minval=-s1, maxval=s1)
    b1 = jnp.zeros((D_HID,), dtype=jnp.float32)
    W2 = jax.random.uniform(ks[3], (D_HID, D_OUT), dtype=jnp.float32, minval=-s2, maxval=s2)
    b2 = jnp.zeros((D_OUT,), dtype=jnp.float32)
    gamma = jnp.ones((D_HID,), dtype=jnp.float32)
    beta = jnp.zeros((D_HID,), dtype=jnp.float32)
    bn_mean = jnp.zeros((D_HID,), dtype=jnp.float32)
    bn_var = jnp.ones((D_HID,), dtype=jnp.float32)
    return {"x": x, "edge_index": edge_index, "W1": W1, "b1": b1, "W2": W2, "b2": b2,
            "gamma": gamma, "beta": beta, "bn_mean": bn_mean, "bn_var": bn_var}


def _gcn_conv(x, edge_index, W, b, num_nodes):
    src = edge_index[0]
    dst = edge_index[1]
    loop = jnp.arange(num_nodes, dtype=src.dtype)
    src = jnp.concatenate([src, loop])
    dst = jnp.concatenate([dst, loop])
    deg = jnp.zeros((num_nodes,), dtype=x.dtype).at[dst].add(1.0)
    dinv = jnp.where(deg > 0, jax.lax.rsqrt(deg), 0.0)
    norm = dinv[src] * dinv[dst]
    h = x @ W
    msg = h[src] * norm[:, None]
    out = jnp.zeros((num_nodes, h.shape[1]), dtype=x.dtype).at[dst].add(msg)
    return out + b


def reference(x, edge_index, W1, b1, W2, b2, gamma, beta, bn_mean, bn_var):
    num_nodes = x.shape[0]
    # layer 1: GCNConv -> BatchNorm1d (eval mode, running stats) -> ReLU -> dropout(eval=identity)
    h = _gcn_conv(x, edge_index, W1, b1, num_nodes)
    h = (h - bn_mean) * jax.lax.rsqrt(bn_var + 1e-5) * gamma + beta
    h = jax.nn.relu(h)
    # layer 2: GCNConv -> log_softmax over feature dim
    h = _gcn_conv(h, edge_index, W2, b2, num_nodes)
    return jax.nn.log_softmax(h, axis=1)

if __name__ == "__main__":
    import jax
    _d = setup_inputs()
    print(jax.jit(kernel)(*tuple(_d.values())))

</pallas_src>

<mosaic_0001>
#map = affine_map<(d0, d1) -> (0, 0)>
#map1 = affine_map<(d0, d1) -> (0, 0, 0, 0)>
#map2 = affine_map<(d0, d1) -> (0, 0, 0)>
module attributes {stable_mosaic.version = 14 : i64} {
  func.func @_sc_agg_body(%arg0: i32, %arg1: i32, %arg2: memref<10000x128xf32, #tpu.memory_space<hbm>>, %arg3: memref<2x32x80x128xi32, #tpu.memory_space<hbm>>, %arg4: memref<2x10240x128xf32, #tpu.memory_space<hbm>>, %arg5: memref<2x16x128xi32, #tpu.memory_space<vmem>>, %arg6: memref<2x16x128xi32, #tpu.memory_space<vmem>>, %arg7: memref<128x128xf32, #tpu.memory_space<vmem>>, %arg8: memref<128x128xf32, #tpu.memory_space<vmem>>, %arg9: memref<10240x128xf32, #tpu.memory_space<vmem_shared>>, %arg10: memref<!tpu.dma_semaphore, #tpu.memory_space<semaphore_mem>>, %arg11: memref<!tpu.dma_semaphore, #tpu.memory_space<semaphore_mem>>, %arg12: memref<!tpu.dma_semaphore, #tpu.memory_space<semaphore_mem>>) attributes {dimension_semantics = [#tpu.dimension_semantics<core_parallel>, #tpu.dimension_semantics<subcore_parallel>], iteration_bounds = array<i64: 2, 16>, scalar_prefetch = 0 : i64, scratch_operands = 8 : i64, tpu.core_type = #tpu.core_type<sc_vector_subcore>, window_params = [{transform_indices = #map}, {transform_indices = #map1}, {transform_indices = #map2}]} {
    %mul3A = arith.constant 16 : i32
    %mul3A_0 = arith.muli %arg0, %mul3A : i32
    %add3A = arith.addi %mul3A_0, %arg1 : i32
    %broadcast_in_dim3A = arith.constant 0.000000e+00 : f32
    %broadcast_in_dim3A_1 = vector.broadcast %broadcast_in_dim3A : f32 to vector<16xf32>
    %scan3A = arith.constant 0 : i32
    %scan3A_2 = arith.constant 0 : i32
    %scan3A_3 = arith.constant 128 : i32
    %scan3A_4 = arith.addi %scan3A_2, %scan3A_3 : i32
    %scan3A_5 = arith.constant 1 : i32
    scf.for %scan3A_83 = %scan3A_2 to %scan3A_4 step %scan3A_5  : i32 {
      %swap3A = arith.index_cast %scan3A_83 : i32 to index
      %swap3A_84 = arith.constant 0 : index
      %swap3A_85 = tpu.vector_load %arg7[%swap3A, %swap3A_84] {strides = array<i32>} : memref<128x128xf32, #tpu.memory_space<vmem>>, vector<1x16xf32>,
      %swap3A_86 = vector.shape_cast %swap3A_85 : vector<1x16xf32> to vector<16xf32>
      %swap3A_87 = vector.shape_cast %broadcast_in_dim3A_1 : vector<16xf32> to vector<1x16xf32>
      tpu.vector_store %arg7[%swap3A, %swap3A_84], %swap3A_87 {strides = array<i32>} : memref<128x128xf32, #tpu.memory_space<vmem>>, vector<1x16xf32>,
      %swap3A_88 = arith.index_cast %scan3A_83 : i32 to index
      %swap3A_89 = arith.constant 16 : index
      %swap3A_90 = tpu.vector_load %arg7[%swap3A_88, %swap3A_89] {strides = array<i32>} : memref<128x128xf32, #tpu.memory_space<vmem>>, vector<1x16xf32>,
      %swap3A_91 = vector.shape_cast %swap3A_90 : vector<1x16xf32> to vector<16xf32>
      %swap3A_92 = vector.shape_cast %broadcast_in_dim3A_1 : vector<16xf32> to vector<1x16xf32>
      tpu.vector_store %arg7[%swap3A_88, %swap3A_89], %swap3A_92 {strides = array<i32>} : memref<128x128xf32, #tpu.memory_space<vmem>>, vector<1x16xf32>,
      %swap3A_93 = arith.index_cast %scan3A_83 : i32 to index
      %swap3A_94 = arith.constant 32 : index
      %swap3A_95 = tpu.vector_load %arg7[%swap3A_93, %swap3A_94] {strides = array<i32>} : memref<128x128xf32, #tpu.memory_space<vmem>>, vector<1x16xf32>,
      %swap3A_96 = vector.shape_cast %swap3A_95 : vector<1x16xf32> to vector<16xf32>
      %swap3A_97 = vector.shape_cast %broadcast_in_dim3A_1 : vector<16xf32> to vector<1x16xf32>
      tpu.vector_store %arg7[%swap3A_93, %swap3A_94], %swap3A_97 {strides = array<i32>} : memref<128x128xf32, #tpu.memory_space<vmem>>, vector<1x16xf32>,
      %swap3A_98 = arith.index_cast %scan3A_83 : i32 to index
      %swap3A_99 = arith.constant 48 : index
      %swap3A_100 = tpu.vector_load %arg7[%swap3A_98, %swap3A_99] {strides = array<i32>} : memref<128x128xf32, #tpu.memory_space<vmem>>, vector<1x16xf32>,
      %swap3A_101 = vector.shape_cast %swap3A_100 : vector<1x16xf32> to vector<16xf32>
      %swap3A_102 = vector.shape_cast %broadcast_in_dim3A_1 : vector<16xf32> to vector<1x16xf32>
      tpu.vector_store %arg7[%swap3A_98, %swap3A_99], %swap3A_102 {strides = array<i32>} : memref<128x128xf32, #tpu.memory_space<vmem>>, vector<1x16xf32>,
      %swap3A_103 = arith.index_cast %scan3A_83 : i32 to index
      %swap3A_104 = arith.constant 64 : index
      %swap3A_105 = tpu.vector_load %arg7[%swap3A_103, %swap3A_104] {strides = array<i32>} : memref<128x128xf32, #tpu.memory_space<vmem>>, vector<1x16xf32>,
      %swap3A_106 = vector.shape_cast %swap3A_105 : vector<1x16xf32> to vector<16xf32>
      %swap3A_107 = vector.shape_cast %broadcast_in_dim3A_1 : vector<16xf32> to vector<1x16xf32>
      tpu.vector_store %arg7[%swap3A_103, %swap3A_104], %swap3A_107 {strides = array<i32>} : memref<128x128xf32, #tpu.memory_space<vmem>>, vector<1x16xf32>,
      %swap3A_108 = arith.index_cast %scan3A_83 : i32 to index
      %swap3A_109 = arith.constant 80 : index
      %swap3A_110 = tpu.vector_load %arg7[%swap3A_108, %swap3A_109] {strides = array<i32>} : memref<128x128xf32, #tpu.memory_space<vmem>>, vector<1x16xf32>,
      %swap3A_111 = vector.shape_cast %swap3A_110 : vector<1x16xf32> to vector<16xf32>
      %swap3A_112 = vector.shape_cast %broadcast_in_dim3A_1 : vector<16xf32> to vector<1x16xf32>
      tpu.vector_store %arg7[%swap3A_108, %swap3A_109], %swap3A_112 {strides = array<i32>} : memref<128x128xf32, #tpu.memory_space<vmem>>, vector<1x16xf32>,
      %swap3A_113 = arith.index_cast %scan3A_83 : i32 to index
      %swap3A_114 = arith.constant 96 : index
      %swap3A_115 = tpu.vector_load %arg7[%swap3A_113, %swap3A_114] {strides = array<i32>} : memref<128x128xf32, #tpu.memory_space<vmem>>, vector<1x16xf32>,
      %swap3A_116 = vector.shape_cast %swap3A_115 : vector<1x16xf32> to vector<16xf32>
      %swap3A_117 = vector.shape_cast %broadcast_in_dim3A_1 : vector<16xf32> to vector<1x16xf32>
      tpu.vector_store %arg7[%swap3A_113, %swap3A_114], %swap3A_117 {strides = array<i32>} : memref<128x128xf32, #tpu.memory_space<vmem>>, vector<1x16xf32>,
      %swap3A_118 = arith.index_cast %scan3A_83 : i32 to index
      %swap3A_119 = arith.constant 112 : index
      %swap3A_120 = tpu.vector_load %arg7[%swap3A_118, %swap3A_119] {strides = array<i32>} : memref<128x128xf32, #tpu.memory_space<vmem>>, vector<1x16xf32>,
      %swap3A_121 = vector.shape_cast %swap3A_120 : vector<1x16xf32> to vector<16xf32>
      %swap3A_122 = vector.shape_cast %broadcast_in_dim3A_1 : vector<16xf32> to vector<1x16xf32>
      tpu.vector_store %arg7[%swap3A_118, %swap3A_119], %swap3A_122 {strides = array<i32>} : memref<128x128xf32, #tpu.memory_space<vmem>>, vector<1x16xf32>,
    }
    %scan3A_6 = arith.constant 128 : i32
    %mul3A_7 = arith.constant 5 : i32
    %mul3A_8 = arith.muli %arg1, %mul3A_7 : i32
    %add3A_9 = arith.constant 0 : i32
    %add3A_10 = arith.addi %mul3A_8, %add3A_9 : i32
    %mul3A_11 = arith.constant 128 : i32
    %mul3A_12 = arith.muli %add3A_10, %mul3A_11 : i32
    "tpu.region"() ({
      %run_scoped3A = tpu.sem_alloc : memref<!tpu.dma_semaphore, #tpu.memory_space<semaphore_mem>>
      %dma_start3A_83 = arith.constant 0 : i32
      %dma_start3A_84 = tpu.memref_slice %arg9[%mul3A_12, %dma_start3A_83] : memref<10240x128xf32, #tpu.memory_space<vmem_shared>> -> memref<128x128xf32, #tpu.memory_space<vmem_shared>>
      %dma_start3A_85 = arith.constant 0 : i32
      %dma_start3A_86 = tpu.memref_slice %arg9[%mul3A_12, %dma_start3A_85] : memref<10240x128xf32, #tpu.memory_space<vmem_shared>> -> memref<128x128xf32, #tpu.memory_space<vmem_shared>>
      tpu.enqueue_dma source(%arg7 : memref<128x128xf32, #tpu.memory_space<vmem>>) target(%dma_start3A_86 : memref<128x128xf32, #tpu.memory_space<vmem_shared>>) target_semaphore(%run_scoped3A : memref<!tpu.dma_semaphore, #tpu.memory_space<semaphore_mem>>)
      %dma_wait3A = arith.constant 0 : i32
      %dma_wait3A_87 = tpu.memref_slice %arg9[%mul3A_12, %dma_wait3A] : memref<10240x128xf32, #tpu.memory_space<vmem_shared>> -> memref<128x128xf32, #tpu.memory_space<vmem_shared>>
      %dma_wait3A_88 = arith.constant 0 : i32
      %dma_wait3A_89 = tpu.memref_slice %arg9[%mul3A_12, %dma_wait3A_88] : memref<10240x128xf32, #tpu.memory_space<vmem_shared>> -> memref<128x128xf32, #tpu.memory_space<vmem_shared>>
      tpu.wait_dma2 semaphore(%run_scoped3A : memref<!tpu.dma_semaphore, #tpu.memory_space<semaphore_mem>>) src(%arg7 : memref<128x128xf32, #tpu.memory_space<vmem>>) dst(%dma_wait3A_89 : memref<128x128xf32, #tpu.memory_space<vmem_shared>>)
      tpu.yield
    }) : () -> ()
    %mul3A_13 = arith.constant 5 : i32
    %mul3A_14 = arith.muli %arg1, %mul3A_13 : i32
    %add3A_15 = arith.constant 1 : i32
    %add3A_16 = arith.addi %mul3A_14, %add3A_15 : i32
    %mul3A_17 = arith.constant 128 : i32
    %mul3A_18 = arith.muli %add3A_16, %mul3A_17 : i32
    "tpu.region"() ({
      %run_scoped3A = tpu.sem_alloc : memref<!tpu.dma_semaphore, #tpu.memory_space<semaphore_mem>>
      %dma_start3A_83 = arith.constant 0 : i32
      %dma_start3A_84 = tpu.memref_slice %arg9[%mul3A_18, %dma_start3A_83] : memref<10240x128xf32, #tpu.memory_space<vmem_shared>> -> memref<128x128xf32, #tpu.memory_space<vmem_shared>>
      %dma_start3A_85 = arith.constant 0 : i32
      %dma_start3A_86 = tpu.memref_slice %arg9[%mul3A_18, %dma_start3A_85] : memref<10240x128xf32, #tpu.memory_space<vmem_shared>> -> memref<128x128xf32, #tpu.memory_space<vmem_shared>>
      tpu.enqueue_dma source(%arg7 : memref<128x128xf32, #tpu.memory_space<vmem>>) target(%dma_start3A_86 : memref<128x128xf32, #tpu.memory_space<vmem_shared>>) target_semaphore(%run_scoped3A : memref<!tpu.dma_semaphore, #tpu.memory_space<semaphore_mem>>)
      %dma_wait3A = arith.constant 0 : i32
      %dma_wait3A_87 = tpu.memref_slice %arg9[%mul3A_18, %dma_wait3A] : memref<10240x128xf32, #tpu.memory_space<vmem_shared>> -> memref<128x128xf32, #tpu.memory_space<vmem_shared>>
      %dma_wait3A_88 = arith.constant 0 : i32
      %dma_wait3A_89 = tpu.memref_slice %arg9[%mul3A_18, %dma_wait3A_88] : memref<10240x128xf32, #tpu.memory_space<vmem_shared>> -> memref<128x128xf32, #tpu.memory_space<vmem_shared>>
      tpu.wait_dma2 semaphore(%run_scoped3A : memref<!tpu.dma_semaphore, #tpu.memory_space<semaphore_mem>>) src(%arg7 : memref<128x128xf32, #tpu.memory_space<vmem>>) dst(%dma_wait3A_89 : memref<128x128xf32, #tpu.memory_space<vmem_shared>>)
      tpu.yield
    }) : () -> ()
    %mul3A_19 = arith.constant 5 : i32
    %mul3A_20 = arith.muli %arg1, %mul3A_19 : i32
    %add3A_21 = arith.constant 2 : i32
    %add3A_22 = arith.addi %mul3A_20, %add3A_21 : i32
    %mul3A_23 = arith.constant 128 : i32
    %mul3A_24 = arith.muli %add3A_22, %mul3A_23 : i32
    "tpu.region"() ({
      %run_scoped3A = tpu.sem_alloc : memref<!tpu.dma_semaphore, #tpu.memory_space<semaphore_mem>>
      %dma_start3A_83 = arith.constant 0 : i32
      %dma_start3A_84 = tpu.memref_slice %arg9[%mul3A_24, %dma_start3A_83] : memref<10240x128xf32, #tpu.memory_space<vmem_shared>> -> memref<128x128xf32, #tpu.memory_space<vmem_shared>>
      %dma_start3A_85 = arith.constant 0 : i32
      %dma_start3A_86 = tpu.memref_slice %arg9[%mul3A_24, %dma_start3A_85] : memref<10240x128xf32, #tpu.memory_space<vmem_shared>> -> memref<128x128xf32, #tpu.memory_space<vmem_shared>>
      tpu.enqueue_dma source(%arg7 : memref<128x128xf32, #tpu.memory_space<vmem>>) target(%dma_start3A_86 : memref<128x128xf32, #tpu.memory_space<vmem_shared>>) target_semaphore(%run_scoped3A : memref<!tpu.dma_semaphore, #tpu.memory_space<semaphore_mem>>)
      %dma_wait3A = arith.constant 0 : i32
      %dma_wait3A_87 = tpu.memref_slice %arg9[%mul3A_24, %dma_wait3A] : memref<10240x128xf32, #tpu.memory_space<vmem_shared>> -> memref<128x128xf32, #tpu.memory_space<vmem_shared>>
      %dma_wait3A_88 = arith.constant 0 : i32
      %dma_wait3A_89 = tpu.memref_slice %arg9[%mul3A_24, %dma_wait3A_88] : memref<10240x128xf32, #tpu.memory_space<vmem_shared>> -> memref<128x128xf32, #tpu.memory_space<vmem_shared>>
      tpu.wait_dma2 semaphore(%run_scoped3A : memref<!tpu.dma_semaphore, #tpu.memory_space<semaphore_mem>>) src(%arg7 : memref<128x128xf32, #tpu.memory_space<vmem>>) dst(%dma_wait3A_89 : memref<128x128xf32, #tpu.memory_space<vmem_shared>>)
      tpu.yield
    }) : () -> ()
    %mul3A_25 = arith.constant 5 : i32
    %mul3A_26 = arith.muli %arg1, %mul3A_25 : i32
    %add3A_27 = arith.constant 3 : i32
    %add3A_28 = arith.addi %mul3A_26, %add3A_27 : i32
    %mul3A_29 = arith.constant 128 : i32
    %mul3A_30 = arith.muli %add3A_28, %mul3A_29 : i32
    "tpu.region"() ({
      %run_scoped3A = tpu.sem_alloc : memref<!tpu.dma_semaphore, #tpu.memory_space<semaphore_mem>>
      %dma_start3A_83 = arith.constant 0 : i32
      %dma_start3A_84 = tpu.memref_slice %arg9[%mul3A_30, %dma_start3A_83] : memref<10240x128xf32, #tpu.memory_space<vmem_shared>> -> memref<128x128xf32, #tpu.memory_space<vmem_shared>>
      %dma_start3A_85 = arith.constant 0 : i32
      %dma_start3A_86 = tpu.memref_slice %arg9[%mul3A_30, %dma_start3A_85] : memref<10240x128xf32, #tpu.memory_space<vmem_shared>> -> memref<128x128xf32, #tpu.memory_space<vmem_shared>>
      tpu.enqueue_dma source(%arg7 : memref<128x128xf32, #tpu.memory_space<vmem>>) target(%dma_start3A_86 : memref<128x128xf32, #tpu.memory_space<vmem_shared>>) target_semaphore(%run_scoped3A : memref<!tpu.dma_semaphore, #tpu.memory_space<semaphore_mem>>)
      %dma_wait3A = arith.constant 0 : i32
      %dma_wait3A_87 = tpu.memref_slice %arg9[%mul3A_30, %dma_wait3A] : memref<10240x128xf32, #tpu.memory_space<vmem_shared>> -> memref<128x128xf32, #tpu.memory_space<vmem_shared>>
      %dma_wait3A_88 = arith.constant 0 : i32
      %dma_wait3A_89 = tpu.memref_slice %arg9[%mul3A_30, %dma_wait3A_88] : memref<10240x128xf32, #tpu.memory_space<vmem_shared>> -> memref<128x128xf32, #tpu.memory_space<vmem_shared>>
      tpu.wait_dma2 semaphore(%run_scoped3A : memref<!tpu.dma_semaphore, #tpu.memory_space<semaphore_mem>>) src(%arg7 : memref<128x128xf32, #tpu.memory_space<vmem>>) dst(%dma_wait3A_89 : memref<128x128xf32, #tpu.memory_space<vmem_shared>>)
      tpu.yield
    }) : () -> ()
    %mul3A_31 = arith.constant 5 : i32
    %mul3A_32 = arith.muli %arg1, %mul3A_31 : i32
    %add3A_33 = arith.constant 4 : i32
    %add3A_34 = arith.addi %mul3A_32, %add3A_33 : i32
    %mul3A_35 = arith.constant 128 : i32
    %mul3A_36 = arith.muli %add3A_34, %mul3A_35 : i32
    "tpu.region"() ({
      %run_scoped3A = tpu.sem_alloc : memref<!tpu.dma_semaphore, #tpu.memory_space<semaphore_mem>>
      %dma_start3A_83 = arith.constant 0 : i32
      %dma_start3A_84 = tpu.memref_slice %arg9[%mul3A_36, %dma_start3A_83] : memref<10240x128xf32, #tpu.memory_space<vmem_shared>> -> memref<128x128xf32, #tpu.memory_space<vmem_shared>>
      %dma_start3A_85 = arith.constant 0 : i32
      %dma_start3A_86 = tpu.memref_slice %arg9[%mul3A_36, %dma_start3A_85] : memref<10240x128xf32, #tpu.memory_space<vmem_shared>> -> memref<128x128xf32, #tpu.memory_space<vmem_shared>>
      tpu.enqueue_dma source(%arg7 : memref<128x128xf32, #tpu.memory_space<vmem>>) target(%dma_start3A_86 : memref<128x128xf32, #tpu.memory_space<vmem_shared>>) target_semaphore(%run_scoped3A : memref<!tpu.dma_semaphore, #tpu.memory_space<semaphore_mem>>)
      %dma_wait3A = arith.constant 0 : i32
      %dma_wait3A_87 = tpu.memref_slice %arg9[%mul3A_36, %dma_wait3A] : memref<10240x128xf32, #tpu.memory_space<vmem_shared>> -> memref<128x128xf32, #tpu.memory_space<vmem_shared>>
      %dma_wait3A_88 = arith.constant 0 : i32
      %dma_wait3A_89 = tpu.memref_slice %arg9[%mul3A_36, %dma_wait3A_88] : memref<10240x128xf32, #tpu.memory_space<vmem_shared>> -> memref<128x128xf32, #tpu.memory_space<vmem_shared>>
      tpu.wait_dma2 semaphore(%run_scoped3A : memref<!tpu.dma_semaphore, #tpu.memory_space<semaphore_mem>>) src(%arg7 : memref<128x128xf32, #tpu.memory_space<vmem>>) dst(%dma_wait3A_89 : memref<128x128xf32, #tpu.memory_space<vmem_shared>>)
      tpu.yield
    }) : () -> ()
    %barrier3A = arith.constant 0 : index
    tpu.barrier barrier_id(%barrier3A)
    %dma_start3A = arith.constant 0 : i32
    %dma_start3A_37 = arith.constant 0 : i32
    %dma_start3A_38 = arith.constant 0 : i32
    %dma_start3A_39 = arith.constant 0 : i32
    %dma_start3A_40 = tpu.memref_slice %arg5[%dma_start3A_37, %dma_start3A_38, %dma_start3A_39] : memref<2x16x128xi32, #tpu.memory_space<vmem>> -> memref<1x16x128xi32, #tpu.memory_space<vmem>>
    %dma_start3A_41 = tpu.memref_squeeze %dma_start3A_40 : memref<1x16x128xi32, #tpu.memory_space<vmem>> -> memref<16x128xi32, #tpu.memory_space<vmem>>
    %dma_start3A_42 = arith.constant 0 : i32
    %dma_start3A_43 = arith.constant 0 : i32
    %dma_start3A_44 = tpu.memref_slice %arg3[%dma_start3A, %add3A, %dma_start3A_42, %dma_start3A_43] : memref<2x32x80x128xi32, #tpu.memory_space<hbm>> -> memref<1x1x16x128xi32, #tpu.memory_space<hbm>>
    %dma_start3A_45 = tpu.memref_squeeze %dma_start3A_44 : memref<1x1x16x128xi32, #tpu.memory_space<hbm>> -> memref<16x128xi32, #tpu.memory_space<hbm>>
    %dma_start3A_46 = arith.constant 0 : i32
    %dma_start3A_47 = arith.constant 0 : i32
    %dma_start3A_48 = tpu.memref_slice %arg5[%dma_start3A_37, %dma_start3A_46, %dma_start3A_47] : memref<2x16x128xi32, #tpu.memory_space<vmem>> -> memref<1x16x128xi32, #tpu.memory_space<vmem>>
    %dma_start3A_49 = tpu.memref_squeeze %dma_start3A_48 : memref<1x16x128xi32, #tpu.memory_space<vmem>> -> memref<16x128xi32, #tpu.memory_space<vmem>>
    %dma_start3A_50 = arith.constant 0 : i32
    %dma_start3A_51 = arith.constant 0 : i32
    %dma_start3A_52 = tpu.memref_slice %arg3[%dma_start3A, %add3A, %dma_start3A_50, %dma_start3A_51] : memref<2x32x80x128xi32, #tpu.memory_space<hbm>> -> memref<1x1x16x128xi32, #tpu.memory_space<hbm>>
    %dma_start3A_53 = tpu.memref_squeeze %dma_start3A_52 : memref<1x1x16x128xi32, #tpu.memory_space<hbm>> -> memref<16x128xi32, #tpu.memory_space<hbm>>
    tpu.enqueue_dma source(%dma_start3A_53 : memref<16x128xi32, #tpu.memory_space<hbm>>) target(%dma_start3A_49 : memref<16x128xi32, #tpu.memory_space<vmem>>) target_semaphore(%arg12 : memref<!tpu.dma_semaphore, #tpu.memory_space<semaphore_mem>>)
    %dma_start3A_54 = arith.constant 1 : i32
    %dma_start3A_55 = arith.constant 0 : i32
    %dma_start3A_56 = arith.constant 0 : i32
    %dma_start3A_57 = arith.constant 0 : i32
    %dma_start3A_58 = tpu.memref_slice %arg6[%dma_start3A_55, %dma_start3A_56, %dma_start3A_57] : memref<2x16x128xi32, #tpu.memory_space<vmem>> -> memref<1x16x128xi32, #tpu.memory_space<vmem>>
    %dma_start3A_59 = tpu.memref_squeeze %dma_start3A_58 : memref<1x16x128xi32, #tpu.memory_space<vmem>> -> memref<16x128xi32, #tpu.memory_space<vmem>>
    %dma_start3A_60 = arith.constant 0 : i32
    %dma_start3A_61 = arith.constant 0 : i32
    %dma_start3A_62 = tpu.memref_slice %arg3[%dma_start3A_54, %add3A, %dma_start3A_60, %dma_start3A_61] : memref<2x32x80x128xi32, #tpu.memory_space<hbm>> -> memref<1x1x16x128xi32, #tpu.memory_space<hbm>>
    %dma_start3A_63 = tpu.memref_squeeze %dma_start3A_62 : memref<1x1x16x128xi32, #tpu.memory_space<hbm>> -> memref<16x128xi32, #tpu.memory_space<hbm>>
    %dma_start3A_64 = arith.constant 0 : i32
    %dma_start3A_65 = arith.constant 0 : i32
    %dma_start3A_66 = tpu.memref_slice %arg6[%dma_start3A_55, %dma_start3A_64, %dma_start3A_65] : memref<2x16x128xi32, #tpu.memory_space<vmem>> -> memref<1x16x128xi32, #tpu.memory_space<vmem>>
    %dma_start3A_67 = tpu.memref_squeeze %dma_start3A_66 : memref<1x16x128xi32, #tpu.memory_space<vmem>> -> memref<16x128xi32, #tpu.memory_space<vmem>>
    %dma_start3A_68 = arith.constant 0 : i32
    %dma_start3A_69 = arith.constant 0 : i32
    %dma_start3A_70 = tpu.memref_slice %arg3[%dma_start3A_54, %add3A, %dma_start3A_68, %dma_start3A_69] : memref<2x32x80x128xi32, #tpu.memory_space<hbm>> -> memref<1x1x16x128xi32, #tpu.memory_space<hbm>>
    %dma_start3A_71 = tpu.memref_squeeze %dma_start3A_70 : memref<1x1x16x128xi32, #tpu.memory_space<hbm>> -> memref<16x128xi32, #tpu.memory_space<hbm>>
    tpu.enqueue_dma source(%dma_start3A_71 : memref<16x128xi32, #tpu.memory_space<hbm>>) target(%dma_start3A_67 : memref<16x128xi32, #tpu.memory_space<vmem>>) target_semaphore(%arg12 : memref<!tpu.dma_semaphore, #tpu.memory_space<semaphore_mem>>)
    %scan3A_72 = arith.constant 0 : i32
    %scan3A_73 = arith.constant 0 : i32
    %scan3A_74 = arith.constant 5 : i32
    %scan3A_75 = arith.addi %scan3A_73, %scan3A_74 : i32
    %scan3A_76 = arith.constant 1 : i32
    scf.for %scan3A_83 = %scan3A_73 to %scan3A_75 step %scan3A_76  : i32 {
      %rem3A = arith.constant 2 : i32
      %rem3A_84 = arith.remsi %scan3A_83, %rem3A : i32
      %dma_wait3A = arith.constant 0 : i32
      %dma_wait3A_85 = arith.constant 0 : i32
      %dma_wait3A_86 = arith.constant 0 : i32
      %dma_wait3A_87 = tpu.memref_slice %arg5[%rem3A_84, %dma_wait3A_85, %dma_wait3A_86] : memref<2x16x128xi32, #tpu.memory_space<vmem>> -> memref<1x16x128xi32, #tpu.memory_space<vmem>>
      %dma_wait3A_88 = tpu.memref_squeeze %dma_wait3A_87 : memref<1x16x128xi32, #tpu.memory_space<vmem>> -> memref<16x128xi32, #tpu.memory_space<vmem>>
      %dma_wait3A_89 = arith.constant 0 : i32
      %dma_wait3A_90 = arith.constant 0 : i32
      %dma_wait3A_91 = tpu.memref_slice %arg3[%dma_wait3A, %add3A, %dma_wait3A_89, %dma_wait3A_90] : memref<2x32x80x128xi32, #tpu.memory_space<hbm>> -> memref<1x1x16x128xi32, #tpu.memory_space<hbm>>
      %dma_wait3A_92 = tpu.memref_squeeze %dma_wait3A_91 : memref<1x1x16x128xi32, #tpu.memory_space<hbm>> -> memref<16x128xi32, #tpu.memory_space<hbm>>
      %dma_wait3A_93 = arith.constant 0 : i32
      %dma_wait3A_94 = arith.constant 0 : i32
      %dma_wait3A_95 = tpu.memref_slice %arg5[%rem3A_84, %dma_wait3A_93, %dma_wait3A_94] : memref<2x16x128xi32, #tpu.memory_space<vmem>> -> memref<1x16x128xi32, #tpu.memory_space<vmem>>
      %dma_wait3A_96 = tpu.memref_squeeze %dma_wait3A_95 : memref<1x16x128xi32, #tpu.memory_space<vmem>> -> memref<16x128xi32, #tpu.memory_space<vmem>>
      %dma_wait3A_97 = arith.constant 0 : i32
      %dma_wait3A_98 = arith.constant 0 : i32
      %dma_wait3A_99 = tpu.memref_slice %arg3[%dma_wait3A, %add3A, %dma_wait3A_97, %dma_wait3A_98] : memref<2x32x80x128xi32, #tpu.memory_space<hbm>> -> memref<1x1x16x128xi32, #tpu.memory_space<hbm>>
      %dma_wait3A_100 = tpu.memref_squeeze %dma_wait3A_99 : memref<1x1x16x128xi32, #tpu.memory_space<hbm>> -> memref<16x128xi32, #tpu.memory_space<hbm>>
      tpu.wait_dma2 semaphore(%arg12 : memref<!tpu.dma_semaphore, #tpu.memory_space<semaphore_mem>>) src(%dma_wait3A_100 : memref<16x128xi32, #tpu.memory_space<hbm>>) dst(%dma_wait3A_96 : memref<16x128xi32, #tpu.memory_space<vmem>>)
      %dma_wait3A_101 = arith.constant 1 : i32
      %dma_wait3A_102 = arith.constant 0 : i32
      %dma_wait3A_103 = arith.constant 0 : i32
      %dma_wait3A_104 = tpu.memref_slice %arg6[%rem3A_84, %dma_wait3A_102, %dma_wait3A_103] : memref<2x16x128xi32, #tpu.memory_space<vmem>> -> memref<1x16x128xi32, #tpu.memory_space<vmem>>
      %dma_wait3A_105 = tpu.memref_squeeze %dma_wait3A_104 : memref<1x16x128xi32, #tpu.memory_space<vmem>> -> memref<16x128xi32, #tpu.memory_space<vmem>>
      %dma_wait3A_106 = arith.constant 0 : i32
      %dma_wait3A_107 = arith.constant 0 : i32
      %dma_wait3A_108 = tpu.memref_slice %arg3[%dma_wait3A_101, %add3A, %dma_wait3A_106, %dma_wait3A_107] : memref<2x32x80x128xi32, #tpu.memory_space<hbm>> -> memref<1x1x16x128xi32, #tpu.memory_space<hbm>>
      %dma_wait3A_109 = tpu.memref_squeeze %dma_wait3A_108 : memref<1x1x16x128xi32, #tpu.memory_space<hbm>> -> memref<16x128xi32, #tpu.memory_space<hbm>>
      %dma_wait3A_110 = arith.constant 0 : i32
      %dma_wait3A_111 = arith.constant 0 : i32
      %dma_wait3A_112 = tpu.memref_slice %arg6[%rem3A_84, %dma_wait3A_110, %dma_wait3A_111] : memref<2x16x128xi32, #tpu.memory_space<vmem>> -> memref<1x16x128xi32, #tpu.memory_space<vmem>>
      %dma_wait3A_113 = tpu.memref_squeeze %dma_wait3A_112 : memref<1x16x128xi32, #tpu.memory_space<vmem>> -> memref<16x128xi32, #tpu.memory_space<vmem>>
      %dma_wait3A_114 = arith.constant 0 : i32
      %dma_wait3A_115 = arith.constant 0 : i32
      %dma_wait3A_116 = tpu.memref_slice %arg3[%dma_wait3A_101, %add3A, %dma_wait3A_114, %dma_wait3A_115] : memref<2x32x80x128xi32, #tpu.memory_space<hbm>> -> memref<1x1x16x128xi32, #tpu.memory_space<hbm>>
      %dma_wait3A_117 = tpu.memref_squeeze %dma_wait3A_116 : memref<1x1x16x128xi32, #tpu.memory_space<hbm>> -> memref<16x128xi32, #tpu.memory_space<hbm>>
      tpu.wait_dma2 semaphore(%arg12 : memref<!tpu.dma_semaphore, #tpu.memory_space<semaphore_mem>>) src(%dma_wait3A_117 : memref<16x128xi32, #tpu.memory_space<hbm>>) dst(%dma_wait3A_113 : memref<16x128xi32, #tpu.memory_space<vmem>>)
      %add3A_118 = arith.constant 1 : i32
      %add3A_119 = arith.addi %scan3A_83, %add3A_118 : i32
      %lt3A = arith.constant 5 : i32
      %lt3A_120 = arith.cmpi slt, %add3A_119, %lt3A : i32
      %convert_element_type3A = arith.extui %lt3A_120 : i1 to i32
      %cond3A = arith.constant 0 : i32
      %cond3A_121 = arith.cmpi ne, %convert_element_type3A, %cond3A : i32
      scf.if %cond3A_121 {
        %add3A_135 = arith.constant 1 : i32
        %add3A_136 = arith.addi %scan3A_83, %add3A_135 : i32
        %rem3A_137 = arith.constant 2 : i32
        %rem3A_138 = arith.remsi %add3A_136, %rem3A_137 : i32
        %add3A_139 = arith.constant 1 : i32
        %add3A_140 = arith.addi %scan3A_83, %add3A_139 : i32
        %mul3A_141 = arith.constant 16 : i32
        %mul3A_142 = arith.muli %add3A_140, %mul3A_141 : i32
        %dma_start3A_143 = arith.constant 0 : i32
        %dma_start3A_144 = arith.constant 0 : i32
        %dma_start3A_145 = arith.constant 0 : i32
        %dma_start3A_146 = tpu.memref_slice %arg5[%rem3A_138, %dma_start3A_144, %dma_start3A_145] : memref<2x16x128xi32, #tpu.memory_space<vmem>> -> memref<1x16x128xi32, #tpu.memory_space<vmem>>
        %dma_start3A_147 = tpu.memref_squeeze %dma_start3A_146 : memref<1x16x128xi32, #tpu.memory_space<vmem>> -> memref<16x128xi32, #tpu.memory_space<vmem>>
        %dma_start3A_148 = arith.constant 0 : i32
        %dma_start3A_149 = tpu.memref_slice %arg3[%dma_start3A_143, %add3A, %mul3A_142, %dma_start3A_148] : memref<2x32x80x128xi32, #tpu.memory_space<hbm>> -> memref<1x1x16x128xi32, #tpu.memory_space<hbm>>
        %dma_start3A_150 = tpu.memref_squeeze %dma_start3A_149 : memref<1x1x16x128xi32, #tpu.memory_space<hbm>> -> memref<16x128xi32, #tpu.memory_space<hbm>>
        %dma_start3A_151 = arith.constant 0 : i32
        %dma_start3A_152 = arith.constant 0 : i32
        %dma_start3A_153 = tpu.memref_slice %arg5[%rem3A_138, %dma_start3A_151, %dma_start3A_152] : memref<2x16x128xi32, #tpu.memory_space<vmem>> -> memref<1x16x128xi32, #tpu.memory_space<vmem>>
        %dma_start3A_154 = tpu.memref_squeeze %dma_start3A_153 : memref<1x16x128xi32, #tpu.memory_space<vmem>> -> memref<16x128xi32, #tpu.memory_space<vmem>>
        %dma_start3A_155 = arith.constant 0 : i32
        %dma_start3A_156 = tpu.memref_slice %arg3[%dma_start3A_143, %add3A, %mul3A_142, %dma_start3A_155] : memref<2x32x80x128xi32, #tpu.memory_space<hbm>> -> memref<1x1x16x128xi32, #tpu.memory_space<hbm>>
        %dma_start3A_157 = tpu.memref_squeeze %dma_start3A_156 : memref<1x1x16x128xi32, #tpu.memory_space<hbm>> -> memref<16x128xi32, #tpu.memory_space<hbm>>
        tpu.enqueue_dma source(%dma_start3A_157 : memref<16x128xi32, #tpu.memory_space<hbm>>) target(%dma_start3A_154 : memref<16x128xi32, #tpu.memory_space<vmem>>) target_semaphore(%arg12 : memref<!tpu.dma_semaphore, #tpu.memory_space<semaphore_mem>>)
        %add3A_158 = arith.constant 1 : i32
        %add3A_159 = arith.addi %scan3A_83, %add3A_158 : i32
        %mul3A_160 = arith.constant 16 : i32
        %mul3A_161 = arith.muli %add3A_159, %mul3A_160 : i32
        %dma_start3A_162 = arith.constant 1 : i32
        %dma_start3A_163 = arith.constant 0 : i32
        %dma_start3A_164 = arith.constant 0 : i32
        %dma_start3A_165 = tpu.memref_slice %arg6[%rem3A_138, %dma_start3A_163, %dma_start3A_164] : memref<2x16x128xi32, #tpu.memory_space<vmem>> -> memref<1x16x128xi32, #tpu.memory_space<vmem>>
        %dma_start3A_166 = tpu.memref_squeeze %dma_start3A_165 : memref<1x16x128xi32, #tpu.memory_space<vmem>> -> memref<16x128xi32, #tpu.memory_space<vmem>>
        %dma_start3A_167 = arith.constant 0 : i32
        %dma_start3A_168 = tpu.memref_slice %arg3[%dma_start3A_162, %add3A, %mul3A_161, %dma_start3A_167] : memref<2x32x80x128xi32, #tpu.memory_space<hbm>> -> memref<1x1x16x128xi32, #tpu.memory_space<hbm>>
        %dma_start3A_169 = tpu.memref_squeeze %dma_start3A_168 : memref<1x1x16x128xi32, #tpu.memory_space<hbm>> -> memref<16x128xi32, #tpu.memory_space<hbm>>
        %dma_start3A_170 = arith.constant 0 : i32
        %dma_start3A_171 = arith.constant 0 : i32
        %dma_start3A_172 = tpu.memref_slice %arg6[%rem3A_138, %dma_start3A_170, %dma_start3A_171] : memref<2x16x128xi32, #tpu.memory_space<vmem>> -> memref<1x16x128xi32, #tpu.memory_space<vmem>>
        %dma_start3A_173 = tpu.memref_squeeze %dma_start3A_172 : memref<1x16x128xi32, #tpu.memory_space<vmem>> -> memref<16x128xi32, #tpu.memory_space<vmem>>
        %dma_start3A_174 = arith.constant 0 : i32
        %dma_start3A_175 = tpu.memref_slice %arg3[%dma_start3A_162, %add3A, %mul3A_161, %dma_start3A_174] : memref<2x32x80x128xi32, #tpu.memory_space<hbm>> -> memref<1x1x16x128xi32, #tpu.memory_space<hbm>>
        %dma_start3A_176 = tpu.memref_squeeze %dma_start3A_175 : memref<1x1x16x128xi32, #tpu.memory_space<hbm>> -> memref<16x128xi32, #tpu.memory_space<hbm>>
        tpu.enqueue_dma source(%dma_start3A_176 : memref<16x128xi32, #tpu.memory_space<hbm>>) target(%dma_start3A_173 : memref<16x128xi32, #tpu.memory_space<vmem>>) target_semaphore(%arg12 : memref<!tpu.dma_semaphore, #tpu.memory_space<semaphore_mem>>)
      } else {
      }
      %dma_start3A_122 = arith.constant 0 : i32
      %dma_start3A_123 = arith.constant 0 : i32
      %dma_start3A_124 = tpu.memref_slice %arg5[%rem3A_84, %dma_start3A_122, %dma_start3A_123] : memref<2x16x128xi32, #tpu.memory_space<vmem>> -> memref<1x1x128xi32, #tpu.memory_space<vmem>>
      %dma_start3A_125 = tpu.memref_squeeze %dma_start3A_124 : memref<1x1x128xi32, #tpu.memory_space<vmem>> -> memref<128xi32, #tpu.memory_space<vmem>>
      %dma_start3A_126 = arith.constant 0 : i32
      %dma_start3A_127 = arith.constant 0 : i32
      %dma_start3A_128 = tpu.memref_slice %arg2[%dma_start3A_126, %dma_start3A_127] : memref<10000x128xf32, #tpu.memory_space<hbm>> -> memref<10000x128xf32, #tpu.memory_space<hbm>>
      tpu.enqueue_indirect_dma source(%dma_start3A_128 : memref<10000x128xf32, #tpu.memory_space<hbm>>) target(%arg7 : memref<128x128xf32, #tpu.memory_space<vmem>>) offsets(%dma_start3A_125 : memref<128xi32, #tpu.memory_space<vmem>>) semaphore(%arg10 : memref<!tpu.dma_semaphore, #tpu.memory_space<semaphore_mem>>)
      %scan3A_129 = arith.constant 0 : i32
      %scan3A_130 = arith.constant 0 : i32
      %scan3A_131 = arith.constant 8 : i32
      %scan3A_132 = arith.addi %scan3A_130, %scan3A_131 : i32
      %scan3A_133 = arith.constant 1 : i32
      scf.for %scan3A_135 = %scan3A_130 to %scan3A_132 step %scan3A_133  : i32 {
        %mul3A_136 = arith.constant 2 : i32
        %mul3A_137 = arith.muli %mul3A_136, %scan3A_135 : i32
        %add3A_138 = arith.constant 1 : i32
        %add3A_139 = arith.addi %mul3A_137, %add3A_138 : i32
        %dma_start3A_140 = arith.constant 0 : i32
        %dma_start3A_141 = tpu.memref_slice %arg5[%rem3A_84, %add3A_139, %dma_start3A_140] : memref<2x16x128xi32, #tpu.memory_space<vmem>> -> memref<1x1x128xi32, #tpu.memory_space<vmem>>
        %dma_start3A_142 = tpu.memref_squeeze %dma_start3A_141 : memref<1x1x128xi32, #tpu.memory_space<vmem>> -> memref<128xi32, #tpu.memory_space<vmem>>
        %dma_start3A_143 = arith.constant 0 : i32
        %dma_start3A_144 = arith.constant 0 : i32
        %dma_start3A_145 = tpu.memref_slice %arg2[%dma_start3A_143, %dma_start3A_144] : memref<10000x128xf32, #tpu.memory_space<hbm>> -> memref<10000x128xf32, #tpu.memory_space<hbm>>
        tpu.enqueue_indirect_dma source(%dma_start3A_145 : memref<10000x128xf32, #tpu.memory_space<hbm>>) target(%arg8 : memref<128x128xf32, #tpu.memory_space<vmem>>) offsets(%dma_start3A_142 : memref<128xi32, #tpu.memory_space<vmem>>) semaphore(%arg11 : memref<!tpu.dma_semaphore, #tpu.memory_space<semaphore_mem>>)
        %dma_wait3A_146 = arith.constant 0 : i32
        %dma_wait3A_147 = tpu.memref_slice %arg5[%rem3A_84, %mul3A_137, %dma_wait3A_146] : memref<2x16x128xi32, #tpu.memory_space<vmem>> -> memref<1x1x128xi32, #tpu.memory_space<vmem>>
        %dma_wait3A_148 = tpu.memref_squeeze %dma_wait3A_147 : memref<1x1x128xi32, #tpu.memory_space<vmem>> -> memref<128xi32, #tpu.memory_space<vmem>>
        %dma_wait3A_149 = arith.constant 0 : i32
        %dma_wait3A_150 = arith.constant 0 : i32
        %dma_wait3A_151 = tpu.memref_slice %arg2[%dma_wait3A_149, %dma_wait3A_150] : memref<10000x128xf32, #tpu.memory_space<hbm>> -> memref<10000x128xf32, #tpu.memory_space<hbm>>
        tpu.wait_indirect_dma semaphore(%arg10 : memref<!tpu.dma_semaphore, #tpu.memory_space<semaphore_mem>>) src(%dma_wait3A_151 : memref<10000x128xf32, #tpu.memory_space<hbm>>) dst(%arg7 : memref<128x128xf32, #tpu.memory_space<vmem>>)
        "tpu.region"() ({
          %run_scoped3A = tpu.sem_alloc : memref<!tpu.dma_semaphore, #tpu.memory_space<semaphore_mem>>
          %dma_start3A_163 = arith.constant 0 : i32
          %dma_start3A_164 = tpu.memref_slice %arg6[%rem3A_84, %mul3A_137, %dma_start3A_163] : memref<2x16x128xi32, #tpu.memory_space<vmem>> -> memref<1x1x128xi32, #tpu.memory_space<vmem>>
          %dma_start3A_165 = tpu.memref_squeeze %dma_start3A_164 : memref<1x1x128xi32, #tpu.memory_space<vmem>> -> memref<128xi32, #tpu.memory_space<vmem>>
          %dma_start3A_166 = arith.constant 0 : i32
          %dma_start3A_167 = arith.constant 0 : i32
          %dma_start3A_168 = tpu.memref_slice %arg9[%dma_start3A_166, %dma_start3A_167] : memref<10240x128xf32, #tpu.memory_space<vmem_shared>> -> memref<10240x128xf32, #tpu.memory_space<vmem_shared>>
          tpu.enqueue_indirect_dma source(%arg7 : memref<128x128xf32, #tpu.memory_space<vmem>>) target(%dma_start3A_168 : memref<10240x128xf32, #tpu.memory_space<vmem_shared>>) offsets(%dma_start3A_165 : memref<128xi32, #tpu.memory_space<vmem>>) semaphore(%run_scoped3A : memref<!tpu.dma_semaphore, #tpu.memory_space<semaphore_mem>>) {add = true}
          %dma_wait3A_169 = arith.constant 0 : i32
          %dma_wait3A_170 = tpu.memref_slice %arg6[%rem3A_84, %mul3A_137, %dma_wait3A_169] : memref<2x16x128xi32, #tpu.memory_space<vmem>> -> memref<1x1x128xi32, #tpu.memory_space<vmem>>
          %dma_wait3A_171 = tpu.memref_squeeze %dma_wait3A_170 : memref<1x1x128xi32, #tpu.memory_space<vmem>> -> memref<128xi32, #tpu.memory_space<vmem>>
          %dma_wait3A_172 = arith.constant 0 : i32
          %dma_wait3A_173 = arith.constant 0 : i32
          %dma_wait3A_174 = tpu.memref_slice %arg9[%dma_wait3A_172, %dma_wait3A_173] : memref<10240x128xf32, #tpu.memory_space<vmem_shared>> -> memref<10240x128xf32, #tpu.memory_space<vmem_shared>>
          tpu.wait_indirect_dma semaphore(%run_scoped3A : memref<!tpu.dma_semaphore, #tpu.memory_space<semaphore_mem>>) src(%arg7 : memref<128x128xf32, #tpu.memory_space<vmem>>) dst(%dma_wait3A_174 : memref<10240x128xf32, #tpu.memory_space<vmem_shared>>)
          tpu.yield
        }) : () -> ()
        %lt3A_152 = arith.constant 7 : i32
        %lt3A_153 = arith.cmpi slt, %scan3A_135, %lt3A_152 : i32
        %convert_element_type3A_154 = arith.extui %lt3A_153 : i1 to i32
        %cond3A_155 = arith.constant 0 : i32
        %cond3A_156 = arith.cmpi ne, %convert_element_type3A_154, %cond3A_155 : i32
        scf.if %cond3A_156 {
          %add3A_163 = arith.constant 2 : i32
          %add3A_164 = arith.addi %mul3A_137, %add3A_163 : i32
          %dma_start3A_165 = arith.constant 0 : i32
          %dma_start3A_166 = tpu.memref_slice %arg5[%rem3A_84, %add3A_164, %dma_start3A_165] : memref<2x16x128xi32, #tpu.memory_space<vmem>> -> memref<1x1x128xi32, #tpu.memory_space<vmem>>
          %dma_start3A_167 = tpu.memref_squeeze %dma_start3A_166 : memref<1x1x128xi32, #tpu.memory_space<vmem>> -> memref<128xi32, #tpu.memory_space<vmem>>
          %dma_start3A_168 = arith.constant 0 : i32
          %dma_start3A_169 = arith.constant 0 : i32
          %dma_start3A_170 = tpu.memref_slice %arg2[%dma_start3A_168, %dma_start3A_169] : memref<10000x128xf32, #tpu.memory_space<hbm>> -> memref<10000x128xf32, #tpu.memory_space<hbm>>
          tpu.enqueue_indirect_dma source(%dma_start3A_170 : memref<10000x128xf32, #tpu.memory_space<hbm>>) target(%arg7 : memref<128x128xf32, #tpu.memory_space<vmem>>) offsets(%dma_start3A_167 : memref<128xi32, #tpu.memory_space<vmem>>) semaphore(%arg10 : memref<!tpu.dma_semaphore, #tpu.memory_space<semaphore_mem>>)
        } else {
        }
        %dma_wait3A_157 = arith.constant 0 : i32
        %dma_wait3A_158 = tpu.memref_slice %arg5[%rem3A_84, %add3A_139, %dma_wait3A_157] : memref<2x16x128xi32, #tpu.memory_space<vmem>> -> memref<1x1x128xi32, #tpu.memory_space<vmem>>
        %dma_wait3A_159 = tpu.memref_squeeze %dma_wait3A_158 : memref<1x1x128xi32, #tpu.memory_space<vmem>> -> memref<128xi32, #tpu.memory_space<vmem>>
        %dma_wait3A_160 = arith.constant 0 : i32
        %dma_wait3A_161 = arith.constant 0 : i32
        %dma_wait3A_162 = tpu.memref_slice %arg2[%dma_wait3A_160, %dma_wait3A_161] : memref<10000x128xf32, #tpu.memory_space<hbm>> -> memref<10000x128xf32, #tpu.memory_space<hbm>>
        tpu.wait_indirect_dma semaphore(%arg11 : memref<!tpu.dma_semaphore, #tpu.memory_space<semaphore_mem>>) src(%dma_wait3A_162 : memref<10000x128xf32, #tpu.memory_space<hbm>>) dst(%arg8 : memref<128x128xf32, #tpu.memory_space<vmem>>)
        "tpu.region"() ({
          %run_scoped3A = tpu.sem_alloc : memref<!tpu.dma_semaphore, #tpu.memory_space<semaphore_mem>>
          %dma_start3A_163 = arith.constant 0 : i32
          %dma_start3A_164 = tpu.memref_slice %arg6[%rem3A_84, %add3A_139, %dma_start3A_163] : memref<2x16x128xi32, #tpu.memory_space<vmem>> -> memref<1x1x128xi32, #tpu.memory_space<vmem>>
          %dma_start3A_165 = tpu.memref_squeeze %dma_start3A_164 : memref<1x1x128xi32, #tpu.memory_space<vmem>> -> memref<128xi32, #tpu.memory_space<vmem>>
          %dma_start3A_166 = arith.constant 0 : i32
          %dma_start3A_167 = arith.constant 0 : i32
          %dma_start3A_168 = tpu.memref_slice %arg9[%dma_start3A_166, %dma_start3A_167] : memref<10240x128xf32, #tpu.memory_space<vmem_shared>> -> memref<10240x128xf32, #tpu.memory_space<vmem_shared>>
          tpu.enqueue_indirect_dma source(%arg8 : memref<128x128xf32, #tpu.memory_space<vmem>>) target(%dma_start3A_168 : memref<10240x128xf32, #tpu.memory_space<vmem_shared>>) offsets(%dma_start3A_165 : memref<128xi32, #tpu.memory_space<vmem>>) semaphore(%run_scoped3A : memref<!tpu.dma_semaphore, #tpu.memory_space<semaphore_mem>>) {add = true}
          %dma_wait3A_169 = arith.constant 0 : i32
          %dma_wait3A_170 = tpu.memref_slice %arg6[%rem3A_84, %add3A_139, %dma_wait3A_169] : memref<2x16x128xi32, #tpu.memory_space<vmem>> -> memref<1x1x128xi32, #tpu.memory_space<vmem>>
          %dma_wait3A_171 = tpu.memref_squeeze %dma_wait3A_170 : memref<1x1x128xi32, #tpu.memory_space<vmem>> -> memref<128xi32, #tpu.memory_space<vmem>>
          %dma_wait3A_172 = arith.constant 0 : i32
          %dma_wait3A_173 = arith.constant 0 : i32
          %dma_wait3A_174 = tpu.memref_slice %arg9[%dma_wait3A_172, %dma_wait3A_173] : memref<10240x128xf32, #tpu.memory_space<vmem_shared>> -> memref<10240x128xf32, #tpu.memory_space<vmem_shared>>
          tpu.wait_indirect_dma semaphore(%run_scoped3A : memref<!tpu.dma_semaphore, #tpu.memory_space<semaphore_mem>>) src(%arg8 : memref<128x128xf32, #tpu.memory_space<vmem>>) dst(%dma_wait3A_174 : memref<10240x128xf32, #tpu.memory_space<vmem_shared>>)
          tpu.yield
        }) : () -> ()
      }
      %scan3A_134 = arith.constant 8 : i32
    }
    %scan3A_77 = arith.constant 5 : i32
    %barrier3A_78 = arith.constant 0 : index
    tpu.barrier barrier_id(%barrier3A_78)
    %mul3A_79 = arith.constant 640 : i32
    %mul3A_80 = arith.muli %arg1, %mul3A_79 : i32
    %mul3A_81 = arith.constant 640 : i32
    %mul3A_82 = arith.muli %arg1, %mul3A_81 : i32
    "tpu.region"() ({
      %run_scoped3A = tpu.sem_alloc : memref<!tpu.dma_semaphore, #tpu.memory_space<semaphore_mem>>
      %dma_start3A_83 = arith.constant 0 : i32
      %dma_start3A_84 = tpu.memref_slice %arg4[%arg0, %mul3A_82, %dma_start3A_83] : memref<2x10240x128xf32, #tpu.memory_space<hbm>> -> memref<1x640x128xf32, #tpu.memory_space<hbm>>
      %dma_start3A_85 = tpu.memref_squeeze %dma_start3A_84 : memref<1x640x128xf32, #tpu.memory_space<hbm>> -> memref<640x128xf32, #tpu.memory_space<hbm>>
      %dma_start3A_86 = arith.constant 0 : i32
      %dma_start3A_87 = tpu.memref_slice %arg9[%mul3A_80, %dma_start3A_86] : memref<10240x128xf32, #tpu.memory_space<vmem_shared>> -> memref<640x128xf32, #tpu.memory_space<vmem_shared>>
      tpu.enqueue_dma source(%dma_start3A_87 : memref<640x128xf32, #tpu.memory_space<vmem_shared>>) target(%dma_start3A_85 : memref<640x128xf32, #tpu.memory_space<hbm>>) target_semaphore(%run_scoped3A : memref<!tpu.dma_semaphore, #tpu.memory_space<semaphore_mem>>)
      %dma_wait3A = arith.constant 0 : i32
      %dma_wait3A_88 = tpu.memref_slice %arg4[%arg0, %mul3A_82, %dma_wait3A] : memref<2x10240x128xf32, #tpu.memory_space<hbm>> -> memref<1x640x128xf32, #tpu.memory_space<hbm>>
      %dma_wait3A_89 = tpu.memref_squeeze %dma_wait3A_88 : memref<1x640x128xf32, #tpu.memory_space<hbm>> -> memref<640x128xf32, #tpu.memory_space<hbm>>
      %dma_wait3A_90 = arith.constant 0 : i32
      %dma_wait3A_91 = tpu.memref_slice %arg9[%mul3A_80, %dma_wait3A_90] : memref<10240x128xf32, #tpu.memory_space<vmem_shared>> -> memref<640x128xf32, #tpu.memory_space<vmem_shared>>
      tpu.wait_dma2 semaphore(%run_scoped3A : memref<!tpu.dma_semaphore, #tpu.memory_space<semaphore_mem>>) src(%dma_wait3A_91 : memref<640x128xf32, #tpu.memory_space<vmem_shared>>) dst(%dma_wait3A_89 : memref<640x128xf32, #tpu.memory_space<hbm>>)
      tpu.yield
    }) : () -> ()
    return
  }
}

#map = affine_map<(d0, d1) -> (0, 0, 0, 0)>
#map1 = affine_map<(d0, d1) -> (0, 0)>
module attributes {stable_mosaic.version = 14 : i64} {
  func.func @_sc_deg_body(%arg0: i32, %arg1: i32, %arg2: memref<2x32x80x128xi32, #tpu.memory_space<hbm>>, %arg3: memref<2x10240xf32, #tpu.memory_space<hbm>>, %arg4: memref<80x128xi32, #tpu.memory_space<vmem>>, %arg5: memref<128xf32, #tpu.memory_space<vmem>>, %arg6: memref<128xf32, #tpu.memory_space<vmem>>, %arg7: memref<10240xf32, #tpu.memory_space<vmem_shared>>, %arg8: memref<!tpu.dma_semaphore, #tpu.memory_space<semaphore_mem>>) attributes {dimension_semantics = [#tpu.dimension_semantics<core_parallel>, #tpu.dimension_semantics<subcore_parallel>], iteration_bounds = array<i64: 2, 16>, scalar_prefetch = 0 : i64, scratch_operands = 5 : i64, tpu.core_type = #tpu.core_type<sc_vector_subcore>, window_params = [{transform_indices = #map}, {transform_indices = #map1}]} {
    %mul3A = arith.constant 16 : i32
    %mul3A_0 = arith.muli %arg0, %mul3A : i32
    %add3A = arith.addi %mul3A_0, %arg1 : i32
    %broadcast_in_dim3A = arith.constant 0.000000e+00 : f32
    %broadcast_in_dim3A_1 = vector.broadcast %broadcast_in_dim3A : f32 to vector<16xf32>
    %broadcast_in_dim3A_2 = arith.constant 1.000000e+00 : f32
    %broadcast_in_dim3A_3 = vector.broadcast %broadcast_in_dim3A_2 : f32 to vector<16xf32>
    %swap3A = arith.constant 0 : index
    %swap3A_4 = tpu.vector_load %arg5[%swap3A] {strides = array<i32>} : memref<128xf32, #tpu.memory_space<vmem>>, vector<16xf32>,
    %swap3A_5 = vector.shape_cast %swap3A_4 : vector<16xf32> to vector<16xf32>
    %swap3A_6 = vector.shape_cast %broadcast_in_dim3A_1 : vector<16xf32> to vector<16xf32>
    tpu.vector_store %arg5[%swap3A], %swap3A_6 {strides = array<i32>} : memref<128xf32, #tpu.memory_space<vmem>>, vector<16xf32>,
    %swap3A_7 = arith.constant 0 : index
    %swap3A_8 = tpu.vector_load %arg6[%swap3A_7] {strides = array<i32>} : memref<128xf32, #tpu.memory_space<vmem>>, vector<16xf32>,
    %swap3A_9 = vector.shape_cast %swap3A_8 : vector<16xf32> to vector<16xf32>
    %swap3A_10 = vector.shape_cast %broadcast_in_dim3A_3 : vector<16xf32> to vector<16xf32>
    tpu.vector_store %arg6[%swap3A_7], %swap3A_10 {strides = array<i32>} : memref<128xf32, #tpu.memory_space<vmem>>, vector<16xf32>,
    %swap3A_11 = arith.constant 16 : index
    %swap3A_12 = tpu.vector_load %arg5[%swap3A_11] {strides = array<i32>} : memref<128xf32, #tpu.memory_space<vmem>>, vector<16xf32>,
    %swap3A_13 = vector.shape_cast %swap3A_12 : vector<16xf32> to vector<16xf32>
    %swap3A_14 = vector.shape_cast %broadcast_in_dim3A_1 : vector<16xf32> to vector<16xf32>
    tpu.vector_store %arg5[%swap3A_11], %swap3A_14 {strides = array<i32>} : memref<128xf32, #tpu.memory_space<vmem>>, vector<16xf32>,
    %swap3A_15 = arith.constant 16 : index
    %swap3A_16 = tpu.vector_load %arg6[%swap3A_15] {strides = array<i32>} : memref<128xf32, #tpu.memory_space<vmem>>, vector<16xf32>,
    %swap3A_17 = vector.shape_cast %swap3A_16 : vector<16xf32> to vector<16xf32>
    %swap3A_18 = vector.shape_cast %broadcast_in_dim3A_3 : vector<16xf32> to vector<16xf32>
    tpu.vector_store %arg6[%swap3A_15], %swap3A_18 {strides = array<i32>} : memref<128xf32, #tpu.memory_space<vmem>>, vector<16xf32>,
    %swap3A_19 = arith.constant 32 : index
    %swap3A_20 = tpu.vector_load %arg5[%swap3A_19] {strides = array<i32>} : memref<128xf32, #tpu.memory_space<vmem>>, vector<16xf32>,
    %swap3A_21 = vector.shape_cast %swap3A_20 : vector<16xf32> to vector<16xf32>
    %swap3A_22 = vector.shape_cast %broadcast_in_dim3A_1 : vector<16xf32> to vector<16xf32>
    tpu.vector_store %arg5[%swap3A_19], %swap3A_22 {strides = array<i32>} : memref<128xf32, #tpu.memory_space<vmem>>, vector<16xf32>,
    %swap3A_23 = arith.constant 32 : index
    %swap3A_24 = tpu.vector_load %arg6[%swap3A_23] {strides = array<i32>} : memref<128xf32, #tpu.memory_space<vmem>>, vector<16xf32>,
    %swap3A_25 = vector.shape_cast %swap3A_24 : vector<16xf32> to vector<16xf32>
    %swap3A_26 = vector.shape_cast %broadcast_in_dim3A_3 : vector<16xf32> to vector<16xf32>
    tpu.vector_store %arg6[%swap3A_23], %swap3A_26 {strides = array<i32>} : memref<128xf32, #tpu.memory_space<vmem>>, vector<16xf32>,
    %swap3A_27 = arith.constant 48 : index
    %swap3A_28 = tpu.vector_load %arg5[%swap3A_27] {strides = array<i32>} : memref<128xf32, #tpu.memory_space<vmem>>, vector<16xf32>,
    %swap3A_29 = vector.shape_cast %swap3A_28 : vector<16xf32> to vector<16xf32>
    %swap3A_30 = vector.shape_cast %broadcast_in_dim3A_1 : vector<16xf32> to vector<16xf32>
    tpu.vector_store %arg5[%swap3A_27], %swap3A_30 {strides = array<i32>} : memref<128xf32, #tpu.memory_space<vmem>>, vector<16xf32>,
    %swap3A_31 = arith.constant 48 : index
    %swap3A_32 = tpu.vector_load %arg6[%swap3A_31] {strides = array<i32>} : memref<128xf32, #tpu.memory_space<vmem>>, vector<16xf32>,
    %swap3A_33 = vector.shape_cast %swap3A_32 : vector<16xf32> to vector<16xf32>
    %swap3A_34 = vector.shape_cast %broadcast_in_dim3A_3 : vector<16xf32> to vector<16xf32>
    tpu.vector_store %arg6[%swap3A_31], %swap3A_34 {strides = array<i32>} : memref<128xf32, #tpu.memory_space<vmem>>, vector<16xf32>,
    %swap3A_35 = arith.constant 64 : index
    %swap3A_36 = tpu.vector_load %arg5[%swap3A_35] {strides = array<i32>} : memref<128xf32, #tpu.memory_space<vmem>>, vector<16xf32>,
    %swap3A_37 = vector.shape_cast %swap3A_36 : vector<16xf32> to vector<16xf32>
    %swap3A_38 = vector.shape_cast %broadcast_in_dim3A_1 : vector<16xf32> to vector<16xf32>
    tpu.vector_store %arg5[%swap3A_35], %swap3A_38 {strides = array<i32>} : memref<128xf32, #tpu.memory_space<vmem>>, vector<16xf32>,
    %swap3A_39 = arith.constant 64 : index
    %swap3A_40 = tpu.vector_load %arg6[%swap3A_39] {strides = array<i32>} : memref<128xf32, #tpu.memory_space<vmem>>, vector<16xf32>,
    %swap3A_41 = vector.shape_cast %swap3A_40 : vector<16xf32> to vector<16xf32>
    %swap3A_42 = vector.shape_cast %broadcast_in_dim3A_3 : vector<16xf32> to vector<16xf32>
    tpu.vector_store %arg6[%swap3A_39], %swap3A_42 {strides = array<i32>} : memref<128xf32, #tpu.memory_space<vmem>>, vector<16xf32>,
    %swap3A_43 = arith.constant 80 : index
    %swap3A_44 = tpu.vector_load %arg5[%swap3A_43] {strides = array<i32>} : memref<128xf32, #tpu.memory_space<vmem>>, vector<16xf32>,
    %swap3A_45 = vector.shape_cast %swap3A_44 : vector<16xf32> to vector<16xf32>
    %swap3A_46 = vector.shape_cast %broadcast_in_dim3A_1 : vector<16xf32> to vector<16xf32>
    tpu.vector_store %arg5[%swap3A_43], %swap3A_46 {strides = array<i32>} : memref<128xf32, #tpu.memory_space<vmem>>, vector<16xf32>,
    %swap3A_47 = arith.constant 80 : index
    %swap3A_48 = tpu.vector_load %arg6[%swap3A_47] {strides = array<i32>} : memref<128xf32, #tpu.memory_space<vmem>>, vector<16xf32>,
    %swap3A_49 = vector.shape_cast %swap3A_48 : vector<16xf32> to vector<16xf32>
    %swap3A_50 = vector.shape_cast %broadcast_in_dim3A_3 : vector<16xf32> to vector<16xf32>
    tpu.vector_store %arg6[%swap3A_47], %swap3A_50 {strides = array<i32>} : memref<128xf32, #tpu.memory_space<vmem>>, vector<16xf32>,
    %swap3A_51 = arith.constant 96 : index
    %swap3A_52 = tpu.vector_load %arg5[%swap3A_51] {strides = array<i32>} : memref<128xf32, #tpu.memory_space<vmem>>, vector<16xf32>,
    %swap3A_53 = vector.shape_cast %swap3A_52 : vector<16xf32> to vector<16xf32>
    %swap3A_54 = vector.shape_cast %broadcast_in_dim3A_1 : vector<16xf32> to vector<16xf32>
    tpu.vector_store %arg5[%swap3A_51], %swap3A_54 {strides = array<i32>} : memref<128xf32, #tpu.memory_space<vmem>>, vector<16xf32>,
    %swap3A_55 = arith.constant 96 : index
    %swap3A_56 = tpu.vector_load %arg6[%swap3A_55] {strides = array<i32>} : memref<128xf32, #tpu.memory_space<vmem>>, vector<16xf32>,
    %swap3A_57 = vector.shape_cast %swap3A_56 : vector<16xf32> to vector<16xf32>
    %swap3A_58 = vector.shape_cast %broadcast_in_dim3A_3 : vector<16xf32> to vector<16xf32>
    tpu.vector_store %arg6[%swap3A_55], %swap3A_58 {strides = array<i32>} : memref<128xf32, #tpu.memory_space<vmem>>, vector<16xf32>,
    %swap3A_59 = arith.constant 112 : index
    %swap3A_60 = tpu.vector_load %arg5[%swap3A_59] {strides = array<i32>} : memref<128xf32, #tpu.memory_space<vmem>>, vector<16xf32>,
    %swap3A_61 = vector.shape_cast %swap3A_60 : vector<16xf32> to vector<16xf32>
    %swap3A_62 = vector.shape_cast %broadcast_in_dim3A_1 : vector<16xf32> to vector<16xf32>
    tpu.vector_store %arg5[%swap3A_59], %swap3A_62 {strides = array<i32>} : memref<128xf32, #tpu.memory_space<vmem>>, vector<16xf32>,
    %swap3A_63 = arith.constant 112 : index
    %swap3A_64 = tpu.vector_load %arg6[%swap3A_63] {strides = array<i32>} : memref<128xf32, #tpu.memory_space<vmem>>, vector<16xf32>,
    %swap3A_65 = vector.shape_cast %swap3A_64 : vector<16xf32> to vector<16xf32>
    %swap3A_66 = vector.shape_cast %broadcast_in_dim3A_3 : vector<16xf32> to vector<16xf32>
    tpu.vector_store %arg6[%swap3A_63], %swap3A_66 {strides = array<i32>} : memref<128xf32, #tpu.memory_space<vmem>>, vector<16xf32>,
    %mul3A_67 = arith.constant 5 : i32
    %mul3A_68 = arith.muli %arg1, %mul3A_67 : i32
    %add3A_69 = arith.constant 0 : i32
    %add3A_70 = arith.addi %mul3A_68, %add3A_69 : i32
    %mul3A_71 = arith.constant 128 : i32
    %mul3A_72 = arith.muli %add3A_70, %mul3A_71 : i32
    "tpu.region"() ({
      %run_scoped3A_113 = tpu.sem_alloc : memref<!tpu.dma_semaphore, #tpu.memory_space<semaphore_mem>>
      %dma_start3A = tpu.memref_slice %arg7[%mul3A_72] : memref<10240xf32, #tpu.memory_space<vmem_shared>> -> memref<128xf32, #tpu.memory_space<vmem_shared>>
      %dma_start3A_114 = tpu.memref_slice %arg7[%mul3A_72] : memref<10240xf32, #tpu.memory_space<vmem_shared>> -> memref<128xf32, #tpu.memory_space<vmem_shared>>
      tpu.enqueue_dma source(%arg5 : memref<128xf32, #tpu.memory_space<vmem>>) target(%dma_start3A_114 : memref<128xf32, #tpu.memory_space<vmem_shared>>) target_semaphore(%run_scoped3A_113 : memref<!tpu.dma_semaphore, #tpu.memory_space<semaphore_mem>>)
      %dma_wait3A = tpu.memref_slice %arg7[%mul3A_72] : memref<10240xf32, #tpu.memory_space<vmem_shared>> -> memref<128xf32, #tpu.memory_space<vmem_shared>>
      %dma_wait3A_115 = tpu.memref_slice %arg7[%mul3A_72] : memref<10240xf32, #tpu.memory_space<vmem_shared>> -> memref<128xf32, #tpu.memory_space<vmem_shared>>
      tpu.wait_dma2 semaphore(%run_scoped3A_113 : memref<!tpu.dma_semaphore, #tpu.memory_space<semaphore_mem>>) src(%arg5 : memref<128xf32, #tpu.memory_space<vmem>>) dst(%dma_wait3A_115 : memref<128xf32, #tpu.memory_space<vmem_shared>>)
      tpu.yield
    }) : () -> ()
    %mul3A_73 = arith.constant 5 : i32
    %mul3A_74 = arith.muli %arg1, %mul3A_73 : i32
    %add3A_75 = arith.constant 1 : i32
    %add3A_76 = arith.addi %mul3A_74, %add3A_75 : i32
    %mul3A_77 = arith.constant 128 : i32
    %mul3A_78 = arith.muli %add3A_76, %mul3A_77 : i32
    "tpu.region"() ({
      %run_scoped3A_113 = tpu.sem_alloc : memref<!tpu.dma_semaphore, #tpu.memory_space<semaphore_mem>>
      %dma_start3A = tpu.memref_slice %arg7[%mul3A_78] : memref<10240xf32, #tpu.memory_space<vmem_shared>> -> memref<128xf32, #tpu.memory_space<vmem_shared>>
      %dma_start3A_114 = tpu.memref_slice %arg7[%mul3A_78] : memref<10240xf32, #tpu.memory_space<vmem_shared>> -> memref<128xf32, #tpu.memory_space<vmem_shared>>
      tpu.enqueue_dma source(%arg5 : memref<128xf32, #tpu.memory_space<vmem>>) target(%dma_start3A_114 : memref<128xf32, #tpu.memory_space<vmem_shared>>) target_semaphore(%run_scoped3A_113 : memref<!tpu.dma_semaphore, #tpu.memory_space<semaphore_mem>>)
      %dma_wait3A = tpu.memref_slice %arg7[%mul3A_78] : memref<10240xf32, #tpu.memory_space<vmem_shared>> -> memref<128xf32, #tpu.memory_space<vmem_shared>>
      %dma_wait3A_115 = tpu.memref_slice %arg7[%mul3A_78] : memref<10240xf32, #tpu.memory_space<vmem_shared>> -> memref<128xf32, #tpu.memory_space<vmem_shared>>
      tpu.wait_dma2 semaphore(%run_scoped3A_113 : memref<!tpu.dma_semaphore, #tpu.memory_space<semaphore_mem>>) src(%arg5 : memref<128xf32, #tpu.memory_space<vmem>>) dst(%dma_wait3A_115 : memref<128xf32, #tpu.memory_space<vmem_shared>>)
      tpu.yield
    }) : () -> ()
    %mul3A_79 = arith.constant 5 : i32
    %mul3A_80 = arith.muli %arg1, %mul3A_79 : i32
    %add3A_81 = arith.constant 2 : i32
    %add3A_82 = arith.addi %mul3A_80, %add3A_81 : i32
    %mul3A_83 = arith.constant 128 : i32
    %mul3A_84 = arith.muli %add3A_82, %mul3A_83 : i32
    "tpu.region"() ({
      %run_scoped3A_113 = tpu.sem_alloc : memref<!tpu.dma_semaphore, #tpu.memory_space<semaphore_mem>>
      %dma_start3A = tpu.memref_slice %arg7[%mul3A_84] : memref<10240xf32, #tpu.memory_space<vmem_shared>> -> memref<128xf32, #tpu.memory_space<vmem_shared>>
      %dma_start3A_114 = tpu.memref_slice %arg7[%mul3A_84] : memref<10240xf32, #tpu.memory_space<vmem_shared>> -> memref<128xf32, #tpu.memory_space<vmem_shared>>
      tpu.enqueue_dma source(%arg5 : memref<128xf32, #tpu.memory_space<vmem>>) target(%dma_start3A_114 : memref<128xf32, #tpu.memory_space<vmem_shared>>) target_semaphore(%run_scoped3A_113 : memref<!tpu.dma_semaphore, #tpu.memory_space<semaphore_mem>>)
      %dma_wait3A = tpu.memref_slice %arg7[%mul3A_84] : memref<10240xf32, #tpu.memory_space<vmem_shared>> -> memref<128xf32, #tpu.memory_space<vmem_shared>>
      %dma_wait3A_115 = tpu.memref_slice %arg7[%mul3A_84] : memref<10240xf32, #tpu.memory_space<vmem_shared>> -> memref<128xf32, #tpu.memory_space<vmem_shared>>
      tpu.wait_dma2 semaphore(%run_scoped3A_113 : memref<!tpu.dma_semaphore, #tpu.memory_space<semaphore_mem>>) src(%arg5 : memref<128xf32, #tpu.memory_space<vmem>>) dst(%dma_wait3A_115 : memref<128xf32, #tpu.memory_space<vmem_shared>>)
      tpu.yield
    }) : () -> ()
    %mul3A_85 = arith.constant 5 : i32
    %mul3A_86 = arith.muli %arg1, %mul3A_85 : i32
    %add3A_87 = arith.constant 3 : i32
    %add3A_88 = arith.addi %mul3A_86, %add3A_87 : i32
    %mul3A_89 = arith.constant 128 : i32
    %mul3A_90 = arith.muli %add3A_88, %mul3A_89 : i32
    "tpu.region"() ({
      %run_scoped3A_113 = tpu.sem_alloc : memref<!tpu.dma_semaphore, #tpu.memory_space<semaphore_mem>>
      %dma_start3A = tpu.memref_slice %arg7[%mul3A_90] : memref<10240xf32, #tpu.memory_space<vmem_shared>> -> memref<128xf32, #tpu.memory_space<vmem_shared>>
      %dma_start3A_114 = tpu.memref_slice %arg7[%mul3A_90] : memref<10240xf32, #tpu.memory_space<vmem_shared>> -> memref<128xf32, #tpu.memory_space<vmem_shared>>
      tpu.enqueue_dma source(%arg5 : memref<128xf32, #tpu.memory_space<vmem>>) target(%dma_start3A_114 : memref<128xf32, #tpu.memory_space<vmem_shared>>) target_semaphore(%run_scoped3A_113 : memref<!tpu.dma_semaphore, #tpu.memory_space<semaphore_mem>>)
      %dma_wait3A = tpu.memref_slice %arg7[%mul3A_90] : memref<10240xf32, #tpu.memory_space<vmem_shared>> -> memref<128xf32, #tpu.memory_space<vmem_shared>>
      %dma_wait3A_115 = tpu.memref_slice %arg7[%mul3A_90] : memref<10240xf32, #tpu.memory_space<vmem_shared>> -> memref<128xf32, #tpu.memory_space<vmem_shared>>
      tpu.wait_dma2 semaphore(%run_scoped3A_113 : memref<!tpu.dma_semaphore, #tpu.memory_space<semaphore_mem>>) src(%arg5 : memref<128xf32, #tpu.memory_space<vmem>>) dst(%dma_wait3A_115 : memref<128xf32, #tpu.memory_space<vmem_shared>>)
      tpu.yield
    }) : () -> ()
    %mul3A_91 = arith.constant 5 : i32
    %mul3A_92 = arith.muli %arg1, %mul3A_91 : i32
    %add3A_93 = arith.constant 4 : i32
    %add3A_94 = arith.addi %mul3A_92, %add3A_93 : i32
    %mul3A_95 = arith.constant 128 : i32
    %mul3A_96 = arith.muli %add3A_94, %mul3A_95 : i32
    "tpu.region"() ({
      %run_scoped3A_113 = tpu.sem_alloc : memref<!tpu.dma_semaphore, #tpu.memory_space<semaphore_mem>>
      %dma_start3A = tpu.memref_slice %arg7[%mul3A_96] : memref<10240xf32, #tpu.memory_space<vmem_shared>> -> memref<128xf32, #tpu.memory_space<vmem_shared>>
      %dma_start3A_114 = tpu.memref_slice %arg7[%mul3A_96] : memref<10240xf32, #tpu.memory_space<vmem_shared>> -> memref<128xf32, #tpu.memory_space<vmem_shared>>
      tpu.enqueue_dma source(%arg5 : memref<128xf32, #tpu.memory_space<vmem>>) target(%dma_start3A_114 : memref<128xf32, #tpu.memory_space<vmem_shared>>) target_semaphore(%run_scoped3A_113 : memref<!tpu.dma_semaphore, #tpu.memory_space<semaphore_mem>>)
      %dma_wait3A = tpu.memref_slice %arg7[%mul3A_96] : memref<10240xf32, #tpu.memory_space<vmem_shared>> -> memref<128xf32, #tpu.memory_space<vmem_shared>>
      %dma_wait3A_115 = tpu.memref_slice %arg7[%mul3A_96] : memref<10240xf32, #tpu.memory_space<vmem_shared>> -> memref<128xf32, #tpu.memory_space<vmem_shared>>
      tpu.wait_dma2 semaphore(%run_scoped3A_113 : memref<!tpu.dma_semaphore, #tpu.memory_space<semaphore_mem>>) src(%arg5 : memref<128xf32, #tpu.memory_space<vmem>>) dst(%dma_wait3A_115 : memref<128xf32, #tpu.memory_space<vmem_shared>>)
      tpu.yield
    }) : () -> ()
    %run_scoped3A = arith.constant 1 : i32
    "tpu.region"() ({
      %run_scoped3A_113 = tpu.sem_alloc : memref<!tpu.dma_semaphore, #tpu.memory_space<semaphore_mem>>
      %dma_start3A = arith.constant 0 : i32
      %dma_start3A_114 = arith.constant 0 : i32
      %dma_start3A_115 = tpu.memref_slice %arg2[%run_scoped3A, %add3A, %dma_start3A, %dma_start3A_114] : memref<2x32x80x128xi32, #tpu.memory_space<hbm>> -> memref<1x1x80x128xi32, #tpu.memory_space<hbm>>
      %dma_start3A_116 = tpu.memref_squeeze %dma_start3A_115 : memref<1x1x80x128xi32, #tpu.memory_space<hbm>> -> memref<80x128xi32, #tpu.memory_space<hbm>>
      %dma_start3A_117 = arith.constant 0 : i32
      %dma_start3A_118 = arith.constant 0 : i32
      %dma_start3A_119 = tpu.memref_slice %arg2[%run_scoped3A, %add3A, %dma_start3A_117, %dma_start3A_118] : memref<2x32x80x128xi32, #tpu.memory_space<hbm>> -> memref<1x1x80x128xi32, #tpu.memory_space<hbm>>
      %dma_start3A_120 = tpu.memref_squeeze %dma_start3A_119 : memref<1x1x80x128xi32, #tpu.memory_space<hbm>> -> memref<80x128xi32, #tpu.memory_space<hbm>>
      tpu.enqueue_dma source(%dma_start3A_120 : memref<80x128xi32, #tpu.memory_space<hbm>>) target(%arg4 : memref<80x128xi32, #tpu.memory_space<vmem>>) target_semaphore(%run_scoped3A_113 : memref<!tpu.dma_semaphore, #tpu.memory_space<semaphore_mem>>)
      %dma_wait3A = arith.constant 0 : i32
      %dma_wait3A_121 = arith.constant 0 : i32
      %dma_wait3A_122 = tpu.memref_slice %arg2[%run_scoped3A, %add3A, %dma_wait3A, %dma_wait3A_121] : memref<2x32x80x128xi32, #tpu.memory_space<hbm>> -> memref<1x1x80x128xi32, #tpu.memory_space<hbm>>
      %dma_wait3A_123 = tpu.memref_squeeze %dma_wait3A_122 : memref<1x1x80x128xi32, #tpu.memory_space<hbm>> -> memref<80x128xi32, #tpu.memory_space<hbm>>
      %dma_wait3A_124 = arith.constant 0 : i32
      %dma_wait3A_125 = arith.constant 0 : i32
      %dma_wait3A_126 = tpu.memref_slice %arg2[%run_scoped3A, %add3A, %dma_wait3A_124, %dma_wait3A_125] : memref<2x32x80x128xi32, #tpu.memory_space<hbm>> -> memref<1x1x80x128xi32, #tpu.memory_space<hbm>>
      %dma_wait3A_127 = tpu.memref_squeeze %dma_wait3A_126 : memref<1x1x80x128xi32, #tpu.memory_space<hbm>> -> memref<80x128xi32, #tpu.memory_space<hbm>>
      tpu.wait_dma2 semaphore(%run_scoped3A_113 : memref<!tpu.dma_semaphore, #tpu.memory_space<semaphore_mem>>) src(%dma_wait3A_127 : memref<80x128xi32, #tpu.memory_space<hbm>>) dst(%arg4 : memref<80x128xi32, #tpu.memory_space<vmem>>)
      tpu.yield
    }) : () -> ()
    %barrier3A = arith.constant 0 : index
    tpu.barrier barrier_id(%barrier3A)
    %scan3A = arith.constant 0 : i32
    %scan3A_97 = arith.constant 0 : i32
    %scan3A_98 = arith.constant 80 : i32
    %scan3A_99 = arith.addi %scan3A_97, %scan3A_98 : i32
    %scan3A_100 = arith.constant 1 : i32
    scf.for %scan3A_113 = %scan3A_97 to %scan3A_99 step %scan3A_100  : i32 {
      %dma_start3A = arith.constant 0 : i32
      %dma_start3A_114 = tpu.memref_slice %arg4[%scan3A_113, %dma_start3A] : memref<80x128xi32, #tpu.memory_space<vmem>> -> memref<1x128xi32, #tpu.memory_space<vmem>>
      %dma_start3A_115 = tpu.memref_squeeze %dma_start3A_114 : memref<1x128xi32, #tpu.memory_space<vmem>> -> memref<128xi32, #tpu.memory_space<vmem>>
      %dma_start3A_116 = arith.constant 0 : i32
      %dma_start3A_117 = tpu.memref_slice %arg7[%dma_start3A_116] : memref<10240xf32, #tpu.memory_space<vmem_shared>> -> memref<10240xf32, #tpu.memory_space<vmem_shared>>
      tpu.enqueue_indirect_dma source(%arg6 : memref<128xf32, #tpu.memory_space<vmem>>) target(%dma_start3A_117 : memref<10240xf32, #tpu.memory_space<vmem_shared>>) offsets(%dma_start3A_115 : memref<128xi32, #tpu.memory_space<vmem>>) semaphore(%arg8 : memref<!tpu.dma_semaphore, #tpu.memory_space<semaphore_mem>>) {add = true}
    }
    %scan3A_101 = arith.constant 80 : i32
    %scan3A_102 = arith.constant 0 : i32
    %scan3A_103 = arith.constant 0 : i32
    %scan3A_104 = arith.constant 80 : i32
    %scan3A_105 = arith.addi %scan3A_103, %scan3A_104 : i32
    %scan3A_106 = arith.constant 1 : i32
    scf.for %scan3A_113 = %scan3A_103 to %scan3A_105 step %scan3A_106  : i32 {
      %dma_wait3A = arith.constant 0 : i32
      %dma_wait3A_114 = tpu.memref_slice %arg4[%scan3A_113, %dma_wait3A] : memref<80x128xi32, #tpu.memory_space<vmem>> -> memref<1x128xi32, #tpu.memory_space<vmem>>
      %dma_wait3A_115 = tpu.memref_squeeze %dma_wait3A_114 : memref<1x128xi32, #tpu.memory_space<vmem>> -> memref<128xi32, #tpu.memory_space<vmem>>
      %dma_wait3A_116 = arith.constant 0 : i32
      %dma_wait3A_117 = tpu.memref_slice %arg7[%dma_wait3A_116] : memref<10240xf32, #tpu.memory_space<vmem_shared>> -> memref<10240xf32, #tpu.memory_space<vmem_shared>>
      tpu.wait_indirect_dma semaphore(%arg8 : memref<!tpu.dma_semaphore, #tpu.memory_space<semaphore_mem>>) src(%arg6 : memref<128xf32, #tpu.memory_space<vmem>>) dst(%dma_wait3A_117 : memref<10240xf32, #tpu.memory_space<vmem_shared>>)
    }
    %scan3A_107 = arith.constant 80 : i32
    %barrier3A_108 = arith.constant 0 : index
    tpu.barrier barrier_id(%barrier3A_108)
    %mul3A_109 = arith.constant 640 : i32
    %mul3A_110 = arith.muli %arg1, %mul3A_109 : i32
    %mul3A_111 = arith.constant 640 : i32
    %mul3A_112 = arith.muli %arg1, %mul3A_111 : i32
    "tpu.region"() ({
      %run_scoped3A_113 = tpu.sem_alloc : memref<!tpu.dma_semaphore, #tpu.memory_space<semaphore_mem>>
      %dma_start3A = tpu.memref_slice %arg3[%arg0, %mul3A_112] : memref<2x10240xf32, #tpu.memory_space<hbm>> -> memref<1x640xf32, #tpu.memory_space<hbm>>
      %dma_start3A_114 = tpu.memref_squeeze %dma_start3A : memref<1x640xf32, #tpu.memory_space<hbm>> -> memref<640xf32, #tpu.memory_space<hbm>>
      %dma_start3A_115 = tpu.memref_slice %arg7[%mul3A_110] : memref<10240xf32, #tpu.memory_space<vmem_shared>> -> memref<640xf32, #tpu.memory_space<vmem_shared>>
      tpu.enqueue_dma source(%dma_start3A_115 : memref<640xf32, #tpu.memory_space<vmem_shared>>) target(%dma_start3A_114 : memref<640xf32, #tpu.memory_space<hbm>>) target_semaphore(%run_scoped3A_113 : memref<!tpu.dma_semaphore, #tpu.memory_space<semaphore_mem>>)
      %dma_wait3A = tpu.memref_slice %arg3[%arg0, %mul3A_112] : memref<2x10240xf32, #tpu.memory_space<hbm>> -> memref<1x640xf32, #tpu.memory_space<hbm>>
      %dma_wait3A_116 = tpu.memref_squeeze %dma_wait3A : memref<1x640xf32, #tpu.memory_space<hbm>> -> memref<640xf32, #tpu.memory_space<hbm>>
      %dma_wait3A_117 = tpu.memref_slice %arg7[%mul3A_110] : memref<10240xf32, #tpu.memory_space<vmem_shared>> -> memref<640xf32, #tpu.memory_space<vmem_shared>>
      tpu.wait_dma2 semaphore(%run_scoped3A_113 : memref<!tpu.dma_semaphore, #tpu.memory_space<semaphore_mem>>) src(%dma_wait3A_117 : memref<640xf32, #tpu.memory_space<vmem_shared>>) dst(%dma_wait3A_116 : memref<640xf32, #tpu.memory_space<hbm>>)
      tpu.yield
    }) : () -> ()
    return
  }
}

#map = affine_map<(d0, d1) -> (0, 0)>
#map1 = affine_map<(d0, d1) -> (0, 0, 0, 0)>
#map2 = affine_map<(d0, d1) -> (0, 0, 0)>
module attributes {stable_mosaic.version = 14 : i64} {
  func.func @_sc_agg_body(%arg0: i32, %arg1: i32, %arg2: memref<10000x128xf32, #tpu.memory_space<hbm>>, %arg3: memref<2x32x80x128xi32, #tpu.memory_space<hbm>>, %arg4: memref<2x10240x128xf32, #tpu.memory_space<hbm>>, %arg5: memref<2x16x128xi32, #tpu.memory_space<vmem>>, %arg6: memref<2x16x128xi32, #tpu.memory_space<vmem>>, %arg7: memref<128x128xf32, #tpu.memory_space<vmem>>, %arg8: memref<128x128xf32, #tpu.memory_space<vmem>>, %arg9: memref<10240x128xf32, #tpu.memory_space<vmem_shared>>, %arg10: memref<!tpu.dma_semaphore, #tpu.memory_space<semaphore_mem>>, %arg11: memref<!tpu.dma_semaphore, #tpu.memory_space<semaphore_mem>>, %arg12: memref<!tpu.dma_semaphore, #tpu.memory_space<semaphore_mem>>) attributes {dimension_semantics = [#tpu.dimension_semantics<core_parallel>, #tpu.dimension_semantics<subcore_parallel>], iteration_bounds = array<i64: 2, 16>, scalar_prefetch = 0 : i64, scratch_operands = 8 : i64, tpu.core_type = #tpu.core_type<sc_vector_subcore>, window_params = [{transform_indices = #map}, {transform_indices = #map1}, {transform_indices = #map2}]} {
    %mul3A = arith.constant 16 : i32
    %mul3A_0 = arith.muli %arg0, %mul3A : i32
    %add3A = arith.addi %mul3A_0, %arg1 : i32
    %broadcast_in_dim3A = arith.constant 0.000000e+00 : f32
    %broadcast_in_dim3A_1 = vector.broadcast %broadcast_in_dim3A : f32 to vector<16xf32>
    %scan3A = arith.constant 0 : i32
    %scan3A_2 = arith.constant 0 : i32
    %scan3A_3 = arith.constant 128 : i32
    %scan3A_4 = arith.addi %scan3A_2, %scan3A_3 : i32
    %scan3A_5 = arith.constant 1 : i32
    scf.for %scan3A_83 = %scan3A_2 to %scan3A_4 step %scan3A_5  : i32 {
      %swap3A = arith.index_cast %scan3A_83 : i32 to index
      %swap3A_84 = arith.constant 0 : index
      %swap3A_85 = tpu.vector_load %arg7[%swap3A, %swap3A_84] {strides = array<i32>} : memref<128x128xf32, #tpu.memory_space<vmem>>, vector<1x16xf32>,
      %swap3A_86 = vector.shape_cast %swap3A_85 : vector<1x16xf32> to vector<16xf32>
      %swap3A_87 = vector.shape_cast %broadcast_in_dim3A_1 : vector<16xf32> to vector<1x16xf32>
      tpu.vector_store %arg7[%swap3A, %swap3A_84], %swap3A_87 {strides = array<i32>} : memref<128x128xf32, #tpu.memory_space<vmem>>, vector<1x16xf32>,
      %swap3A_88 = arith.index_cast %scan3A_83 : i32 to index
      %swap3A_89 = arith.constant 16 : index
      %swap3A_90 = tpu.vector_load %arg7[%swap3A_88, %swap3A_89] {strides = array<i32>} : memref<128x128xf32, #tpu.memory_space<vmem>>, vector<1x16xf32>,
      %swap3A_91 = vector.shape_cast %swap3A_90 : vector<1x16xf32> to vector<16xf32>
      %swap3A_92 = vector.shape_cast %broadcast_in_dim3A_1 : vector<16xf32> to vector<1x16xf32>
      tpu.vector_store %arg7[%swap3A_88, %swap3A_89], %swap3A_92 {strides = array<i32>} : memref<128x128xf32, #tpu.memory_space<vmem>>, vector<1x16xf32>,
      %swap3A_93 = arith.index_cast %scan3A_83 : i32 to index
      %swap3A_94 = arith.constant 32 : index
      %swap3A_95 = tpu.vector_load %arg7[%swap3A_93, %swap3A_94] {strides = array<i32>} : memref<128x128xf32, #tpu.memory_space<vmem>>, vector<1x16xf32>,
      %swap3A_96 = vector.shape_cast %swap3A_95 : vector<1x16xf32> to vector<16xf32>
      %swap3A_97 = vector.shape_cast %broadcast_in_dim3A_1 : vector<16xf32> to vector<1x16xf32>
      tpu.vector_store %arg7[%swap3A_93, %swap3A_94], %swap3A_97 {strides = array<i32>} : memref<128x128xf32, #tpu.memory_space<vmem>>, vector<1x16xf32>,
      %swap3A_98 = arith.index_cast %scan3A_83 : i32 to index
      %swap3A_99 = arith.constant 48 : index
      %swap3A_100 = tpu.vector_load %arg7[%swap3A_98, %swap3A_99] {strides = array<i32>} : memref<128x128xf32, #tpu.memory_space<vmem>>, vector<1x16xf32>,
      %swap3A_101 = vector.shape_cast %swap3A_100 : vector<1x16xf32> to vector<16xf32>
      %swap3A_102 = vector.shape_cast %broadcast_in_dim3A_1 : vector<16xf32> to vector<1x16xf32>
      tpu.vector_store %arg7[%swap3A_98, %swap3A_99], %swap3A_102 {strides = array<i32>} : memref<128x128xf32, #tpu.memory_space<vmem>>, vector<1x16xf32>,
      %swap3A_103 = arith.index_cast %scan3A_83 : i32 to index
      %swap3A_104 = arith.constant 64 : index
      %swap3A_105 = tpu.vector_load %arg7[%swap3A_103, %swap3A_104] {strides = array<i32>} : memref<128x128xf32, #tpu.memory_space<vmem>>, vector<1x16xf32>,
      %swap3A_106 = vector.shape_cast %swap3A_105 : vector<1x16xf32> to vector<16xf32>
      %swap3A_107 = vector.shape_cast %broadcast_in_dim3A_1 : vector<16xf32> to vector<1x16xf32>
      tpu.vector_store %arg7[%swap3A_103, %swap3A_104], %swap3A_107 {strides = array<i32>} : memref<128x128xf32, #tpu.memory_space<vmem>>, vector<1x16xf32>,
      %swap3A_108 = arith.index_cast %scan3A_83 : i32 to index
      %swap3A_109 = arith.constant 80 : index
      %swap3A_110 = tpu.vector_load %arg7[%swap3A_108, %swap3A_109] {strides = array<i32>} : memref<128x128xf32, #tpu.memory_space<vmem>>, vector<1x16xf32>,
      %swap3A_111 = vector.shape_cast %swap3A_110 : vector<1x16xf32> to vector<16xf32>
      %swap3A_112 = vector.shape_cast %broadcast_in_dim3A_1 : vector<16xf32> to vector<1x16xf32>
      tpu.vector_store %arg7[%swap3A_108, %swap3A_109], %swap3A_112 {strides = array<i32>} : memref<128x128xf32, #tpu.memory_space<vmem>>, vector<1x16xf32>,
      %swap3A_113 = arith.index_cast %scan3A_83 : i32 to index
      %swap3A_114 = arith.constant 96 : index
      %swap3A_115 = tpu.vector_load %arg7[%swap3A_113, %swap3A_114] {strides = array<i32>} : memref<128x128xf32, #tpu.memory_space<vmem>>, vector<1x16xf32>,
      %swap3A_116 = vector.shape_cast %swap3A_115 : vector<1x16xf32> to vector<16xf32>
      %swap3A_117 = vector.shape_cast %broadcast_in_dim3A_1 : vector<16xf32> to vector<1x16xf32>
      tpu.vector_store %arg7[%swap3A_113, %swap3A_114], %swap3A_117 {strides = array<i32>} : memref<128x128xf32, #tpu.memory_space<vmem>>, vector<1x16xf32>,
      %swap3A_118 = arith.index_cast %scan3A_83 : i32 to index
      %swap3A_119 = arith.constant 112 : index
      %swap3A_120 = tpu.vector_load %arg7[%swap3A_118, %swap3A_119] {strides = array<i32>} : memref<128x128xf32, #tpu.memory_space<vmem>>, vector<1x16xf32>,
      %swap3A_121 = vector.shape_cast %swap3A_120 : vector<1x16xf32> to vector<16xf32>
      %swap3A_122 = vector.shape_cast %broadcast_in_dim3A_1 : vector<16xf32> to vector<1x16xf32>
      tpu.vector_store %arg7[%swap3A_118, %swap3A_119], %swap3A_122 {strides = array<i32>} : memref<128x128xf32, #tpu.memory_space<vmem>>, vector<1x16xf32>,
    }
    %scan3A_6 = arith.constant 128 : i32
    %mul3A_7 = arith.constant 5 : i32
    %mul3A_8 = arith.muli %arg1, %mul3A_7 : i32
    %add3A_9 = arith.constant 0 : i32
    %add3A_10 = arith.addi %mul3A_8, %add3A_9 : i32
    %mul3A_11 = arith.constant 128 : i32
    %mul3A_12 = arith.muli %add3A_10, %mul3A_11 : i32
    "tpu.region"() ({
      %run_scoped3A = tpu.sem_alloc : memref<!tpu.dma_semaphore, #tpu.memory_space<semaphore_mem>>
      %dma_start3A_83 = arith.constant 0 : i32
      %dma_start3A_84 = tpu.memref_slice %arg9[%mul3A_12, %dma_start3A_83] : memref<10240x128xf32, #tpu.memory_space<vmem_shared>> -> memref<128x128xf32, #tpu.memory_space<vmem_shared>>
      %dma_start3A_85 = arith.constant 0 : i32
      %dma_start3A_86 = tpu.memref_slice %arg9[%mul3A_12, %dma_start3A_85] : memref<10240x128xf32, #tpu.memory_space<vmem_shared>> -> memref<128x128xf32, #tpu.memory_space<vmem_shared>>
      tpu.enqueue_dma source(%arg7 : memref<128x128xf32, #tpu.memory_space<vmem>>) target(%dma_start3A_86 : memref<128x128xf32, #tpu.memory_space<vmem_shared>>) target_semaphore(%run_scoped3A : memref<!tpu.dma_semaphore, #tpu.memory_space<semaphore_mem>>)
      %dma_wait3A = arith.constant 0 : i32
      %dma_wait3A_87 = tpu.memref_slice %arg9[%mul3A_12, %dma_wait3A] : memref<10240x128xf32, #tpu.memory_space<vmem_shared>> -> memref<128x128xf32, #tpu.memory_space<vmem_shared>>
      %dma_wait3A_88 = arith.constant 0 : i32
      %dma_wait3A_89 = tpu.memref_slice %arg9[%mul3A_12, %dma_wait3A_88] : memref<10240x128xf32, #tpu.memory_space<vmem_shared>> -> memref<128x128xf32, #tpu.memory_space<vmem_shared>>
      tpu.wait_dma2 semaphore(%run_scoped3A : memref<!tpu.dma_semaphore, #tpu.memory_space<semaphore_mem>>) src(%arg7 : memref<128x128xf32, #tpu.memory_space<vmem>>) dst(%dma_wait3A_89 : memref<128x128xf32, #tpu.memory_space<vmem_shared>>)
      tpu.yield
    }) : () -> ()
    %mul3A_13 = arith.constant 5 : i32
    %mul3A_14 = arith.muli %arg1, %mul3A_13 : i32
    %add3A_15 = arith.constant 1 : i32
    %add3A_16 = arith.addi %mul3A_14, %add3A_15 : i32
    %mul3A_17 = arith.constant 128 : i32
    %mul3A_18 = arith.muli %add3A_16, %mul3A_17 : i32
    "tpu.region"() ({
      %run_scoped3A = tpu.sem_alloc : memref<!tpu.dma_semaphore, #tpu.memory_space<semaphore_mem>>
      %dma_start3A_83 = arith.constant 0 : i32
      %dma_start3A_84 = tpu.memref_slice %arg9[%mul3A_18, %dma_start3A_83] : memref<10240x128xf32, #tpu.memory_space<vmem_shared>> -> memref<128x128xf32, #tpu.memory_space<vmem_shared>>
      %dma_start3A_85 = arith.constant 0 : i32
      %dma_start3A_86 = tpu.memref_slice %arg9[%mul3A_18, %dma_start3A_85] : memref<10240x128xf32, #tpu.memory_space<vmem_shared>> -> memref<128x128xf32, #tpu.memory_space<vmem_shared>>
      tpu.enqueue_dma source(%arg7 : memref<128x128xf32, #tpu.memory_space<vmem>>) target(%dma_start3A_86 : memref<128x128xf32, #tpu.memory_space<vmem_shared>>) target_semaphore(%run_scoped3A : memref<!tpu.dma_semaphore, #tpu.memory_space<semaphore_mem>>)
      %dma_wait3A = arith.constant 0 : i32
      %dma_wait3A_87 = tpu.memref_slice %arg9[%mul3A_18, %dma_wait3A] : memref<10240x128xf32, #tpu.memory_space<vmem_shared>> -> memref<128x128xf32, #tpu.memory_space<vmem_shared>>
      %dma_wait3A_88 = arith.constant 0 : i32
      %dma_wait3A_89 = tpu.memref_slice %arg9[%mul3A_18, %dma_wait3A_88] : memref<10240x128xf32, #tpu.memory_space<vmem_shared>> -> memref<128x128xf32, #tpu.memory_space<vmem_shared>>
      tpu.wait_dma2 semaphore(%run_scoped3A : memref<!tpu.dma_semaphore, #tpu.memory_space<semaphore_mem>>) src(%arg7 : memref<128x128xf32, #tpu.memory_space<vmem>>) dst(%dma_wait3A_89 : memref<128x128xf32, #tpu.memory_space<vmem_shared>>)
      tpu.yield
    }) : () -> ()
    %mul3A_19 = arith.constant 5 : i32
    %mul3A_20 = arith.muli %arg1, %mul3A_19 : i32
    %add3A_21 = arith.constant 2 : i32
    %add3A_22 = arith.addi %mul3A_20, %add3A_21 : i32
    %mul3A_23 = arith.constant 128 : i32
    %mul3A_24 = arith.muli %add3A_22, %mul3A_23 : i32
    "tpu.region"() ({
      %run_scoped3A = tpu.sem_alloc : memref<!tpu.dma_semaphore, #tpu.memory_space<semaphore_mem>>
      %dma_start3A_83 = arith.constant 0 : i32
      %dma_start3A_84 = tpu.memref_slice %arg9[%mul3A_24, %dma_start3A_83] : memref<10240x128xf32, #tpu.memory_space<vmem_shared>> -> memref<128x128xf32, #tpu.memory_space<vmem_shared>>
      %dma_start3A_85 = arith.constant 0 : i32
      %dma_start3A_86 = tpu.memref_slice %arg9[%mul3A_24, %dma_start3A_85] : memref<10240x128xf32, #tpu.memory_space<vmem_shared>> -> memref<128x128xf32, #tpu.memory_space<vmem_shared>>
      tpu.enqueue_dma source(%arg7 : memref<128x128xf32, #tpu.memory_space<vmem>>) target(%dma_start3A_86 : memref<128x128xf32, #tpu.memory_space<vmem_shared>>) target_semaphore(%run_scoped3A : memref<!tpu.dma_semaphore, #tpu.memory_space<semaphore_mem>>)
      %dma_wait3A = arith.constant 0 : i32
      %dma_wait3A_87 = tpu.memref_slice %arg9[%mul3A_24, %dma_wait3A] : memref<10240x128xf32, #tpu.memory_space<vmem_shared>> -> memref<128x128xf32, #tpu.memory_space<vmem_shared>>
      %dma_wait3A_88 = arith.constant 0 : i32
      %dma_wait3A_89 = tpu.memref_slice %arg9[%mul3A_24, %dma_wait3A_88] : memref<10240x128xf32, #tpu.memory_space<vmem_shared>> -> memref<128x128xf32, #tpu.memory_space<vmem_shared>>
      tpu.wait_dma2 semaphore(%run_scoped3A : memref<!tpu.dma_semaphore, #tpu.memory_space<semaphore_mem>>) src(%arg7 : memref<128x128xf32, #tpu.memory_space<vmem>>) dst(%dma_wait3A_89 : memref<128x128xf32, #tpu.memory_space<vmem_shared>>)
      tpu.yield
    }) : () -> ()
    %mul3A_25 = arith.constant 5 : i32
    %mul3A_26 = arith.muli %arg1, %mul3A_25 : i32
    %add3A_27 = arith.constant 3 : i32
    %add3A_28 = arith.addi %mul3A_26, %add3A_27 : i32
    %mul3A_29 = arith.constant 128 : i32
    %mul3A_30 = arith.muli %add3A_28, %mul3A_29 : i32
    "tpu.region"() ({
      %run_scoped3A = tpu.sem_alloc : memref<!tpu.dma_semaphore, #tpu.memory_space<semaphore_mem>>
      %dma_start3A_83 = arith.constant 0 : i32
      %dma_start3A_84 = tpu.memref_slice %arg9[%mul3A_30, %dma_start3A_83] : memref<10240x128xf32, #tpu.memory_space<vmem_shared>> -> memref<128x128xf32, #tpu.memory_space<vmem_shared>>
      %dma_start3A_85 = arith.constant 0 : i32
      %dma_start3A_86 = tpu.memref_slice %arg9[%mul3A_30, %dma_start3A_85] : memref<10240x128xf32, #tpu.memory_space<vmem_shared>> -> memref<128x128xf32, #tpu.memory_space<vmem_shared>>
      tpu.enqueue_dma source(%arg7 : memref<128x128xf32, #tpu.memory_space<vmem>>) target(%dma_start3A_86 : memref<128x128xf32, #tpu.memory_space<vmem_shared>>) target_semaphore(%run_scoped3A : memref<!tpu.dma_semaphore, #tpu.memory_space<semaphore_mem>>)
      %dma_wait3A = arith.constant 0 : i32
      %dma_wait3A_87 = tpu.memref_slice %arg9[%mul3A_30, %dma_wait3A] : memref<10240x128xf32, #tpu.memory_space<vmem_shared>> -> memref<128x128xf32, #tpu.memory_space<vmem_shared>>
      %dma_wait3A_88 = arith.constant 0 : i32
      %dma_wait3A_89 = tpu.memref_slice %arg9[%mul3A_30, %dma_wait3A_88] : memref<10240x128xf32, #tpu.memory_space<vmem_shared>> -> memref<128x128xf32, #tpu.memory_space<vmem_shared>>
      tpu.wait_dma2 semaphore(%run_scoped3A : memref<!tpu.dma_semaphore, #tpu.memory_space<semaphore_mem>>) src(%arg7 : memref<128x128xf32, #tpu.memory_space<vmem>>) dst(%dma_wait3A_89 : memref<128x128xf32, #tpu.memory_space<vmem_shared>>)
      tpu.yield
    }) : () -> ()
    %mul3A_31 = arith.constant 5 : i32
    %mul3A_32 = arith.muli %arg1, %mul3A_31 : i32
    %add3A_33 = arith.constant 4 : i32
    %add3A_34 = arith.addi %mul3A_32, %add3A_33 : i32
    %mul3A_35 = arith.constant 128 : i32
    %mul3A_36 = arith.muli %add3A_34, %mul3A_35 : i32
    "tpu.region"() ({
      %run_scoped3A = tpu.sem_alloc : memref<!tpu.dma_semaphore, #tpu.memory_space<semaphore_mem>>
      %dma_start3A_83 = arith.constant 0 : i32
      %dma_start3A_84 = tpu.memref_slice %arg9[%mul3A_36, %dma_start3A_83] : memref<10240x128xf32, #tpu.memory_space<vmem_shared>> -> memref<128x128xf32, #tpu.memory_space<vmem_shared>>
      %dma_start3A_85 = arith.constant 0 : i32
      %dma_start3A_86 = tpu.memref_slice %arg9[%mul3A_36, %dma_start3A_85] : memref<10240x128xf32, #tpu.memory_space<vmem_shared>> -> memref<128x128xf32, #tpu.memory_space<vmem_shared>>
      tpu.enqueue_dma source(%arg7 : memref<128x128xf32, #tpu.memory_space<vmem>>) target(%dma_start3A_86 : memref<128x128xf32, #tpu.memory_space<vmem_shared>>) target_semaphore(%run_scoped3A : memref<!tpu.dma_semaphore, #tpu.memory_space<semaphore_mem>>)
      %dma_wait3A = arith.constant 0 : i32
      %dma_wait3A_87 = tpu.memref_slice %arg9[%mul3A_36, %dma_wait3A] : memref<10240x128xf32, #tpu.memory_space<vmem_shared>> -> memref<128x128xf32, #tpu.memory_space<vmem_shared>>
      %dma_wait3A_88 = arith.constant 0 : i32
      %dma_wait3A_89 = tpu.memref_slice %arg9[%mul3A_36, %dma_wait3A_88] : memref<10240x128xf32, #tpu.memory_space<vmem_shared>> -> memref<128x128xf32, #tpu.memory_space<vmem_shared>>
      tpu.wait_dma2 semaphore(%run_scoped3A : memref<!tpu.dma_semaphore, #tpu.memory_space<semaphore_mem>>) src(%arg7 : memref<128x128xf32, #tpu.memory_space<vmem>>) dst(%dma_wait3A_89 : memref<128x128xf32, #tpu.memory_space<vmem_shared>>)
      tpu.yield
    }) : () -> ()
    %barrier3A = arith.constant 0 : index
    tpu.barrier barrier_id(%barrier3A)
    %dma_start3A = arith.constant 0 : i32
    %dma_start3A_37 = arith.constant 0 : i32
    %dma_start3A_38 = arith.constant 0 : i32
    %dma_start3A_39 = arith.constant 0 : i32
    %dma_start3A_40 = tpu.memref_slice %arg5[%dma_start3A_37, %dma_start3A_38, %dma_start3A_39] : memref<2x16x128xi32, #tpu.memory_space<vmem>> -> memref<1x16x128xi32, #tpu.memory_space<vmem>>
    %dma_start3A_41 = tpu.memref_squeeze %dma_start3A_40 : memref<1x16x128xi32, #tpu.memory_space<vmem>> -> memref<16x128xi32, #tpu.memory_space<vmem>>
    %dma_start3A_42 = arith.constant 0 : i32
    %dma_start3A_43 = arith.constant 0 : i32
    %dma_start3A_44 = tpu.memref_slice %arg3[%dma_start3A, %add3A, %dma_start3A_42, %dma_start3A_43] : memref<2x32x80x128xi32, #tpu.memory_space<hbm>> -> memref<1x1x16x128xi32, #tpu.memory_space<hbm>>
    %dma_start3A_45 = tpu.memref_squeeze %dma_start3A_44 : memref<1x1x16x128xi32, #tpu.memory_space<hbm>> -> memref<16x128xi32, #tpu.memory_space<hbm>>
    %dma_start3A_46 = arith.constant 0 : i32
    %dma_start3A_47 = arith.constant 0 : i32
    %dma_start3A_48 = tpu.memref_slice %arg5[%dma_start3A_37, %dma_start3A_46, %dma_start3A_47] : memref<2x16x128xi32, #tpu.memory_space<vmem>> -> memref<1x16x128xi32, #tpu.memory_space<vmem>>
    %dma_start3A_49 = tpu.memref_squeeze %dma_start3A_48 : memref<1x16x128xi32, #tpu.memory_space<vmem>> -> memref<16x128xi32, #tpu.memory_space<vmem>>
    %dma_start3A_50 = arith.constant 0 : i32
    %dma_start3A_51 = arith.constant 0 : i32
    %dma_start3A_52 = tpu.memref_slice %arg3[%dma_start3A, %add3A, %dma_start3A_50, %dma_start3A_51] : memref<2x32x80x128xi32, #tpu.memory_space<hbm>> -> memref<1x1x16x128xi32, #tpu.memory_space<hbm>>
    %dma_start3A_53 = tpu.memref_squeeze %dma_start3A_52 : memref<1x1x16x128xi32, #tpu.memory_space<hbm>> -> memref<16x128xi32, #tpu.memory_space<hbm>>
    tpu.enqueue_dma source(%dma_start3A_53 : memref<16x128xi32, #tpu.memory_space<hbm>>) target(%dma_start3A_49 : memref<16x128xi32, #tpu.memory_space<vmem>>) target_semaphore(%arg12 : memref<!tpu.dma_semaphore, #tpu.memory_space<semaphore_mem>>)
    %dma_start3A_54 = arith.constant 1 : i32
    %dma_start3A_55 = arith.constant 0 : i32
    %dma_start3A_56 = arith.constant 0 : i32
    %dma_start3A_57 = arith.constant 0 : i32
    %dma_start3A_58 = tpu.memref_slice %arg6[%dma_start3A_55, %dma_start3A_56, %dma_start3A_57] : memref<2x16x128xi32, #tpu.memory_space<vmem>> -> memref<1x16x128xi32, #tpu.memory_space<vmem>>
    %dma_start3A_59 = tpu.memref_squeeze %dma_start3A_58 : memref<1x16x128xi32, #tpu.memory_space<vmem>> -> memref<16x128xi32, #tpu.memory_space<vmem>>
    %dma_start3A_60 = arith.constant 0 : i32
    %dma_start3A_61 = arith.constant 0 : i32
    %dma_start3A_62 = tpu.memref_slice %arg3[%dma_start3A_54, %add3A, %dma_start3A_60, %dma_start3A_61] : memref<2x32x80x128xi32, #tpu.memory_space<hbm>> -> memref<1x1x16x128xi32, #tpu.memory_space<hbm>>
    %dma_start3A_63 = tpu.memref_squeeze %dma_start3A_62 : memref<1x1x16x128xi32, #tpu.memory_space<hbm>> -> memref<16x128xi32, #tpu.memory_space<hbm>>
    %dma_start3A_64 = arith.constant 0 : i32
    %dma_start3A_65 = arith.constant 0 : i32
    %dma_start3A_66 = tpu.memref_slice %arg6[%dma_start3A_55, %dma_start3A_64, %dma_start3A_65] : memref<2x16x128xi32, #tpu.memory_space<vmem>> -> memref<1x16x128xi32, #tpu.memory_space<vmem>>
    %dma_start3A_67 = tpu.memref_squeeze %dma_start3A_66 : memref<1x16x128xi32, #tpu.memory_space<vmem>> -> memref<16x128xi32, #tpu.memory_space<vmem>>
    %dma_start3A_68 = arith.constant 0 : i32
    %dma_start3A_69 = arith.constant 0 : i32
    %dma_start3A_70 = tpu.memref_slice %arg3[%dma_start3A_54, %add3A, %dma_start3A_68, %dma_start3A_69] : memref<2x32x80x128xi32, #tpu.memory_space<hbm>> -> memref<1x1x16x128xi32, #tpu.memory_space<hbm>>
    %dma_start3A_71 = tpu.memref_squeeze %dma_start3A_70 : memref<1x1x16x128xi32, #tpu.memory_space<hbm>> -> memref<16x128xi32, #tpu.memory_space<hbm>>
    tpu.enqueue_dma source(%dma_start3A_71 : memref<16x128xi32, #tpu.memory_space<hbm>>) target(%dma_start3A_67 : memref<16x128xi32, #tpu.memory_space<vmem>>) target_semaphore(%arg12 : memref<!tpu.dma_semaphore, #tpu.memory_space<semaphore_mem>>)
    %scan3A_72 = arith.constant 0 : i32
    %scan3A_73 = arith.constant 0 : i32
    %scan3A_74 = arith.constant 5 : i32
    %scan3A_75 = arith.addi %scan3A_73, %scan3A_74 : i32
    %scan3A_76 = arith.constant 1 : i32
    scf.for %scan3A_83 = %scan3A_73 to %scan3A_75 step %scan3A_76  : i32 {
      %rem3A = arith.constant 2 : i32
      %rem3A_84 = arith.remsi %scan3A_83, %rem3A : i32
      %dma_wait3A = arith.constant 0 : i32
      %dma_wait3A_85 = arith.constant 0 : i32
      %dma_wait3A_86 = arith.constant 0 : i32
      %dma_wait3A_87 = tpu.memref_slice %arg5[%rem3A_84, %dma_wait3A_85, %dma_wait3A_86] : memref<2x16x128xi32, #tpu.memory_space<vmem>> -> memref<1x16x128xi32, #tpu.memory_space<vmem>>
      %dma_wait3A_88 = tpu.memref_squeeze %dma_wait3A_87 : memref<1x16x128xi32, #tpu.memory_space<vmem>> -> memref<16x128xi32, #tpu.memory_space<vmem>>
      %dma_wait3A_89 = arith.constant 0 : i32
      %dma_wait3A_90 = arith.constant 0 : i32
      %dma_wait3A_91 = tpu.memref_slice %arg3[%dma_wait3A, %add3A, %dma_wait3A_89, %dma_wait3A_90] : memref<2x32x80x128xi32, #tpu.memory_space<hbm>> -> memref<1x1x16x128xi32, #tpu.memory_space<hbm>>
      %dma_wait3A_92 = tpu.memref_squeeze %dma_wait3A_91 : memref<1x1x16x128xi32, #tpu.memory_space<hbm>> -> memref<16x128xi32, #tpu.memory_space<hbm>>
      %dma_wait3A_93 = arith.constant 0 : i32
      %dma_wait3A_94 = arith.constant 0 : i32
      %dma_wait3A_95 = tpu.memref_slice %arg5[%rem3A_84, %dma_wait3A_93, %dma_wait3A_94] : memref<2x16x128xi32, #tpu.memory_space<vmem>> -> memref<1x16x128xi32, #tpu.memory_space<vmem>>
      %dma_wait3A_96 = tpu.memref_squeeze %dma_wait3A_95 : memref<1x16x128xi32, #tpu.memory_space<vmem>> -> memref<16x128xi32, #tpu.memory_space<vmem>>
      %dma_wait3A_97 = arith.constant 0 : i32
      %dma_wait3A_98 = arith.constant 0 : i32
      %dma_wait3A_99 = tpu.memref_slice %arg3[%dma_wait3A, %add3A, %dma_wait3A_97, %dma_wait3A_98] : memref<2x32x80x128xi32, #tpu.memory_space<hbm>> -> memref<1x1x16x128xi32, #tpu.memory_space<hbm>>
      %dma_wait3A_100 = tpu.memref_squeeze %dma_wait3A_99 : memref<1x1x16x128xi32, #tpu.memory_space<hbm>> -> memref<16x128xi32, #tpu.memory_space<hbm>>
      tpu.wait_dma2 semaphore(%arg12 : memref<!tpu.dma_semaphore, #tpu.memory_space<semaphore_mem>>) src(%dma_wait3A_100 : memref<16x128xi32, #tpu.memory_space<hbm>>) dst(%dma_wait3A_96 : memref<16x128xi32, #tpu.memory_space<vmem>>)
      %dma_wait3A_101 = arith.constant 1 : i32
      %dma_wait3A_102 = arith.constant 0 : i32
      %dma_wait3A_103 = arith.constant 0 : i32
      %dma_wait3A_104 = tpu.memref_slice %arg6[%rem3A_84, %dma_wait3A_102, %dma_wait3A_103] : memref<2x16x128xi32, #tpu.memory_space<vmem>> -> memref<1x16x128xi32, #tpu.memory_space<vmem>>
      %dma_wait3A_105 = tpu.memref_squeeze %dma_wait3A_104 : memref<1x16x128xi32, #tpu.memory_space<vmem>> -> memref<16x128xi32, #tpu.memory_space<vmem>>
      %dma_wait3A_106 = arith.constant 0 : i32
      %dma_wait3A_107 = arith.constant 0 : i32
      %dma_wait3A_108 = tpu.memref_slice %arg3[%dma_wait3A_101, %add3A, %dma_wait3A_106, %dma_wait3A_107] : memref<2x32x80x128xi32, #tpu.memory_space<hbm>> -> memref<1x1x16x128xi32, #tpu.memory_space<hbm>>
      %dma_wait3A_109 = tpu.memref_squeeze %dma_wait3A_108 : memref<1x1x16x128xi32, #tpu.memory_space<hbm>> -> memref<16x128xi32, #tpu.memory_space<hbm>>
      %dma_wait3A_110 = arith.constant 0 : i32
      %dma_wait3A_111 = arith.constant 0 : i32
      %dma_wait3A_112 = tpu.memref_slice %arg6[%rem3A_84, %dma_wait3A_110, %dma_wait3A_111] : memref<2x16x128xi32, #tpu.memory_space<vmem>> -> memref<1x16x128xi32, #tpu.memory_space<vmem>>
      %dma_wait3A_113 = tpu.memref_squeeze %dma_wait3A_112 : memref<1x16x128xi32, #tpu.memory_space<vmem>> -> memref<16x128xi32, #tpu.memory_space<vmem>>
      %dma_wait3A_114 = arith.constant 0 : i32
      %dma_wait3A_115 = arith.constant 0 : i32
      %dma_wait3A_116 = tpu.memref_slice %arg3[%dma_wait3A_101, %add3A, %dma_wait3A_114, %dma_wait3A_115] : memref<2x32x80x128xi32, #tpu.memory_space<hbm>> -> memref<1x1x16x128xi32, #tpu.memory_space<hbm>>
      %dma_wait3A_117 = tpu.memref_squeeze %dma_wait3A_116 : memref<1x1x16x128xi32, #tpu.memory_space<hbm>> -> memref<16x128xi32, #tpu.memory_space<hbm>>
      tpu.wait_dma2 semaphore(%arg12 : memref<!tpu.dma_semaphore, #tpu.memory_space<semaphore_mem>>) src(%dma_wait3A_117 : memref<16x128xi32, #tpu.memory_space<hbm>>) dst(%dma_wait3A_113 : memref<16x128xi32, #tpu.memory_space<vmem>>)
      %add3A_118 = arith.constant 1 : i32
      %add3A_119 = arith.addi %scan3A_83, %add3A_118 : i32
      %lt3A = arith.constant 5 : i32
      %lt3A_120 = arith.cmpi slt, %add3A_119, %lt3A : i32
      %convert_element_type3A = arith.extui %lt3A_120 : i1 to i32
      %cond3A = arith.constant 0 : i32
      %cond3A_121 = arith.cmpi ne, %convert_element_type3A, %cond3A : i32
      scf.if %cond3A_121 {
        %add3A_135 = arith.constant 1 : i32
        %add3A_136 = arith.addi %scan3A_83, %add3A_135 : i32
        %rem3A_137 = arith.constant 2 : i32
        %rem3A_138 = arith.remsi %add3A_136, %rem3A_137 : i32
        %add3A_139 = arith.constant 1 : i32
        %add3A_140 = arith.addi %scan3A_83, %add3A_139 : i32
        %mul3A_141 = arith.constant 16 : i32
        %mul3A_142 = arith.muli %add3A_140, %mul3A_141 : i32
        %dma_start3A_143 = arith.constant 0 : i32
        %dma_start3A_144 = arith.constant 0 : i32
        %dma_start3A_145 = arith.constant 0 : i32
        %dma_start3A_146 = tpu.memref_slice %arg5[%rem3A_138, %dma_start3A_144, %dma_start3A_145] : memref<2x16x128xi32, #tpu.memory_space<vmem>> -> memref<1x16x128xi32, #tpu.memory_space<vmem>>
        %dma_start3A_147 = tpu.memref_squeeze %dma_start3A_146 : memref<1x16x128xi32, #tpu.memory_space<vmem>> -> memref<16x128xi32, #tpu.memory_space<vmem>>
        %dma_start3A_148 = arith.constant 0 : i32
        %dma_start3A_149 = tpu.memref_slice %arg3[%dma_start3A_143, %add3A, %mul3A_142, %dma_start3A_148] : memref<2x32x80x128xi32, #tpu.memory_space<hbm>> -> memref<1x1x16x128xi32, #tpu.memory_space<hbm>>
        %dma_start3A_150 = tpu.memref_squeeze %dma_start3A_149 : memref<1x1x16x128xi32, #tpu.memory_space<hbm>> -> memref<16x128xi32, #tpu.memory_space<hbm>>
        %dma_start3A_151 = arith.constant 0 : i32
        %dma_start3A_152 = arith.constant 0 : i32
        %dma_start3A_153 = tpu.memref_slice %arg5[%rem3A_138, %dma_start3A_151, %dma_start3A_152] : memref<2x16x128xi32, #tpu.memory_space<vmem>> -> memref<1x16x128xi32, #tpu.memory_space<vmem>>
        %dma_start3A_154 = tpu.memref_squeeze %dma_start3A_153 : memref<1x16x128xi32, #tpu.memory_space<vmem>> -> memref<16x128xi32, #tpu.memory_space<vmem>>
        %dma_start3A_155 = arith.constant 0 : i32
        %dma_start3A_156 = tpu.memref_slice %arg3[%dma_start3A_143, %add3A, %mul3A_142, %dma_start3A_155] : memref<2x32x80x128xi32, #tpu.memory_space<hbm>> -> memref<1x1x16x128xi32, #tpu.memory_space<hbm>>
        %dma_start3A_157 = tpu.memref_squeeze %dma_start3A_156 : memref<1x1x16x128xi32, #tpu.memory_space<hbm>> -> memref<16x128xi32, #tpu.memory_space<hbm>>
        tpu.enqueue_dma source(%dma_start3A_157 : memref<16x128xi32, #tpu.memory_space<hbm>>) target(%dma_start3A_154 : memref<16x128xi32, #tpu.memory_space<vmem>>) target_semaphore(%arg12 : memref<!tpu.dma_semaphore, #tpu.memory_space<semaphore_mem>>)
        %add3A_158 = arith.constant 1 : i32
        %add3A_159 = arith.addi %scan3A_83, %add3A_158 : i32
        %mul3A_160 = arith.constant 16 : i32
        %mul3A_161 = arith.muli %add3A_159, %mul3A_160 : i32
        %dma_start3A_162 = arith.constant 1 : i32
        %dma_start3A_163 = arith.constant 0 : i32
        %dma_start3A_164 = arith.constant 0 : i32
        %dma_start3A_165 = tpu.memref_slice %arg6[%rem3A_138, %dma_start3A_163, %dma_start3A_164] : memref<2x16x128xi32, #tpu.memory_space<vmem>> -> memref<1x16x128xi32, #tpu.memory_space<vmem>>
        %dma_start3A_166 = tpu.memref_squeeze %dma_start3A_165 : memref<1x16x128xi32, #tpu.memory_space<vmem>> -> memref<16x128xi32, #tpu.memory_space<vmem>>
        %dma_start3A_167 = arith.constant 0 : i32
        %dma_start3A_168 = tpu.memref_slice %arg3[%dma_start3A_162, %add3A, %mul3A_161, %dma_start3A_167] : memref<2x32x80x128xi32, #tpu.memory_space<hbm>> -> memref<1x1x16x128xi32, #tpu.memory_space<hbm>>
        %dma_start3A_169 = tpu.memref_squeeze %dma_start3A_168 : memref<1x1x16x128xi32, #tpu.memory_space<hbm>> -> memref<16x128xi32, #tpu.memory_space<hbm>>
        %dma_start3A_170 = arith.constant 0 : i32
        %dma_start3A_171 = arith.constant 0 : i32
        %dma_start3A_172 = tpu.memref_slice %arg6[%rem3A_138, %dma_start3A_170, %dma_start3A_171] : memref<2x16x128xi32, #tpu.memory_space<vmem>> -> memref<1x16x128xi32, #tpu.memory_space<vmem>>
        %dma_start3A_173 = tpu.memref_squeeze %dma_start3A_172 : memref<1x16x128xi32, #tpu.memory_space<vmem>> -> memref<16x128xi32, #tpu.memory_space<vmem>>
        %dma_start3A_174 = arith.constant 0 : i32
        %dma_start3A_175 = tpu.memref_slice %arg3[%dma_start3A_162, %add3A, %mul3A_161, %dma_start3A_174] : memref<2x32x80x128xi32, #tpu.memory_space<hbm>> -> memref<1x1x16x128xi32, #tpu.memory_space<hbm>>
        %dma_start3A_176 = tpu.memref_squeeze %dma_start3A_175 : memref<1x1x16x128xi32, #tpu.memory_space<hbm>> -> memref<16x128xi32, #tpu.memory_space<hbm>>
        tpu.enqueue_dma source(%dma_start3A_176 : memref<16x128xi32, #tpu.memory_space<hbm>>) target(%dma_start3A_173 : memref<16x128xi32, #tpu.memory_space<vmem>>) target_semaphore(%arg12 : memref<!tpu.dma_semaphore, #tpu.memory_space<semaphore_mem>>)
      } else {
      }
      %dma_start3A_122 = arith.constant 0 : i32
      %dma_start3A_123 = arith.constant 0 : i32
      %dma_start3A_124 = tpu.memref_slice %arg5[%rem3A_84, %dma_start3A_122, %dma_start3A_123] : memref<2x16x128xi32, #tpu.memory_space<vmem>> -> memref<1x1x128xi32, #tpu.memory_space<vmem>>
      %dma_start3A_125 = tpu.memref_squeeze %dma_start3A_124 : memref<1x1x128xi32, #tpu.memory_space<vmem>> -> memref<128xi32, #tpu.memory_space<vmem>>
      %dma_start3A_126 = arith.constant 0 : i32
      %dma_start3A_127 = arith.constant 0 : i32
      %dma_start3A_128 = tpu.memref_slice %arg2[%dma_start3A_126, %dma_start3A_127] : memref<10000x128xf32, #tpu.memory_space<hbm>> -> memref<10000x128xf32, #tpu.memory_space<hbm>>
      tpu.enqueue_indirect_dma source(%dma_start3A_128 : memref<10000x128xf32, #tpu.memory_space<hbm>>) target(%arg7 : memref<128x128xf32, #tpu.memory_space<vmem>>) offsets(%dma_start3A_125 : memref<128xi32, #tpu.memory_space<vmem>>) semaphore(%arg10 : memref<!tpu.dma_semaphore, #tpu.memory_space<semaphore_mem>>)
      %scan3A_129 = arith.constant 0 : i32
      %scan3A_130 = arith.constant 0 : i32
      %scan3A_131 = arith.constant 8 : i32
      %scan3A_132 = arith.addi %scan3A_130, %scan3A_131 : i32
      %scan3A_133 = arith.constant 1 : i32
      scf.for %scan3A_135 = %scan3A_130 to %scan3A_132 step %scan3A_133  : i32 {
        %mul3A_136 = arith.constant 2 : i32
        %mul3A_137 = arith.muli %mul3A_136, %scan3A_135 : i32
        %add3A_138 = arith.constant 1 : i32
        %add3A_139 = arith.addi %mul3A_137, %add3A_138 : i32
        %dma_start3A_140 = arith.constant 0 : i32
        %dma_start3A_141 = tpu.memref_slice %arg5[%rem3A_84, %add3A_139, %dma_start3A_140] : memref<2x16x128xi32, #tpu.memory_space<vmem>> -> memref<1x1x128xi32, #tpu.memory_space<vmem>>
        %dma_start3A_142 = tpu.memref_squeeze %dma_start3A_141 : memref<1x1x128xi32, #tpu.memory_space<vmem>> -> memref<128xi32, #tpu.memory_space<vmem>>
        %dma_start3A_143 = arith.constant 0 : i32
        %dma_start3A_144 = arith.constant 0 : i32
        %dma_start3A_145 = tpu.memref_slice %arg2[%dma_start3A_143, %dma_start3A_144] : memref<10000x128xf32, #tpu.memory_space<hbm>> -> memref<10000x128xf32, #tpu.memory_space<hbm>>
        tpu.enqueue_indirect_dma source(%dma_start3A_145 : memref<10000x128xf32, #tpu.memory_space<hbm>>) target(%arg8 : memref<128x128xf32, #tpu.memory_space<vmem>>) offsets(%dma_start3A_142 : memref<128xi32, #tpu.memory_space<vmem>>) semaphore(%arg11 : memref<!tpu.dma_semaphore, #tpu.memory_space<semaphore_mem>>)
        %dma_wait3A_146 = arith.constant 0 : i32
        %dma_wait3A_147 = tpu.memref_slice %arg5[%rem3A_84, %mul3A_137, %dma_wait3A_146] : memref<2x16x128xi32, #tpu.memory_space<vmem>> -> memref<1x1x128xi32, #tpu.memory_space<vmem>>
        %dma_wait3A_148 = tpu.memref_squeeze %dma_wait3A_147 : memref<1x1x128xi32, #tpu.memory_space<vmem>> -> memref<128xi32, #tpu.memory_space<vmem>>
        %dma_wait3A_149 = arith.constant 0 : i32
        %dma_wait3A_150 = arith.constant 0 : i32
        %dma_wait3A_151 = tpu.memref_slice %arg2[%dma_wait3A_149, %dma_wait3A_150] : memref<10000x128xf32, #tpu.memory_space<hbm>> -> memref<10000x128xf32, #tpu.memory_space<hbm>>
        tpu.wait_indirect_dma semaphore(%arg10 : memref<!tpu.dma_semaphore, #tpu.memory_space<semaphore_mem>>) src(%dma_wait3A_151 : memref<10000x128xf32, #tpu.memory_space<hbm>>) dst(%arg7 : memref<128x128xf32, #tpu.memory_space<vmem>>)
        "tpu.region"() ({
          %run_scoped3A = tpu.sem_alloc : memref<!tpu.dma_semaphore, #tpu.memory_space<semaphore_mem>>
          %dma_start3A_163 = arith.constant 0 : i32
          %dma_start3A_164 = tpu.memref_slice %arg6[%rem3A_84, %mul3A_137, %dma_start3A_163] : memref<2x16x128xi32, #tpu.memory_space<vmem>> -> memref<1x1x128xi32, #tpu.memory_space<vmem>>
          %dma_start3A_165 = tpu.memref_squeeze %dma_start3A_164 : memref<1x1x128xi32, #tpu.memory_space<vmem>> -> memref<128xi32, #tpu.memory_space<vmem>>
          %dma_start3A_166 = arith.constant 0 : i32
          %dma_start3A_167 = arith.constant 0 : i32
          %dma_start3A_168 = tpu.memref_slice %arg9[%dma_start3A_166, %dma_start3A_167] : memref<10240x128xf32, #tpu.memory_space<vmem_shared>> -> memref<10240x128xf32, #tpu.memory_space<vmem_shared>>
          tpu.enqueue_indirect_dma source(%arg7 : memref<128x128xf32, #tpu.memory_space<vmem>>) target(%dma_start3A_168 : memref<10240x128xf32, #tpu.memory_space<vmem_shared>>) offsets(%dma_start3A_165 : memref<128xi32, #tpu.memory_space<vmem>>) semaphore(%run_scoped3A : memref<!tpu.dma_semaphore, #tpu.memory_space<semaphore_mem>>) {add = true}
          %dma_wait3A_169 = arith.constant 0 : i32
          %dma_wait3A_170 = tpu.memref_slice %arg6[%rem3A_84, %mul3A_137, %dma_wait3A_169] : memref<2x16x128xi32, #tpu.memory_space<vmem>> -> memref<1x1x128xi32, #tpu.memory_space<vmem>>
          %dma_wait3A_171 = tpu.memref_squeeze %dma_wait3A_170 : memref<1x1x128xi32, #tpu.memory_space<vmem>> -> memref<128xi32, #tpu.memory_space<vmem>>
          %dma_wait3A_172 = arith.constant 0 : i32
          %dma_wait3A_173 = arith.constant 0 : i32
          %dma_wait3A_174 = tpu.memref_slice %arg9[%dma_wait3A_172, %dma_wait3A_173] : memref<10240x128xf32, #tpu.memory_space<vmem_shared>> -> memref<10240x128xf32, #tpu.memory_space<vmem_shared>>
          tpu.wait_indirect_dma semaphore(%run_scoped3A : memref<!tpu.dma_semaphore, #tpu.memory_space<semaphore_mem>>) src(%arg7 : memref<128x128xf32, #tpu.memory_space<vmem>>) dst(%dma_wait3A_174 : memref<10240x128xf32, #tpu.memory_space<vmem_shared>>)
          tpu.yield
        }) : () -> ()
        %lt3A_152 = arith.constant 7 : i32
        %lt3A_153 = arith.cmpi slt, %scan3A_135, %lt3A_152 : i32
        %convert_element_type3A_154 = arith.extui %lt3A_153 : i1 to i32
        %cond3A_155 = arith.constant 0 : i32
        %cond3A_156 = arith.cmpi ne, %convert_element_type3A_154, %cond3A_155 : i32
        scf.if %cond3A_156 {
          %add3A_163 = arith.constant 2 : i32
          %add3A_164 = arith.addi %mul3A_137, %add3A_163 : i32
          %dma_start3A_165 = arith.constant 0 : i32
          %dma_start3A_166 = tpu.memref_slice %arg5[%rem3A_84, %add3A_164, %dma_start3A_165] : memref<2x16x128xi32, #tpu.memory_space<vmem>> -> memref<1x1x128xi32, #tpu.memory_space<vmem>>
          %dma_start3A_167 = tpu.memref_squeeze %dma_start3A_166 : memref<1x1x128xi32, #tpu.memory_space<vmem>> -> memref<128xi32, #tpu.memory_space<vmem>>
          %dma_start3A_168 = arith.constant 0 : i32
          %dma_start3A_169 = arith.constant 0 : i32
          %dma_start3A_170 = tpu.memref_slice %arg2[%dma_start3A_168, %dma_start3A_169] : memref<10000x128xf32, #tpu.memory_space<hbm>> -> memref<10000x128xf32, #tpu.memory_space<hbm>>
          tpu.enqueue_indirect_dma source(%dma_start3A_170 : memref<10000x128xf32, #tpu.memory_space<hbm>>) target(%arg7 : memref<128x128xf32, #tpu.memory_space<vmem>>) offsets(%dma_start3A_167 : memref<128xi32, #tpu.memory_space<vmem>>) semaphore(%arg10 : memref<!tpu.dma_semaphore, #tpu.memory_space<semaphore_mem>>)
        } else {
        }
        %dma_wait3A_157 = arith.constant 0 : i32
        %dma_wait3A_158 = tpu.memref_slice %arg5[%rem3A_84, %add3A_139, %dma_wait3A_157] : memref<2x16x128xi32, #tpu.memory_space<vmem>> -> memref<1x1x128xi32, #tpu.memory_space<vmem>>
        %dma_wait3A_159 = tpu.memref_squeeze %dma_wait3A_158 : memref<1x1x128xi32, #tpu.memory_space<vmem>> -> memref<128xi32, #tpu.memory_space<vmem>>
        %dma_wait3A_160 = arith.constant 0 : i32
        %dma_wait3A_161 = arith.constant 0 : i32
        %dma_wait3A_162 = tpu.memref_slice %arg2[%dma_wait3A_160, %dma_wait3A_161] : memref<10000x128xf32, #tpu.memory_space<hbm>> -> memref<10000x128xf32, #tpu.memory_space<hbm>>
        tpu.wait_indirect_dma semaphore(%arg11 : memref<!tpu.dma_semaphore, #tpu.memory_space<semaphore_mem>>) src(%dma_wait3A_162 : memref<10000x128xf32, #tpu.memory_space<hbm>>) dst(%arg8 : memref<128x128xf32, #tpu.memory_space<vmem>>)
        "tpu.region"() ({
          %run_scoped3A = tpu.sem_alloc : memref<!tpu.dma_semaphore, #tpu.memory_space<semaphore_mem>>
          %dma_start3A_163 = arith.constant 0 : i32
          %dma_start3A_164 = tpu.memref_slice %arg6[%rem3A_84, %add3A_139, %dma_start3A_163] : memref<2x16x128xi32, #tpu.memory_space<vmem>> -> memref<1x1x128xi32, #tpu.memory_space<vmem>>
          %dma_start3A_165 = tpu.memref_squeeze %dma_start3A_164 : memref<1x1x128xi32, #tpu.memory_space<vmem>> -> memref<128xi32, #tpu.memory_space<vmem>>
          %dma_start3A_166 = arith.constant 0 : i32
          %dma_start3A_167 = arith.constant 0 : i32
          %dma_start3A_168 = tpu.memref_slice %arg9[%dma_start3A_166, %dma_start3A_167] : memref<10240x128xf32, #tpu.memory_space<vmem_shared>> -> memref<10240x128xf32, #tpu.memory_space<vmem_shared>>
          tpu.enqueue_indirect_dma source(%arg8 : memref<128x128xf32, #tpu.memory_space<vmem>>) target(%dma_start3A_168 : memref<10240x128xf32, #tpu.memory_space<vmem_shared>>) offsets(%dma_start3A_165 : memref<128xi32, #tpu.memory_space<vmem>>) semaphore(%run_scoped3A : memref<!tpu.dma_semaphore, #tpu.memory_space<semaphore_mem>>) {add = true}
          %dma_wait3A_169 = arith.constant 0 : i32
          %dma_wait3A_170 = tpu.memref_slice %arg6[%rem3A_84, %add3A_139, %dma_wait3A_169] : memref<2x16x128xi32, #tpu.memory_space<vmem>> -> memref<1x1x128xi32, #tpu.memory_space<vmem>>
          %dma_wait3A_171 = tpu.memref_squeeze %dma_wait3A_170 : memref<1x1x128xi32, #tpu.memory_space<vmem>> -> memref<128xi32, #tpu.memory_space<vmem>>
          %dma_wait3A_172 = arith.constant 0 : i32
          %dma_wait3A_173 = arith.constant 0 : i32
          %dma_wait3A_174 = tpu.memref_slice %arg9[%dma_wait3A_172, %dma_wait3A_173] : memref<10240x128xf32, #tpu.memory_space<vmem_shared>> -> memref<10240x128xf32, #tpu.memory_space<vmem_shared>>
          tpu.wait_indirect_dma semaphore(%run_scoped3A : memref<!tpu.dma_semaphore, #tpu.memory_space<semaphore_mem>>) src(%arg8 : memref<128x128xf32, #tpu.memory_space<vmem>>) dst(%dma_wait3A_174 : memref<10240x128xf32, #tpu.memory_space<vmem_shared>>)
          tpu.yield
        }) : () -> ()
      }
      %scan3A_134 = arith.constant 8 : i32
    }
    %scan3A_77 = arith.constant 5 : i32
    %barrier3A_78 = arith.constant 0 : index
    tpu.barrier barrier_id(%barrier3A_78)
    %mul3A_79 = arith.constant 640 : i32
    %mul3A_80 = arith.muli %arg1, %mul3A_79 : i32
    %mul3A_81 = arith.constant 640 : i32
    %mul3A_82 = arith.muli %arg1, %mul3A_81 : i32
    "tpu.region"() ({
      %run_scoped3A = tpu.sem_alloc : memref<!tpu.dma_semaphore, #tpu.memory_space<semaphore_mem>>
      %dma_start3A_83 = arith.constant 0 : i32
      %dma_start3A_84 = tpu.memref_slice %arg4[%arg0, %mul3A_82, %dma_start3A_83] : memref<2x10240x128xf32, #tpu.memory_space<hbm>> -> memref<1x640x128xf32, #tpu.memory_space<hbm>>
      %dma_start3A_85 = tpu.memref_squeeze %dma_start3A_84 : memref<1x640x128xf32, #tpu.memory_space<hbm>> -> memref<640x128xf32, #tpu.memory_space<hbm>>
      %dma_start3A_86 = arith.constant 0 : i32
      %dma_start3A_87 = tpu.memref_slice %arg9[%mul3A_80, %dma_start3A_86] : memref<10240x128xf32, #tpu.memory_space<vmem_shared>> -> memref<640x128xf32, #tpu.memory_space<vmem_shared>>
      tpu.enqueue_dma source(%dma_start3A_87 : memref<640x128xf32, #tpu.memory_space<vmem_shared>>) target(%dma_start3A_85 : memref<640x128xf32, #tpu.memory_space<hbm>>) target_semaphore(%run_scoped3A : memref<!tpu.dma_semaphore, #tpu.memory_space<semaphore_mem>>)
      %dma_wait3A = arith.constant 0 : i32
      %dma_wait3A_88 = tpu.memref_slice %arg4[%arg0, %mul3A_82, %dma_wait3A] : memref<2x10240x128xf32, #tpu.memory_space<hbm>> -> memref<1x640x128xf32, #tpu.memory_space<hbm>>
      %dma_wait3A_89 = tpu.memref_squeeze %dma_wait3A_88 : memref<1x640x128xf32, #tpu.memory_space<hbm>> -> memref<640x128xf32, #tpu.memory_space<hbm>>
      %dma_wait3A_90 = arith.constant 0 : i32
      %dma_wait3A_91 = tpu.memref_slice %arg9[%mul3A_80, %dma_wait3A_90] : memref<10240x128xf32, #tpu.memory_space<vmem_shared>> -> memref<640x128xf32, #tpu.memory_space<vmem_shared>>
      tpu.wait_dma2 semaphore(%run_scoped3A : memref<!tpu.dma_semaphore, #tpu.memory_space<semaphore_mem>>) src(%dma_wait3A_91 : memref<640x128xf32, #tpu.memory_space<vmem_shared>>) dst(%dma_wait3A_89 : memref<640x128xf32, #tpu.memory_space<hbm>>)
      tpu.yield
    }) : () -> ()
    return
  }
}

module attributes {stable_mosaic.version = 14 : i64} {
  func.func @_mm_body(%arg0: i32, %arg1: memref<2000x128xf32, #tpu.memory_space<vmem>>, %arg2: memref<128x128xf32, #tpu.memory_space<vmem>>, %arg3: memref<2000x128xf32, #tpu.memory_space<vmem>>) attributes {dimension_semantics = [#tpu.dimension_semantics<arbitrary>], iteration_bounds = array<i64: 5>, scalar_prefetch = 0 : i64, scratch_operands = 0 : i64, tpu.core_type = #tpu.core_type<tc>, window_params = [{transform_indices = @transform_0, window_bounds = array<i64: 2000, 128>}, {pipeline_mode = #tpu.pipeline_mode<synchronous>, transform_indices = @transform_1, window_bounds = array<i64: 128, 128>}, {transform_indices = @transform_2, window_bounds = array<i64: 2000, 128>}]} {
    %get3A = arith.constant 0 : index
    %get3A_0 = arith.constant 0 : index
    %get3A_1 = vector.load %arg1[%get3A, %get3A_0] : memref<2000x128xf32, #tpu.memory_space<vmem>>, vector<2000x128xf32>
    %get3A_2 = arith.constant 0 : index
    %get3A_3 = arith.constant 0 : index
    %get3A_4 = vector.load %arg2[%get3A_2, %get3A_3] : memref<128x128xf32, #tpu.memory_space<vmem>>, vector<128x128xf32>
    %dot_general3A = arith.constant dense<0.000000e+00> : vector<2000x128xf32>
    %dot_general3A_5 = tpu.matmul %get3A_1, %get3A_4, %dot_general3A {dimension_numbers = #tpu.dot_dimension_numbers<[1], [0], [0], [1], [0, 0, 1, 1], [], []>, transpose_lhs_hint = false} : vector<2000x128xf32>, vector<128x128xf32>, vector<2000x128xf32> -> vector<2000x128xf32>
    %swap3A = arith.constant 0 : index
    %swap3A_6 = arith.constant 0 : index
    %swap3A_7 = vector.load %arg3[%swap3A, %swap3A_6] : memref<2000x128xf32, #tpu.memory_space<vmem>>, vector<2000x128xf32>
    tpu.vector_store %arg3[%swap3A, %swap3A_6], %dot_general3A_5 {strides = array<i32>} : memref<2000x128xf32, #tpu.memory_space<vmem>>, vector<2000x128xf32>,
    return
  }
  func.func @transform_0(%arg0: i32) -> (i32, i32) {
    %c0_i32 = arith.constant 0 : i32
    %c0_i32_0 = arith.constant 0 : i32
    return %arg0, %c0_i32 : i32, i32
  }
  func.func @transform_1(%arg0: i32) -> (i32, i32) {
    %c0_i32 = arith.constant 0 : i32
    %c0_i32_0 = arith.constant 0 : i32
    %c0_i32_1 = arith.constant 0 : i32
    return %c0_i32, %c0_i32_0 : i32, i32
  }
  func.func @transform_2(%arg0: i32) -> (i32, i32) {
    %c0_i32 = arith.constant 0 : i32
    %c0_i32_0 = arith.constant 0 : i32
    return %arg0, %c0_i32 : i32, i32
  }
}

module attributes {stable_mosaic.version = 14 : i64} {
  func.func @_comb1_body(%arg0: i32, %arg1: memref<2560x128xf32, #tpu.memory_space<vmem>>, %arg2: memref<2x2560xf32, #tpu.memory_space<vmem>>, %arg3: memref<2560x128xf32, #tpu.memory_space<vmem>>, %arg4: memref<2560x1xf32, #tpu.memory_space<vmem>>) attributes {dimension_semantics = [#tpu.dimension_semantics<arbitrary>], iteration_bounds = array<i64: 4>, scalar_prefetch = 0 : i64, scratch_operands = 0 : i64, tpu.core_type = #tpu.core_type<tc>, window_params = [{transform_indices = @transform_0, window_bounds = array<i64: 2560, 128>}, {transform_indices = @transform_1, window_bounds = array<i64: 2, 2560>}, {transform_indices = @transform_2, window_bounds = array<i64: 2560, 128>}, {transform_indices = @transform_3, window_bounds = array<i64: 2560, 1>}]} {
    %get3A = arith.constant 0 : index
    %get3A_0 = arith.constant 0 : index
    %get3A_1 = vector.load %arg2[%get3A, %get3A_0] : memref<2x2560xf32, #tpu.memory_space<vmem>>, vector<1x2560xf32>
    %get3A_2 = arith.constant 1 : index
    %get3A_3 = arith.constant 0 : index
    %get3A_4 = vector.load %arg2[%get3A_2, %get3A_3] : memref<2x2560xf32, #tpu.memory_space<vmem>>, vector<1x2560xf32>
    %add3A = arith.addf %get3A_1, %get3A_4 : vector<1x2560xf32>
    %transpose3A = tpu.transpose %add3A, [1, 0] : vector<1x2560xf32> -> vector<2560x1xf32>
    %add3A_5 = arith.constant 1.000000e+00 : f32
    %add3A_6 = vector.broadcast %add3A_5 : f32 to vector<2560x1xf32>
    %add3A_7 = arith.addf %transpose3A, %add3A_6 : vector<2560x1xf32>
    %rsqrt3A = math.rsqrt %add3A_7 : vector<2560x1xf32>
    %swap3A = arith.constant 0 : index
    %swap3A_8 = arith.constant 0 : index
    %swap3A_9 = vector.load %arg4[%swap3A, %swap3A_8] : memref<2560x1xf32, #tpu.memory_space<vmem>>, vector<2560x1xf32>
    tpu.vector_store %arg4[%swap3A, %swap3A_8], %rsqrt3A {strides = array<i32>} : memref<2560x1xf32, #tpu.memory_space<vmem>>, vector<2560x1xf32>,
    %get3A_10 = arith.constant 0 : index
    %get3A_11 = arith.constant 0 : index
    %get3A_12 = vector.load %arg1[%get3A_10, %get3A_11] : memref<2560x128xf32, #tpu.memory_space<vmem>>, vector<2560x128xf32>
    %mul3A = vector.broadcast %rsqrt3A : vector<2560x1xf32> to vector<2560x128xf32>
    %mul3A_13 = arith.mulf %get3A_12, %mul3A : vector<2560x128xf32>
    %swap3A_14 = arith.constant 0 : index
    %swap3A_15 = arith.constant 0 : index
    %swap3A_16 = vector.load %arg3[%swap3A_14, %swap3A_15] : memref<2560x128xf32, #tpu.memory_space<vmem>>, vector<2560x128xf32>
    tpu.vector_store %arg3[%swap3A_14, %swap3A_15], %mul3A_13 {strides = array<i32>} : memref<2560x128xf32, #tpu.memory_space<vmem>>, vector<2560x128xf32>,
    return
  }
  func.func @transform_0(%arg0: i32) -> (i32, i32) {
    %c0_i32 = arith.constant 0 : i32
    %c0_i32_0 = arith.constant 0 : i32
    return %arg0, %c0_i32 : i32, i32
  }
  func.func @transform_1(%arg0: i32) -> (i32, i32) {
    %c0_i32 = arith.constant 0 : i32
    %c0_i32_0 = arith.constant 0 : i32
    return %c0_i32, %arg0 : i32, i32
  }
  func.func @transform_2(%arg0: i32) -> (i32, i32) {
    %c0_i32 = arith.constant 0 : i32
    %c0_i32_0 = arith.constant 0 : i32
    return %arg0, %c0_i32 : i32, i32
  }
  func.func @transform_3(%arg0: i32) -> (i32, i32) {
    %c0_i32 = arith.constant 0 : i32
    %c0_i32_0 = arith.constant 0 : i32
    return %arg0, %c0_i32 : i32, i32
  }
}

module attributes {stable_mosaic.version = 14 : i64} {
  func.func @_layer_body(%arg0: i32, %arg1: memref<1x2000x128xf32, #tpu.memory_space<vmem>>, %arg2: memref<1x2000x128xf32, #tpu.memory_space<vmem>>, %arg3: memref<2000x128xf32, #tpu.memory_space<vmem>>, %arg4: memref<2000x1xf32, #tpu.memory_space<vmem>>, %arg5: memref<1x128xf32, #tpu.memory_space<vmem>>, %arg6: memref<1x128xf32, #tpu.memory_space<vmem>>, %arg7: memref<1x128xf32, #tpu.memory_space<vmem>>, %arg8: memref<1x128xf32, #tpu.memory_space<vmem>>, %arg9: memref<1x128xf32, #tpu.memory_space<vmem>>, %arg10: memref<128x128xf32, #tpu.memory_space<vmem>>, %arg11: memref<2000x128xf32, #tpu.memory_space<vmem>>) attributes {dimension_semantics = [#tpu.dimension_semantics<arbitrary>], iteration_bounds = array<i64: 5>, scalar_prefetch = 0 : i64, scratch_operands = 0 : i64, tpu.core_type = #tpu.core_type<tc>, window_params = [{transform_indices = @transform_0, window_bounds = array<i64: 1, 2000, 128>}, {transform_indices = @transform_1, window_bounds = array<i64: 1, 2000, 128>}, {transform_indices = @transform_2, window_bounds = array<i64: 2000, 128>}, {transform_indices = @transform_3, window_bounds = array<i64: 2000, 1>}, {pipeline_mode = #tpu.pipeline_mode<synchronous>, transform_indices = @transform_4, window_bounds = array<i64: 1, 128>}, {pipeline_mode = #tpu.pipeline_mode<synchronous>, transform_indices = @transform_5, window_bounds = array<i64: 1, 128>}, {pipeline_mode = #tpu.pipeline_mode<synchronous>, transform_indices = @transform_6, window_bounds = array<i64: 1, 128>}, {pipeline_mode = #tpu.pipeline_mode<synchronous>, transform_indices = @transform_7, window_bounds = array<i64: 1, 128>}, {pipeline_mode = #tpu.pipeline_mode<synchronous>, transform_indices = @transform_8, window_bounds = array<i64: 1, 128>}, {pipeline_mode = #tpu.pipeline_mode<synchronous>, transform_indices = @transform_9, window_bounds = array<i64: 128, 128>}, {transform_indices = @transform_10, window_bounds = array<i64: 2000, 128>}]} {
    %get3A = arith.constant 0 : index
    %get3A_0 = arith.constant 0 : index
    %get3A_1 = arith.constant 0 : index
    %get3A_2 = vector.load %arg1[%get3A, %get3A_0, %get3A_1] : memref<1x2000x128xf32, #tpu.memory_space<vmem>>, vector<1x2000x128xf32>
    %get3A_3 = vector.shape_cast %get3A_2 : vector<1x2000x128xf32> to vector<2000x128xf32>
    %get3A_4 = arith.constant 0 : index
    %get3A_5 = arith.constant 0 : index
    %get3A_6 = arith.constant 0 : index
    %get3A_7 = vector.load %arg2[%get3A_4, %get3A_5, %get3A_6] : memref<1x2000x128xf32, #tpu.memory_space<vmem>>, vector<1x2000x128xf32>
    %get3A_8 = vector.shape_cast %get3A_7 : vector<1x2000x128xf32> to vector<2000x128xf32>
    %add3A = arith.addf %get3A_3, %get3A_8 : vector<2000x128xf32>
    %get3A_9 = arith.constant 0 : index
    %get3A_10 = arith.constant 0 : index
    %get3A_11 = vector.load %arg3[%get3A_9, %get3A_10] : memref<2000x128xf32, #tpu.memory_space<vmem>>, vector<2000x128xf32>
    %add3A_12 = arith.addf %add3A, %get3A_11 : vector<2000x128xf32>
    %get3A_13 = arith.constant 0 : index
    %get3A_14 = arith.constant 0 : index
    %get3A_15 = vector.load %arg4[%get3A_13, %get3A_14] : memref<2000x1xf32, #tpu.memory_space<vmem>>, vector<2000x1xf32>
    %mul3A = vector.broadcast %get3A_15 : vector<2000x1xf32> to vector<2000x128xf32>
    %mul3A_16 = arith.mulf %add3A_12, %mul3A : vector<2000x128xf32>
    %get3A_17 = arith.constant 0 : index
    %get3A_18 = arith.constant 0 : index
    %get3A_19 = vector.load %arg5[%get3A_17, %get3A_18] : memref<1x128xf32, #tpu.memory_space<vmem>>, vector<1x128xf32>
    %add3A_20 = vector.broadcast %get3A_19 : vector<1x128xf32> to vector<2000x128xf32>
    %add3A_21 = arith.addf %mul3A_16, %add3A_20 : vector<2000x128xf32>
    %get3A_22 = arith.constant 0 : index
    %get3A_23 = arith.constant 0 : index
    %get3A_24 = vector.load %arg8[%get3A_22, %get3A_23] : memref<1x128xf32, #tpu.memory_space<vmem>>, vector<1x128xf32>
    %sub3A = vector.broadcast %get3A_24 : vector<1x128xf32> to vector<2000x128xf32>
    %sub3A_25 = arith.subf %add3A_21, %sub3A : vector<2000x128xf32>
    %get3A_26 = arith.constant 0 : index
    %get3A_27 = arith.constant 0 : index
    %get3A_28 = vector.load %arg9[%get3A_26, %get3A_27] : memref<1x128xf32, #tpu.memory_space<vmem>>, vector<1x128xf32>
    %add3A_29 = arith.constant 9.99999974E-6 : f32
    %add3A_30 = vector.broadcast %add3A_29 : f32 to vector<1x128xf32>
    %add3A_31 = arith.addf %get3A_28, %add3A_30 : vector<1x128xf32>
    %rsqrt3A = math.rsqrt %add3A_31 : vector<1x128xf32>
    %mul3A_32 = vector.broadcast %rsqrt3A : vector<1x128xf32> to vector<2000x128xf32>
    %mul3A_33 = arith.mulf %sub3A_25, %mul3A_32 : vector<2000x128xf32>
    %get3A_34 = arith.constant 0 : index
    %get3A_35 = arith.constant 0 : index
    %get3A_36 = vector.load %arg6[%get3A_34, %get3A_35] : memref<1x128xf32, #tpu.memory_space<vmem>>, vector<1x128xf32>
    %mul3A_37 = vector.broadcast %get3A_36 : vector<1x128xf32> to vector<2000x128xf32>
    %mul3A_38 = arith.mulf %mul3A_33, %mul3A_37 : vector<2000x128xf32>
    %get3A_39 = arith.constant 0 : index
    %get3A_40 = arith.constant 0 : index
    %get3A_41 = vector.load %arg7[%get3A_39, %get3A_40] : memref<1x128xf32, #tpu.memory_space<vmem>>, vector<1x128xf32>
    %add3A_42 = vector.broadcast %get3A_41 : vector<1x128xf32> to vector<2000x128xf32>
    %add3A_43 = arith.addf %mul3A_38, %add3A_42 : vector<2000x128xf32>
    %max3A = arith.constant 0.000000e+00 : f32
    %max3A_44 = vector.broadcast %max3A : f32 to vector<2000x128xf32>
    %max3A_45 = arith.maximumf %add3A_43, %max3A_44 : vector<2000x128xf32>
    %get3A_46 = arith.constant 0 : index
    %get3A_47 = arith.constant 0 : index
    %get3A_48 = vector.load %arg10[%get3A_46, %get3A_47] : memref<128x128xf32, #tpu.memory_space<vmem>>, vector<128x128xf32>
    %dot_general3A = arith.constant dense<0.000000e+00> : vector<2000x128xf32>
    %dot_general3A_49 = tpu.matmul %max3A_45, %get3A_48, %dot_general3A {dimension_numbers = #tpu.dot_dimension_numbers<[1], [0], [0], [1], [0, 0, 1, 1], [], []>, transpose_lhs_hint = false} : vector<2000x128xf32>, vector<128x128xf32>, vector<2000x128xf32> -> vector<2000x128xf32>
    %get3A_50 = arith.constant 0 : index
    %get3A_51 = arith.constant 0 : index
    %get3A_52 = vector.load %arg4[%get3A_50, %get3A_51] : memref<2000x1xf32, #tpu.memory_space<vmem>>, vector<2000x1xf32>
    %mul3A_53 = vector.broadcast %get3A_52 : vector<2000x1xf32> to vector<2000x128xf32>
    %mul3A_54 = arith.mulf %dot_general3A_49, %mul3A_53 : vector<2000x128xf32>
    %swap3A = arith.constant 0 : index
    %swap3A_55 = arith.constant 0 : index
    %swap3A_56 = vector.load %arg11[%swap3A, %swap3A_55] : memref<2000x128xf32, #tpu.memory_space<vmem>>, vector<2000x128xf32>
    tpu.vector_store %arg11[%swap3A, %swap3A_55], %mul3A_54 {strides = array<i32>} : memref<2000x128xf32, #tpu.memory_space<vmem>>, vector<2000x128xf32>,
    return
  }
  func.func @transform_0(%arg0: i32) -> (i32, i32, i32) {
    %c0_i32 = arith.constant 0 : i32
    %c0_i32_0 = arith.constant 0 : i32
    %c0_i32_1 = arith.constant 0 : i32
    return %c0_i32, %arg0, %c0_i32_0 : i32, i32, i32
  }
  func.func @transform_1(%arg0: i32) -> (i32, i32, i32) {
    %c1_i32 = arith.constant 1 : i32
    %c0_i32 = arith.constant 0 : i32
    %c0_i32_0 = arith.constant 0 : i32
    return %c1_i32, %arg0, %c0_i32 : i32, i32, i32
  }
  func.func @transform_2(%arg0: i32) -> (i32, i32) {
    %c0_i32 = arith.constant 0 : i32
    %c0_i32_0 = arith.constant 0 : i32
    return %arg0, %c0_i32 : i32, i32
  }
  func.func @transform_3(%arg0: i32) -> (i32, i32) {
    %c0_i32 = arith.constant 0 : i32
    %c0_i32_0 = arith.constant 0 : i32
    return %arg0, %c0_i32 : i32, i32
  }
  func.func @transform_4(%arg0: i32) -> (i32, i32) {
    %c0_i32 = arith.constant 0 : i32
    %c0_i32_0 = arith.constant 0 : i32
    %c0_i32_1 = arith.constant 0 : i32
    return %c0_i32, %c0_i32_0 : i32, i32
  }
  func.func @transform_5(%arg0: i32) -> (i32, i32) {
    %c0_i32 = arith.constant 0 : i32
    %c0_i32_0 = arith.constant 0 : i32
    %c0_i32_1 = arith.constant 0 : i32
    return %c0_i32, %c0_i32_0 : i32, i32
  }
  func.func @transform_6(%arg0: i32) -> (i32, i32) {
    %c0_i32 = arith.constant 0 : i32
    %c0_i32_0 = arith.constant 0 : i32
    %c0_i32_1 = arith.constant 0 : i32
    return %c0_i32, %c0_i32_0 : i32, i32
  }
  func.func @transform_7(%arg0: i32) -> (i32, i32) {
    %c0_i32 = arith.constant 0 : i32
    %c0_i32_0 = arith.constant 0 : i32
    %c0_i32_1 = arith.constant 0 : i32
    return %c0_i32, %c0_i32_0 : i32, i32
  }
  func.func @transform_8(%arg0: i32) -> (i32, i32) {
    %c0_i32 = arith.constant 0 : i32
    %c0_i32_0 = arith.constant 0 : i32
    %c0_i32_1 = arith.constant 0 : i32
    return %c0_i32, %c0_i32_0 : i32, i32
  }
  func.func @transform_9(%arg0: i32) -> (i32, i32) {
    %c0_i32 = arith.constant 0 : i32
    %c0_i32_0 = arith.constant 0 : i32
    %c0_i32_1 = arith.constant 0 : i32
    return %c0_i32, %c0_i32_0 : i32, i32
  }
  func.func @transform_10(%arg0: i32) -> (i32, i32) {
    %c0_i32 = arith.constant 0 : i32
    %c0_i32_0 = arith.constant 0 : i32
    return %arg0, %c0_i32 : i32, i32
  }
}

module attributes {stable_mosaic.version = 14 : i64} {
  func.func @_final_body(%arg0: i32, %arg1: memref<1x2000x128xf32, #tpu.memory_space<vmem>>, %arg2: memref<1x2000x128xf32, #tpu.memory_space<vmem>>, %arg3: memref<2000x128xf32, #tpu.memory_space<vmem>>, %arg4: memref<2000x1xf32, #tpu.memory_space<vmem>>, %arg5: memref<1x128xf32, #tpu.memory_space<vmem>>, %arg6: memref<2000x128xf32, #tpu.memory_space<vmem>>) attributes {dimension_semantics = [#tpu.dimension_semantics<arbitrary>], iteration_bounds = array<i64: 5>, scalar_prefetch = 0 : i64, scratch_operands = 0 : i64, tpu.core_type = #tpu.core_type<tc>, window_params = [{transform_indices = @transform_0, window_bounds = array<i64: 1, 2000, 128>}, {transform_indices = @transform_1, window_bounds = array<i64: 1, 2000, 128>}, {transform_indices = @transform_2, window_bounds = array<i64: 2000, 128>}, {transform_indices = @transform_3, window_bounds = array<i64: 2000, 1>}, {pipeline_mode = #tpu.pipeline_mode<synchronous>, transform_indices = @transform_4, window_bounds = array<i64: 1, 128>}, {transform_indices = @transform_5, window_bounds = array<i64: 2000, 128>}]} {
    %get3A = arith.constant 0 : index
    %get3A_0 = arith.constant 0 : index
    %get3A_1 = arith.constant 0 : index
    %get3A_2 = vector.load %arg1[%get3A, %get3A_0, %get3A_1] : memref<1x2000x128xf32, #tpu.memory_space<vmem>>, vector<1x2000x128xf32>
    %get3A_3 = vector.shape_cast %get3A_2 : vector<1x2000x128xf32> to vector<2000x128xf32>
    %get3A_4 = arith.constant 0 : index
    %get3A_5 = arith.constant 0 : index
    %get3A_6 = arith.constant 0 : index
    %get3A_7 = vector.load %arg2[%get3A_4, %get3A_5, %get3A_6] : memref<1x2000x128xf32, #tpu.memory_space<vmem>>, vector<1x2000x128xf32>
    %get3A_8 = vector.shape_cast %get3A_7 : vector<1x2000x128xf32> to vector<2000x128xf32>
    %add3A = arith.addf %get3A_3, %get3A_8 : vector<2000x128xf32>
    %get3A_9 = arith.constant 0 : index
    %get3A_10 = arith.constant 0 : index
    %get3A_11 = vector.load %arg3[%get3A_9, %get3A_10] : memref<2000x128xf32, #tpu.memory_space<vmem>>, vector<2000x128xf32>
    %add3A_12 = arith.addf %add3A, %get3A_11 : vector<2000x128xf32>
    %get3A_13 = arith.constant 0 : index
    %get3A_14 = arith.constant 0 : index
    %get3A_15 = vector.load %arg4[%get3A_13, %get3A_14] : memref<2000x1xf32, #tpu.memory_space<vmem>>, vector<2000x1xf32>
    %mul3A = vector.broadcast %get3A_15 : vector<2000x1xf32> to vector<2000x128xf32>
    %mul3A_16 = arith.mulf %add3A_12, %mul3A : vector<2000x128xf32>
    %get3A_17 = arith.constant 0 : index
    %get3A_18 = arith.constant 0 : index
    %get3A_19 = vector.load %arg5[%get3A_17, %get3A_18] : memref<1x128xf32, #tpu.memory_space<vmem>>, vector<1x128xf32>
    %add3A_20 = vector.broadcast %get3A_19 : vector<1x128xf32> to vector<2000x128xf32>
    %add3A_21 = arith.addf %mul3A_16, %add3A_20 : vector<2000x128xf32>
    %reduce_max3A = arith.constant dense<0xFF800000> : vector<2000xf32>
    %reduce_max3A_22 = vector.multi_reduction <maximumf>, %add3A_21, %reduce_max3A [1] : vector<2000x128xf32> to vector<2000xf32>
    %broadcast_in_dim3A = vector.shape_cast %reduce_max3A_22 : vector<2000xf32> to vector<2000x1xf32>
    %sub3A = vector.broadcast %broadcast_in_dim3A : vector<2000x1xf32> to vector<2000x128xf32>
    %sub3A_23 = arith.subf %add3A_21, %sub3A : vector<2000x128xf32>
    %exp3A = math.exp %sub3A_23 : vector<2000x128xf32>
    %reduce_sum3A = arith.constant dense<0.000000e+00> : vector<2000xf32>
    %reduce_sum3A_24 = vector.multi_reduction <add>, %exp3A, %reduce_sum3A [1] : vector<2000x128xf32> to vector<2000xf32>
    %broadcast_in_dim3A_25 = vector.shape_cast %reduce_sum3A_24 : vector<2000xf32> to vector<2000x1xf32>
    %log3A = math.log %broadcast_in_dim3A_25 : vector<2000x1xf32>
    %add3A_26 = arith.addf %log3A, %broadcast_in_dim3A : vector<2000x1xf32>
    %sub3A_27 = vector.broadcast %add3A_26 : vector<2000x1xf32> to vector<2000x128xf32>
    %sub3A_28 = arith.subf %add3A_21, %sub3A_27 : vector<2000x128xf32>
    %swap3A = arith.constant 0 : index
    %swap3A_29 = arith.constant 0 : index
    %swap3A_30 = vector.load %arg6[%swap3A, %swap3A_29] : memref<2000x128xf32, #tpu.memory_space<vmem>>, vector<2000x128xf32>
    tpu.vector_store %arg6[%swap3A, %swap3A_29], %sub3A_28 {strides = array<i32>} : memref<2000x128xf32, #tpu.memory_space<vmem>>, vector<2000x128xf32>,
    return
  }
  func.func @transform_0(%arg0: i32) -> (i32, i32, i32) {
    %c0_i32 = arith.constant 0 : i32
    %c0_i32_0 = arith.constant 0 : i32
    %c0_i32_1 = arith.constant 0 : i32
    return %c0_i32, %arg0, %c0_i32_0 : i32, i32, i32
  }
  func.func @transform_1(%arg0: i32) -> (i32, i32, i32) {
    %c1_i32 = arith.constant 1 : i32
    %c0_i32 = arith.constant 0 : i32
    %c0_i32_0 = arith.constant 0 : i32
    return %c1_i32, %arg0, %c0_i32 : i32, i32, i32
  }
  func.func @transform_2(%arg0: i32) -> (i32, i32) {
    %c0_i32 = arith.constant 0 : i32
    %c0_i32_0 = arith.constant 0 : i32
    return %arg0, %c0_i32 : i32, i32
  }
  func.func @transform_3(%arg0: i32) -> (i32, i32) {
    %c0_i32 = arith.constant 0 : i32
    %c0_i32_0 = arith.constant 0 : i32
    return %arg0, %c0_i32 : i32, i32
  }
  func.func @transform_4(%arg0: i32) -> (i32, i32) {
    %c0_i32 = arith.constant 0 : i32
    %c0_i32_0 = arith.constant 0 : i32
    %c0_i32_1 = arith.constant 0 : i32
    return %c0_i32, %c0_i32_0 : i32, i32
  }
  func.func @transform_5(%arg0: i32) -> (i32, i32) {
    %c0_i32 = arith.constant 0 : i32
    %c0_i32_0 = arith.constant 0 : i32
    return %arg0, %c0_i32 : i32, i32
  }
}

</mosaic_0001>

<sc_bundles>
// kernel: kernel.12.cloned.1.call-start
scs
__scs_entry_jumppad:
0x0: {  	(pc) =	sbr.rel $0x88, $3  }
0x1: {  	(tag) =	ssettag $0x0;
	lr =	simm.s32 $0x1  }
0x2: {  	[smem:$0x3F97] =	sst lr;
	_ =	strace $0xD0000000  }
0x3: {  	_ = 	snop  }
0x4: {  	_ = 	snop  }
0x5: {  	_ = 	snop  }
0x6: {  	_ = 	snop  }
0x7: {  	_ = 	snop  }
__scs_overlays_trampoline_lowered:
0x8: {  	[smem:$0x3FA6] =	sst s0  }
0x9: {  	[smem:$0x3FA7] =	sst s1  }
0xa: {  	[smem:$0x3FA8] =	sst s2  }
0xb: {  	[smem:$0x3FA9] =	sst s3  }
0xc: {  	[smem:$0x3FAA] =	sst s4  }
0xd: {  	[smem:$0x3FAB] =	sst s5  }
0xe: {  	[smem:$0x3FAC] =	sst s6  }
0xf: {  	[smem:$0x3FAD] =	sst s7  }
0x10: {  	[smem:$0x3FAE] =	sst s8  }
0x11: {  	[smem:$0x3FAF] =	sst s9;
	s0 =	simm.s32 @!p0 $0x0  }
0x12: {  	s1 =	sld [smem:$0x3F95];
	s0 =	simm.s32 @p0 $0x1  }
0x13: {  	[smem:$0x3FB0] =	sst s0;
	s0 =	simm.s32 @!p1 $0x0  }
0x14: {  	s2 =	sld [smem:$0x3F94];
	s0 =	simm.s32 @p1 $0x1  }
0x15: {  	[smem:$0x3FB1] =	sst s0;
	s0 =	simm.s32 @!p2 $0x0  }
0x16: {  	s3 =	sld [smem:$0x3FDB];
	s0 =	simm.s32 @p2 $0x1  }
0x17: {  	s4 =	simm.s32 $0x1BF5;
	[smem:$0x3FB3] =	sst s0  }
0x18: {  	s0 =	sld [smem:$0x3F96];
	_ =	swait.ge [sflag:s4], $0x0  }
0x19: {  	s7 =	sld [smem:$0x3F97]  }
0x1a: {  	s8 =	sadd.s32 $0xFFFFE003, lr  }
0x1b: {  	s9 =	sadd.s32 $0xFFFFFEF7, lr;
	s5 =	simm.s32 $0xFFFFFFFF;
	p2 =	slt.u32 s8, $0xFFFFF086  }
0x1c: {  	p1 =	slt.u32 s9, $0xF7A;
	s5 =	simm.s32 @!p2 $0x0  }
0x1d: {  	s5 =	simm.s32 @p1 $0x1;
	p0 =	seq.s32 s7, s2  }
0x1e: {  	s7 =	smul.u32 @!p0 $0xF7A, s2;
	p2 =	seq.s32 @!p0 s5, $0x0  }
0x1f: {  	s9 =	smul.u32 $0xF7A, s1;
	s8 =	simm.s32 @!p0 $0x1BF5;
	p2 =	por !p2, p0  }
0x20: {  	[sflag:s8] =	ssyncset.s32 @!p0 $0xFFFFF086;
	s6 =	sadd.s32 @!p0 s3, s7;
	s7 =	simm.s32 @!p0 $0x108  }
0x21: {  	s3 =	sadd.s32 s3, s9;
	s6 =	sadd.s32 @!p0 $0x88, s6;
	s7 =	simm.s32 @p2 $0x1082  }
0x22: {  	[simem:s7], [sflag:s8] =	dma.local @!p0 [hbm:s6], $0xF7A  }
0x23: {  	s9 =	sor.u32 $0xD0000000, s2;
	s6 =	simm.s32 $0x108;
	_ =	swait.ge @!p0 [sflag:s8], $0x0  }
0x24: {  	s3 =	sadd.s32 $0x88, s3;
	s6 =	simm.s32 @!p1 $0x1082;
	[sflag:s4] =	ssyncset.s32 $0xFFFFF086  }
0x25: {  	[simem:s6], [sflag:s4] =	dma.local [hbm:s3], $0xF7A  }
0x26: {  	[smem:$0x3F97] =	sst s1;
	(tag) =	ssettag s2;
	_ =	strace s9  }
0x27: {  	s1 =	sld [smem:$0x3FA7]  }
0x28: {  	s2 =	sld [smem:$0x3FA8]  }
0x29: {  	s4 =	sld [smem:$0x3FAA]  }
0x2a: {  	p0 =	seq.s32 s5, $0x0;
	s5 =	sld [smem:$0x3FAB]  }
0x2b: {  	s6 =	sld [smem:$0x3FAC]  }
0x2c: {  	s7 =	sld [smem:$0x3FAD]  }
0x2d: {  	s3 =	simm.s32 $0x108;
	s8 =	sld [smem:$0x3FAE]  }
0x2e: {  	s3 =	simm.s32 @!p0 $0x1082;
	s9 =	sld [smem:$0x3FAF]  }
0x2f: {  	lr =	sadd.s32 s0, s3;
	s0 =	sld [smem:$0x3FA6]  }
0x30: {  	s3 =	sld [smem:$0x3FA9]  }
0x31: {  	[smem:$0x3FB2] =	sst s10  }
0x32: {  	s10 =	sld [smem:$0x3FB0];
	_ =	sdelay $0x3  }
0x33: {  	p0 =	seq.s32 s10, $0x1;
	s10 =	sld [smem:$0x3FB2];
	_ =	sdelay $0x3  }
0x34: {  	[smem:$0x3FB2] =	sst s10  }
0x35: {  	s10 =	sld [smem:$0x3FB1];
	_ =	sdelay $0x3  }
0x36: {  	p1 =	seq.s32 s10, $0x1;
	s10 =	sld [smem:$0x3FB2];
	_ =	sdelay $0x3  }
0x37: {  	[smem:$0x3FB2] =	sst s10  }
0x38: {  	s10 =	sld [smem:$0x3FB3]  }
0x39: {  	_ = 	snop;
	(pc) =	sbr.ind lr, $3  }
0x3a: {  	_ = 	snop  }
0x3b: {  	_ = 	snop  }
0x3c: {  	p2 =	seq.s32 s10, $0x1;
	s10 =	sld [smem:$0x3FB2]  }
0x3d: {  	_ =	shalt  }
0x3e: {  	_ =	shalt  }
0x3f: {  	_ =	shalt  }
0x40: {  	_ =	shalt  }
0x41: {  	_ =	shalt  }
0x42: {  	_ =	shalt  }
0x43: {  	_ =	shalt  }
0x44: {  	_ =	shalt  }
0x45: {  	_ =	shalt  }
0x46: {  	_ =	shalt  }
0x47: {  	_ =	shalt  }
0x48: {  	_ =	shalt  }
0x49: {  	_ =	shalt  }
0x4a: {  	_ =	shalt  }
0x4b: {  	_ =	shalt  }
0x4c: {  	_ =	shalt  }
0x4d: {  	_ =	shalt  }
0x4e: {  	_ =	shalt  }
0x4f: {  	_ =	shalt  }
0x50: {  	_ =	shalt  }
0x51: {  	_ =	shalt  }
0x52: {  	_ =	shalt  }
0x53: {  	_ =	shalt  }
0x54: {  	_ =	shalt  }
0x55: {  	_ =	shalt  }
0x56: {  	_ =	shalt  }
0x57: {  	_ =	shalt  }
0x58: {  	_ =	shalt  }
0x59: {  	_ =	shalt  }
0x5a: {  	_ =	shalt  }
0x5b: {  	_ =	shalt  }
0x5c: {  	_ =	shalt  }
0x5d: {  	_ =	shalt  }
0x5e: {  	_ =	shalt  }
0x5f: {  	_ =	shalt  }
0x60: {  	_ =	shalt  }
0x61: {  	_ =	shalt  }
0x62: {  	_ =	shalt  }
0x63: {  	_ =	shalt  }
0x64: {  	_ =	shalt  }
0x65: {  	_ =	shalt  }
0x66: {  	_ =	shalt  }
0x67: {  	_ =	shalt  }
0x68: {  	_ =	shalt  }
0x69: {  	_ =	shalt  }
0x6a: {  	_ =	shalt  }
0x6b: {  	_ =	shalt  }
0x6c: {  	_ =	shalt  }
0x6d: {  	_ =	shalt  }
0x6e: {  	_ =	shalt  }
0x6f: {  	_ =	shalt  }
0x70: {  	_ =	shalt  }
0x71: {  	_ =	shalt  }
0x72: {  	_ =	shalt  }
0x73: {  	_ =	shalt  }
0x74: {  	_ =	shalt  }
0x75: {  	_ =	shalt  }
0x76: {  	_ =	shalt  }
0x77: {  	_ =	shalt  }
0x78: {  	_ =	shalt  }
0x79: {  	_ =	shalt  }
0x7a: {  	_ =	shalt  }
0x7b: {  	_ =	shalt  }
0x7c: {  	_ =	shalt  }
0x7d: {  	_ =	shalt  }
0x7e: {  	_ =	shalt  }
0x7f: {  	_ =	shalt  }
0x80: {  	_ =	shalt  }
0x81: {  	_ =	shalt  }
0x82: {  	_ =	shalt  }
0x83: {  	_ =	shalt  }
0x84: {  	_ =	shalt  }
0x85: {  	_ =	shalt  }
0x86: {  	_ =	shalt  }
0x87: {  	_ =	shalt  }
.Lfunc_end0:
.L_simem_size_0:
called_computation.1_lowered:
.L_overlay_start_0:
0x88: {  	s2 =	sld [smem:$0x3FD9]  }
0x89: {  	s3 =	sld [smem:$0x3FFE];
	_ =	sdelay $0x1  }
0x8a: {  	s1 =	srdreg.scid  }
0x8b: {  	s0 =	sand.u32 $0x1, s1  }
0x8c: {  	s17 =	sshll.u32 s0, $0xA;
	s2 =	sadd.s32 s3, s2  }
0x8d: {  	s2 =	sadd.s32 s2, s17  }
0x8e: {  	[smem:$0x3FBE] =	sst s2  }
0x8f: {  	_ = 	snop  }
0x90: {  	s2 =	sld [smem:$0x3FD0];
	(tm) =	ssettm $0x1  }
0x91: {  	s18 =	sld [smem:$0x3FFB];
	_ =	sdelay $0x3  }
0x92: {  	_ =	strace s18  }
0x93: {  	s3 =	sld [smem:$0x3FFC];
	_ =	sdelay $0x3  }
0x94: {  	_ =	strace s3  }
0x95: {  	s3 =	sld [smem:$0x3FFD];
	_ =	sdelay $0x3  }
0x96: {  	_ =	strace s3  }
0x97: {  	_ =	strace $0x8FFFFFFF  }
0x98: {  	s19 =	sld [smem:$0x3FDB];
	_ =	sdelay $0x1  }
0x99: {  	s4 =	simm.s32 $_scs_section_size  }
0x9a: {  	s5 =	simm.s32 $_size__tile_overlayer_lowered;
	s6 =	simm.s32 $_tile_overlayer_lowered  }
0x9b: {  	s22 =	simm.s32 $0x1BFF;
	s21 =	sshll.u32 s6, $0x1;
	s3 =	sadd.s32 s4, s19  }
0x9c: {  	s7 =	simm.s32 $0x0;
	s20 =	sshll.u32 s5, $0x1;
	s5 =	sadd.s32 s21, s3  }
0x9d: {  	[timem:s7], [sflag:s22] =	dma.local [hbm:s5], s20  }
0x9e: {  	_ =	swait.ge [sflag:s22], s20  }
0x9f: {  	s4 =	ssub.s32 $0x0, s20;
	[sflag:s22] =	ssyncset.done $0x0  }
0xa0: {  	[sflag:s22] =	ssyncadd.s32 s4;
	_ =	sdelay $0x1  }
0xa1: {  	s23 =	simm.s32 $0x1B8B  }
0xa2: {  	_ =	swait.ge [sflag:s23], $0x1  }
0xa3: {  	[sflag:s23] =	ssyncset.done $0x0  }
0xa4: {  	s25 =	simm.s32 $0x1B8E;
	s24 =	sld [smem:$0x3FFE];
	[sflag:s23] =	ssyncadd.s32 $0xFFFFFFFF  }
0xa5: {  	s26 =	simm.s32 $execute0_lowered;
	[smem:$0x3FD2] =	sst s25  }
0xa6: {  	s5 =	sshll.u32 s26, $0x1;
	_ =	strace $0x80000049;
	[dreg:$0x1] =	wrdreg $0xFFFFFFFF  }
0xa7: {  	s28 =	simm.s32 $_size_execute0_lowered;
	s3 =	sadd.s32 s3, s5;
	[dreg:$0x0] =	wrdreg $0x0  }
0xa8: {  	s5 =	sshll.u32 s28, $0x1;
	[dreg:$0x2] =	wrdreg s3  }
0xa9: {  	[dreg:$0x3] =	wrdreg s5  }
0xaa: {  	[dreg:$0x4] =	wrdreg $0xC0  }
0xab: {  	_ =	task [dreg:s7], $0x5FFFF  }
0xac: {  	[dreg:$0x1] =	wrdreg $0xFFFFFFFF  }
0xad: {  	[dreg:$0x0] =	wrdreg $0x60  }
0xae: {  	[dreg:$0x2] =	wrdreg s2  }
0xaf: {  	[dreg:$0x3] =	wrdreg s24  }
0xb0: {  	[dreg:$0x4] =	wrdreg $0xA0000  }
0xb1: {  	[dreg:$0x5] =	wrdreg $0x9  }
0xb2: {  	_ =	task.clear_ibuf [dreg:s7], $0x6FFFF;
	_ =	strace $0x90000049  }
0xb3: {  	s29 =	simm.s32 $0x9;
	_ =	strace $0x8000004B  }
0xb4: {  	_ =	swait.ge [sflag:s29], $0x1  }
0xb5: {  	[sflag:s29] =	ssyncadd.s32 $0xFFFFFFFF  }
0xb6: {  	_ =	strace $0x9000004B  }
0xb7: {  	_ =	sfence  }
0xb8: {  	s30 =	sld [smem:$0x0];
	_ =	sdelay $0x2  }
0xb9: {  	s31 =	sshll.u32 s1, $0xD;
	s1 =	sshrl.u32 s1, $0x2  }
0xba: {  	s3 =	sand.u32 $0x4000, s31;
	s1 =	sadd.s32 s1, s30  }
0xbb: {  	s0 =	sor.u32 s3, s0;
	s1 =	sshll.u32 s1, $0x11  }
0xbc: {  	s0 =	sor.u32 s1, s0  }
0xbd: {  	s0 =	sadd.s32 $0x8F2B, s0  }
0xbe: {  	[sflag:s0] =	ssyncadd.remote.s32 $0x1  }
0xbf: {  	_ =	sfence.sel $0xFFFF  }
0xc0: {  	[dreg:$0x0] =	wrdreg $0xFFFFFFFF;
	(pc) =	sbr.abs _section_cstart, $3  }
0xc1: {  	[dreg:$0x1] =	wrdreg $0xFFFFFFFF  }
0xc2: {  	_ =	task.clear_ibuf [dreg:s7], $0x2FFFF;
	_ =	strace $0x9FFFFFFF  }
0xc3: {  	(tm) =	ssettm $0x7FFFFFFF  }
tec
execute0_lowered:
.L_overlay_start_1:
0x0: {  	(tag) =	ssettag $0x1  }
0x1: {  	s0 =	rddreg [dreg:$0x0]  }
0x2: {  	s6 =	rddreg [dreg:$0x1];
	s1 =	srdreg.scid  }
0x3: {  	s3 =	rddreg [dreg:$0x2];
	s2 =	stileid.u32  }
0x4: {  	s4 =	simm.s32 $0x0;
	s17 =	simm.s32 $0x4;
	s18 =	simm.s32 $0x1000  }
0x5: {  	s19 =	simm.s32 $0x3;
	s20 =	simm.s32 $0x80;
	s21 =	simm.s32 $0x6000  }
0x6: {  	s22 =	simm.s32 $0x1;
	s23 =	simm.s32 $0x2;
	s9 =	smul.u32 $0x14000, s2  }
0x7: {  	s7 =	sand.u32 $0x1, s1;
	s1 =	rddreg [dreg:$0x3];
	s10 =	smul.u32 $0x50000, s2  }
0x8: {  	[smem:$0x7FF] =	sst s4;
	s5 =	sadd.s32 $0x3400, s6;
	s16 =	smul.u32 $0x2800, s2  }
0x9: {  	s8 =	smul.u32 $0x140000, s7;
	_ =	strace $0x8000004A;
	s26 =	sshll.u32 s7, $0x4  }
0xa: {  	s28 =	ssub.s32 $0x2, s7;
	s15 =	smul.u32 $0x28000, s7;
	s29 =	sor.u32 s2, s26  }
0xb: {  	s30 =	sshrl.u32 s28, $0x1;
	s10 =	sshrl.u32 s10, $0x2;
	s8 =	sadd.s32 s9, s8  }
0xc: {  	s14 =	ssub.s32 s28, s30;
	s15 =	sadd.s32 s16, s15;
	s8 =	sshrl.u32 s8, $0x3  }
0xd: {  	s16 =	sadd.s32 $0x800, s15;
	s15 =	sadd.s32 $0x50800, s15;
	s14 =	smax.u32 s14, $0x1  }
0xe: {  	s13 =	sadd.s32 s8, s6;
	s8 =	smul.u32 $0x2800, s29;
	s6 =	sadd.s32 s10, s3  }
0xf: {  	[dreg:$0x4] =	wrdreg s16;
	s15 =	sshrl.u32 s15, $0x3;
	s16 =	simm.s32 $0x2000  }
0x10: {  	s7 =	sadd.s32 $0x4000, s6;
	s9 =	sadd.s32 $0xC000, s6;
	s31 =	sshrl.u32 s8, $0x3  }
0x11: {  	s11 =	sadd.s32 $0x10000, s6;
	s13 =	sadd.s32 $0x17400, s13;
	s10 =	sadd.s32 s5, s31  }
0x12: {  	v0 =	vimm.f32 $0.0e+00;
	s15 =	sadd.s32 s15, s5;
	s8 =	sadd.s32 $0x8000, s6;
	s12 =	sadd.s32 $0xA000, s10  }
.LBB2_1:
0x13: {  	s24 =	simm.s32 $0x0;
	s25 =	simm.s32 $0x200  }
.LBB2_2:
0x14: {  	p0 =	sne.s32 s25, $0xFE00;
	[tilespmem:s24+$0x2070] =	vst v0  }
0x15: {  	[tilespmem:s24+$0x2000] =	vst v0  }
0x16: {  	[tilespmem:s24+$0x2010] =	vst v0  }
.Ltmp0:
0x17: {  	[tilespmem:s24+$0x2020] =	vst v0;
	(pc) =	sbr.rel @p0 .LBB2_2-.Ltmp0, $4  }
0x18: {  	[tilespmem:s24+$0x2030] =	vst v0  }
0x19: {  	[tilespmem:s24+$0x2040] =	vst v0  }
0x1a: {  	[tilespmem:s24+$0x2050] =	vst v0  }
0x1b: {  	[tilespmem:s24+$0x2060] =	vst v0;
	s24 =	sshra.s32 s25, $0x2;
	s25 =	sadd.s32 $0x200, s25  }
0x1c: {  	[tilespmem:s24+$0x2070] =	vst v0  }
0x1d: {  	[tilespmem:s24+$0x2000] =	vst v0  }
0x1e: {  	[tilespmem:s24+$0x2010] =	vst v0  }
0x1f: {  	[tilespmem:s24+$0x2020] =	vst v0  }
0x20: {  	[tilespmem:s24+$0x2030] =	vst v0  }
0x21: {  	[tilespmem:s24+$0x2040] =	vst v0  }
0x22: {  	[tilespmem:s24+$0x2050] =	vst v0  }
0x23: {  	[tilespmem:s24+$0x2060] =	vst v0  }
0x24: {  	[spmem:s6] =	stream.linear.scatter [tilespmem:s16], [sflag:$0x4], $0x4000, $0x38;
	[tilespmem:$0x1E000] =	vst v63  }
0x25: {  	_ =	swait.ge [sflag:s17], $0x4000  }
0x26: {  	[sflag:s17] =	ssyncset.done $0x0  }
0x27: {  	[sflag:s17] =	ssyncadd.s32 $0xFFFFC000  }
0x28: {  	[spmem:s7] =	stream.linear.scatter [tilespmem:s16], [sflag:$0x4], $0x4000, $0x38;
	[tilespmem:$0x1E000] =	vst v63  }
0x29: {  	_ =	swait.ge [sflag:s17], $0x4000  }
0x2a: {  	[sflag:s17] =	ssyncset.done $0x0  }
0x2b: {  	[sflag:s17] =	ssyncadd.s32 $0xFFFFC000  }
0x2c: {  	[spmem:s8] =	stream.linear.scatter [tilespmem:s16], [sflag:$0x4], $0x4000, $0x38;
	[tilespmem:$0x1E000] =	vst v63  }
0x2d: {  	_ =	swait.ge [sflag:s17], $0x4000  }
0x2e: {  	[sflag:s17] =	ssyncset.done $0x0  }
0x2f: {  	[sflag:s17] =	ssyncadd.s32 $0xFFFFC000  }
0x30: {  	[spmem:s9] =	stream.linear.scatter [tilespmem:s16], [sflag:$0x4], $0x4000, $0x38;
	[tilespmem:$0x1E000] =	vst v63  }
0x31: {  	_ =	swait.ge [sflag:s17], $0x4000  }
0x32: {  	[sflag:s17] =	ssyncset.done $0x0  }
0x33: {  	[sflag:s17] =	ssyncadd.s32 $0xFFFFC000  }
0x34: {  	[spmem:s11] =	stream.linear.scatter [tilespmem:s16], [sflag:$0x4], $0x4000, $0x38;
	[tilespmem:$0x1E000] =	vst v63  }
0x35: {  	_ =	swait.ge [sflag:s17], $0x4000  }
0x36: {  	[sflag:s17] =	ssyncset.done $0x0  }
0x37: {  	[sflag:s17] =	ssyncadd.s32 $0xFFFFC000  }
0x38: {  	s24 =	simm.s32 $0x0;
	[bflag:$0x0] =	sbarrier.arrive $0xFFFF  }
0x39: {  	[tilespmem:s24], [sflag:$0x3] =	stream.linear.gather [hbm4b:s10+s24], $0x800, $0x38;
	[tilespmem:$0x1E000] =	vst v63  }
0x3a: {  	_ = 	snop  }
0x3b: {  	[tilespmem:s18], [sflag:$0x3] =	stream.linear.gather [hbm4b:s12+s24], $0x800, $0x38;
	[tilespmem:$0x1E000] =	vst v63  }
0x3c: {  	_ =	swait.ge [sflag:s19], $0x800  }
0x3d: {  	[sflag:s19] =	ssyncset.done $0x0  }
0x3e: {  	[sflag:s19] =	ssyncadd.s32 $0xFFFFF800  }
0x3f: {  	_ =	swait.ge [sflag:s19], $0x800  }
0x40: {  	p0 =	por $0x0, $0x0;
	s25 =	rddreg [dreg:$0x4]  }
0x41: {  	s26 =	sxor.u32 @!p0 $0xFFFFFFFF, s24;
	s25 =	sadd.s32 @!p0 $0x0, s25  }
0x42: {  	s28 =	simm.s32 @!p0 $0x0;
	[sflag:s19] =	ssyncset.done $0x0;
	s25 =	sshrl.u32 @!p0 s25, $0x3  }
0x43: {  	s26 =	sand.u32 @!p0 $0x800, s26;
	[sflag:s19] =	ssyncadd.s32 $0xFFFFF800;
	s25 =	sadd.s32 @!p0 s5, s25  }
0x44: {  	[tilespmem:s26], [sflag:$0x3] =	stream.linear.gather @!p0 [hbm4b:s25+s28], $0x800, $0x38;
	[tilespmem:$0x1E000] =	vst v63  }
0x45: {  	s25 =	sor.u32 @!p0 $0x1000, s26  }
0x46: {  	[tilespmem:s25], [sflag:$0x3] =	stream.linear.gather @!p0 [hbm4b:s15+s28], $0x800, $0x38;
	[tilespmem:$0x1E000] =	vst v63  }
0x47: {  	s24 =	sand.u32 $0x800, s24  }
0x48: {  	[tilespmem:s16], [sflag:$0x1] =	stream.indirect.gather [hbm4b:s0+s20], $0x80, s24, s20, $0xb8;
	[tilespmem:$0x1E000] =	vst v63  }
0x49: {  	s26 =	sor.u32 $0x80, s24  }
0x4a: {  	[tilespmem:s21], [sflag:$0x2] =	stream.indirect.gather [hbm4b:s0+s20], $0x80, s26, s20, $0xb8;
	[tilespmem:$0x1E000] =	vst v63  }
0x4b: {  	_ =	swait.ge [sflag:s22], $0x4000  }
0x4c: {  	[sflag:s22] =	ssyncset.done $0x0  }
0x4d: {  	s28 =	sor.u32 $0x1000, s24;
	[sflag:s22] =	ssyncadd.s32 $0xFFFFC000  }
0x4e: {  	[spmem:s3] =	stream.indirect.scatter.add.f32 [tilespmem:s16], [sflag:$0x4], $0x80, s28, s20, $0xb8;
	[tilespmem:$0x1E000] =	vst v63  }
0x4f: {  	_ =	swait.ge [sflag:s17], $0x4000  }
0x50: {  	[sflag:s17] =	ssyncset.done $0x0  }
0x51: {  	s29 =	sor.u32 $0x100, s24;
	[sflag:s17] =	ssyncadd.s32 $0xFFFFC000  }
0x52: {  	[tilespmem:s16], [sflag:$0x1] =	stream.indirect.gather [hbm4b:s0+s20], $0x80, s29, s20, $0xb8;
	[tilespmem:$0x1E000] =	vst v63  }
0x53: {  	_ =	swait.ge [sflag:s23], $0x4000  }
0x54: {  	[sflag:s23] =	ssyncset.done $0x0  }
0x55: {  	s30 =	sor.u32 $0x1080, s24;
	[sflag:s23] =	ssyncadd.s32 $0xFFFFC000  }
0x56: {  	[spmem:s3] =	stream.indirect.scatter.add.f32 [tilespmem:s21], [sflag:$0x4], $0x80, s30, s20, $0xb8;
	[tilespmem:$0x1E000] =	vst v63  }
0x57: {  	_ =	swait.ge [sflag:s17], $0x4000  }
0x58: {  	[sflag:s17] =	ssyncset.done $0x0  }
0x59: {  	s31 =	sor.u32 $0x180, s24;
	[sflag:s17] =	ssyncadd.s32 $0xFFFFC000  }
0x5a: {  	[tilespmem:s21], [sflag:$0x2] =	stream.indirect.gather [hbm4b:s0+s20], $0x80, s31, s20, $0xb8;
	[tilespmem:$0x1E000] =	vst v63  }
0x5b: {  	_ =	swait.ge [sflag:s22], $0x4000  }
0x5c: {  	[sflag:s22] =	ssyncset.done $0x0  }
0x5d: {  	s26 =	sor.u32 $0x1100, s24;
	[sflag:s22] =	ssyncadd.s32 $0xFFFFC000  }
0x5e: {  	[spmem:s3] =	stream.indirect.scatter.add.f32 [tilespmem:s16], [sflag:$0x4], $0x80, s26, s20, $0xb8;
	[tilespmem:$0x1E000] =	vst v63  }
0x5f: {  	_ =	swait.ge [sflag:s17], $0x4000  }
0x60: {  	[sflag:s17] =	ssyncset.done $0x0  }
0x61: {  	s28 =	sor.u32 $0x200, s24;
	[sflag:s17] =	ssyncadd.s32 $0xFFFFC000  }
0x62: {  	[tilespmem:s16], [sflag:$0x1] =	stream.indirect.gather [hbm4b:s0+s20], $0x80, s28, s20, $0xb8;
	[tilespmem:$0x1E000] =	vst v63  }
0x63: {  	_ =	swait.ge [sflag:s23], $0x4000  }
0x64: {  	[sflag:s23] =	ssyncset.done $0x0  }
0x65: {  	s29 =	sor.u32 $0x1180, s24;
	[sflag:s23] =	ssyncadd.s32 $0xFFFFC000  }
0x66: {  	[spmem:s3] =	stream.indirect.scatter.add.f32 [tilespmem:s21], [sflag:$0x4], $0x80, s29, s20, $0xb8;
	[tilespmem:$0x1E000] =	vst v63  }
0x67: {  	_ =	swait.ge [sflag:s17], $0x4000  }
0x68: {  	[sflag:s17] =	ssyncset.done $0x0  }
0x69: {  	s30 =	sor.u32 $0x280, s24;
	[sflag:s17] =	ssyncadd.s32 $0xFFFFC000  }
0x6a: {  	[tilespmem:s21], [sflag:$0x2] =	stream.indirect.gather [hbm4b:s0+s20], $0x80, s30, s20, $0xb8;
	[tilespmem:$0x1E000] =	vst v63  }
0x6b: {  	_ =	swait.ge [sflag:s22], $0x4000  }
0x6c: {  	[sflag:s22] =	ssyncset.done $0x0  }
0x6d: {  	s31 =	sor.u32 $0x1200, s24;
	[sflag:s22] =	ssyncadd.s32 $0xFFFFC000  }
0x6e: {  	[spmem:s3] =	stream.indirect.scatter.add.f32 [tilespmem:s16], [sflag:$0x4], $0x80, s31, s20, $0xb8;
	[tilespmem:$0x1E000] =	vst v63  }
0x6f: {  	_ =	swait.ge [sflag:s17], $0x4000  }
0x70: {  	[sflag:s17] =	ssyncset.done $0x0  }
0x71: {  	s26 =	sor.u32 $0x300, s24;
	[sflag:s17] =	ssyncadd.s32 $0xFFFFC000  }
0x72: {  	[tilespmem:s16], [sflag:$0x1] =	stream.indirect.gather [hbm4b:s0+s20], $0x80, s26, s20, $0xb8;
	[tilespmem:$0x1E000] =	vst v63  }
0x73: {  	_ =	swait.ge [sflag:s23], $0x4000  }
0x74: {  	[sflag:s23] =	ssyncset.done $0x0  }
0x75: {  	s28 =	sor.u32 $0x1280, s24;
	[sflag:s23] =	ssyncadd.s32 $0xFFFFC000  }
0x76: {  	[spmem:s3] =	stream.indirect.scatter.add.f32 [tilespmem:s21], [sflag:$0x4], $0x80, s28, s20, $0xb8;
	[tilespmem:$0x1E000] =	vst v63  }
0x77: {  	_ =	swait.ge [sflag:s17], $0x4000  }
0x78: {  	[sflag:s17] =	ssyncset.done $0x0  }
0x79: {  	s29 =	sor.u32 $0x380, s24;
	[sflag:s17] =	ssyncadd.s32 $0xFFFFC000  }
0x7a: {  	[tilespmem:s21], [sflag:$0x2] =	stream.indirect.gather [hbm4b:s0+s20], $0x80, s29, s20, $0xb8;
	[tilespmem:$0x1E000] =	vst v63  }
0x7b: {  	_ =	swait.ge [sflag:s22], $0x4000  }
0x7c: {  	[sflag:s22] =	ssyncset.done $0x0  }
0x7d: {  	s30 =	sor.u32 $0x1300, s24;
	[sflag:s22] =	ssyncadd.s32 $0xFFFFC000  }
0x7e: {  	[spmem:s3] =	stream.indirect.scatter.add.f32 [tilespmem:s16], [sflag:$0x4], $0x80, s30, s20, $0xb8;
	[tilespmem:$0x1E000] =	vst v63  }
0x7f: {  	_ =	swait.ge [sflag:s17], $0x4000  }
0x80: {  	[sflag:s17] =	ssyncset.done $0x0  }
0x81: {  	s31 =	sor.u32 $0x400, s24;
	[sflag:s17] =	ssyncadd.s32 $0xFFFFC000  }
0x82: {  	[tilespmem:s16], [sflag:$0x1] =	stream.indirect.gather [hbm4b:s0+s20], $0x80, s31, s20, $0xb8;
	[tilespmem:$0x1E000] =	vst v63  }
0x83: {  	_ =	swait.ge [sflag:s23], $0x4000  }
0x84: {  	[sflag:s23] =	ssyncset.done $0x0  }
0x85: {  	s26 =	sor.u32 $0x1380, s24;
	[sflag:s23] =	ssyncadd.s32 $0xFFFFC000  }
0x86: {  	[spmem:s3] =	stream.indirect.scatter.add.f32 [tilespmem:s21], [sflag:$0x4], $0x80, s26, s20, $0xb8;
	[tilespmem:$0x1E000] =	vst v63  }
0x87: {  	_ =	swait.ge [sflag:s17], $0x4000  }
0x88: {  	[sflag:s17] =	ssyncset.done $0x0  }
0x89: {  	s28 =	sor.u32 $0x480, s24;
	[sflag:s17] =	ssyncadd.s32 $0xFFFFC000  }
0x8a: {  	[tilespmem:s21], [sflag:$0x2] =	stream.indirect.gather [hbm4b:s0+s20], $0x80, s28, s20, $0xb8;
	[tilespmem:$0x1E000] =	vst v63  }
0x8b: {  	_ =	swait.ge [sflag:s22], $0x4000  }
0x8c: {  	[sflag:s22] =	ssyncset.done $0x0  }
0x8d: {  	s29 =	sor.u32 $0x1400, s24;
	[sflag:s22] =	ssyncadd.s32 $0xFFFFC000  }
0x8e: {  	[spmem:s3] =	stream.indirect.scatter.add.f32 [tilespmem:s16], [sflag:$0x4], $0x80, s29, s20, $0xb8;
	[tilespmem:$0x1E000] =	vst v63  }
0x8f: {  	_ =	swait.ge [sflag:s17], $0x4000  }
0x90: {  	[sflag:s17] =	ssyncset.done $0x0  }
0x91: {  	s30 =	sor.u32 $0x500, s24;
	[sflag:s17] =	ssyncadd.s32 $0xFFFFC000  }
0x92: {  	[tilespmem:s16], [sflag:$0x1] =	stream.indirect.gather [hbm4b:s0+s20], $0x80, s30, s20, $0xb8;
	[tilespmem:$0x1E000] =	vst v63  }
0x93: {  	_ =	swait.ge [sflag:s23], $0x4000  }
0x94: {  	[sflag:s23] =	ssyncset.done $0x0  }
0x95: {  	s31 =	sor.u32 $0x1480, s24;
	[sflag:s23] =	ssyncadd.s32 $0xFFFFC000  }
0x96: {  	[spmem:s3] =	stream.indirect.scatter.add.f32 [tilespmem:s21], [sflag:$0x4], $0x80, s31, s20, $0xb8;
	[tilespmem:$0x1E000] =	vst v63  }
0x97: {  	_ =	swait.ge [sflag:s17], $0x4000  }
0x98: {  	[sflag:s17] =	ssyncset.done $0x0  }
0x99: {  	s26 =	sor.u32 $0x580, s24;
	[sflag:s17] =	ssyncadd.s32 $0xFFFFC000  }
0x9a: {  	[tilespmem:s21], [sflag:$0x2] =	stream.indirect.gather [hbm4b:s0+s20], $0x80, s26, s20, $0xb8;
	[tilespmem:$0x1E000] =	vst v63  }
0x9b: {  	_ =	swait.ge [sflag:s22], $0x4000  }
0x9c: {  	[sflag:s22] =	ssyncset.done $0x0  }
0x9d: {  	s28 =	sor.u32 $0x1500, s24;
	[sflag:s22] =	ssyncadd.s32 $0xFFFFC000  }
0x9e: {  	[spmem:s3] =	stream.indirect.scatter.add.f32 [tilespmem:s16], [sflag:$0x4], $0x80, s28, s20, $0xb8;
	[tilespmem:$0x1E000] =	vst v63  }
0x9f: {  	_ =	swait.ge [sflag:s17], $0x4000  }
0xa0: {  	[sflag:s17] =	ssyncset.done $0x0  }
0xa1: {  	s29 =	sor.u32 $0x600, s24;
	[sflag:s17] =	ssyncadd.s32 $0xFFFFC000  }
0xa2: {  	[tilespmem:s16], [sflag:$0x1] =	stream.indirect.gather [hbm4b:s0+s20], $0x80, s29, s20, $0xb8;
	[tilespmem:$0x1E000] =	vst v63  }
0xa3: {  	_ =	swait.ge [sflag:s23], $0x4000  }
0xa4: {  	[sflag:s23] =	ssyncset.done $0x0  }
0xa5: {  	s30 =	sor.u32 $0x1580, s24;
	[sflag:s23] =	ssyncadd.s32 $0xFFFFC000  }
0xa6: {  	[spmem:s3] =	stream.indirect.scatter.add.f32 [tilespmem:s21], [sflag:$0x4], $0x80, s30, s20, $0xb8;
	[tilespmem:$0x1E000] =	vst v63  }
0xa7: {  	_ =	swait.ge [sflag:s17], $0x4000  }
0xa8: {  	[sflag:s17] =	ssyncset.done $0x0  }
0xa9: {  	s31 =	sor.u32 $0x680, s24;
	[sflag:s17] =	ssyncadd.s32 $0xFFFFC000  }
0xaa: {  	[tilespmem:s21], [sflag:$0x2] =	stream.indirect.gather [hbm4b:s0+s20], $0x80, s31, s20, $0xb8;
	[tilespmem:$0x1E000] =	vst v63  }
0xab: {  	_ =	swait.ge [sflag:s22], $0x4000  }
0xac: {  	[sflag:s22] =	ssyncset.done $0x0  }
0xad: {  	s26 =	sor.u32 $0x1600, s24;
	[sflag:s22] =	ssyncadd.s32 $0xFFFFC000  }
0xae: {  	[spmem:s3] =	stream.indirect.scatter.add.f32 [tilespmem:s16], [sflag:$0x4], $0x80, s26, s20, $0xb8;
	[tilespmem:$0x1E000] =	vst v63  }
0xaf: {  	_ =	swait.ge [sflag:s17], $0x4000  }
0xb0: {  	[sflag:s17] =	ssyncset.done $0x0  }
0xb1: {  	s28 =	sor.u32 $0x700, s24;
	[sflag:s17] =	ssyncadd.s32 $0xFFFFC000  }
0xb2: {  	[tilespmem:s16], [sflag:$0x1] =	stream.indirect.gather [hbm4b:s0+s20], $0x80, s28, s20, $0xb8;
	[tilespmem:$0x1E000] =	vst v63  }
0xb3: {  	_ =	swait.ge [sflag:s23], $0x4000  }
0xb4: {  	[sflag:s23] =	ssyncset.done $0x0  }
0xb5: {  	s29 =	sor.u32 $0x1680, s24;
	[sflag:s23] =	ssyncadd.s32 $0xFFFFC000  }
0xb6: {  	[spmem:s3] =	stream.indirect.scatter.add.f32 [tilespmem:s21], [sflag:$0x4], $0x80, s29, s20, $0xb8;
	[tilespmem:$0x1E000] =	vst v63  }
0xb7: {  	_ =	swait.ge [sflag:s17], $0x4000  }
0xb8: {  	[sflag:s17] =	ssyncset.done $0x0  }
0xb9: {  	s30 =	sor.u32 $0x780, s24;
	[sflag:s17] =	ssyncadd.s32 $0xFFFFC000  }
0xba: {  	[tilespmem:s21], [sflag:$0x2] =	stream.indirect.gather [hbm4b:s0+s20], $0x80, s30, s20, $0xb8;
	[tilespmem:$0x1E000] =	vst v63  }
0xbb: {  	_ =	swait.ge [sflag:s22], $0x4000  }
0xbc: {  	[sflag:s22] =	ssyncset.done $0x0  }
0xbd: {  	s31 =	sor.u32 $0x1700, s24;
	[sflag:s22] =	ssyncadd.s32 $0xFFFFC000  }
0xbe: {  	[spmem:s3] =	stream.indirect.scatter.add.f32 [tilespmem:s16], [sflag:$0x4], $0x80, s31, s20, $0xb8;
	[tilespmem:$0x1E000] =	vst v63  }
0xbf: {  	_ =	swait.ge [sflag:s17], $0x4000  }
0xc0: {  	[sflag:s17] =	ssyncset.done $0x0  }
0xc1: {  	[sflag:s17] =	ssyncadd.s32 $0xFFFFC000  }
0xc2: {  	_ =	swait.ge [sflag:s23], $0x4000  }
0xc3: {  	[sflag:s23] =	ssyncset.done $0x0  }
0xc4: {  	s24 =	sor.u32 $0x1780, s24;
	[sflag:s23] =	ssyncadd.s32 $0xFFFFC000  }
0xc5: {  	[spmem:s3] =	stream.indirect.scatter.add.f32 [tilespmem:s21], [sflag:$0x4], $0x80, s24, s20, $0xb8;
	[tilespmem:$0x1E000] =	vst v63  }
0xc6: {  	_ =	swait.ge [sflag:s17], $0x4000  }
0xc7: {  	s25 =	smov.u32 s15;
	s24 =	simm.s32 $0x800;
	[sflag:s17] =	ssyncset.done $0x0  }
.LBB2_4:
0xc8: {  	[sflag:s17] =	ssyncadd.s32 $0xFFFFC000  }
0xc9: {  	_ =	swait.ge [sflag:s19], $0x800  }
0xca: {  	[sflag:s19] =	ssyncset.done $0x0  }
0xcb: {  	[sflag:s19] =	ssyncadd.s32 $0xFFFFF800  }
0xcc: {  	s26 =	smov.u32 s24;
	_ =	swait.ge [sflag:s19], $0x800  }
0xcd: {  	p1 =	seq.s32 s26, $0x2000;
	s28 =	rddreg [dreg:$0x4]  }
0xce: {  	s29 =	sxor.u32 @!p1 $0xFFFFFFFF, s26;
	s28 =	sadd.s32 @!p1 s26, s28  }
0xcf: {  	s30 =	simm.s32 @!p1 $0x0;
	[sflag:s19] =	ssyncset.done $0x0;
	s28 =	sshrl.u32 @!p1 s28, $0x3  }
0xd0: {  	s29 =	sand.u32 @!p1 $0x800, s29;
	[sflag:s19] =	ssyncadd.s32 $0xFFFFF800;
	s28 =	sadd.s32 @!p1 s5, s28  }
0xd1: {  	[tilespmem:s29], [sflag:$0x3] =	stream.linear.gather @!p1 [hbm4b:s28+s30], $0x800, $0x38;
	[tilespmem:$0x1E000] =	vst v63  }
0xd2: {  	s25 =	sadd.s32 $0x100, s25;
	s28 =	sor.u32 @!p1 $0x1000, s29  }
0xd3: {  	[tilespmem:s28], [sflag:$0x3] =	stream.linear.gather @!p1 [hbm4b:s25+s30], $0x800, $0x38;
	[tilespmem:$0x1E000] =	vst v63  }
0xd4: {  	s26 =	sand.u32 $0x800, s26  }
0xd5: {  	[tilespmem:s16], [sflag:$0x1] =	stream.indirect.gather [hbm4b:s0+s20], $0x80, s26, s20, $0xb8;
	[tilespmem:$0x1E000] =	vst v63  }
0xd6: {  	s29 =	sor.u32 $0x80, s26  }
0xd7: {  	[tilespmem:s21], [sflag:$0x2] =	stream.indirect.gather [hbm4b:s0+s20], $0x80, s29, s20, $0xb8;
	[tilespmem:$0x1E000] =	vst v63  }
0xd8: {  	_ =	swait.ge [sflag:s22], $0x4000  }
0xd9: {  	[sflag:s22] =	ssyncset.done $0x0  }
0xda: {  	s30 =	sor.u32 $0x1000, s26;
	[sflag:s22] =	ssyncadd.s32 $0xFFFFC000  }
0xdb: {  	[spmem:s3] =	stream.indirect.scatter.add.f32 [tilespmem:s16], [sflag:$0x4], $0x80, s30, s20, $0xb8;
	[tilespmem:$0x1E000] =	vst v63  }
0xdc: {  	_ =	swait.ge [sflag:s17], $0x4000  }
0xdd: {  	[sflag:s17] =	ssyncset.done $0x0  }
0xde: {  	s31 =	sor.u32 $0x100, s26;
	[sflag:s17] =	ssyncadd.s32 $0xFFFFC000  }
0xdf: {  	[tilespmem:s16], [sflag:$0x1] =	stream.indirect.gather [hbm4b:s0+s20], $0x80, s31, s20, $0xb8;
	[tilespmem:$0x1E000] =	vst v63  }
0xe0: {  	_ =	swait.ge [sflag:s23], $0x4000  }
0xe1: {  	[sflag:s23] =	ssyncset.done $0x0  }
0xe2: {  	s29 =	sor.u32 $0x1080, s26;
	[sflag:s23] =	ssyncadd.s32 $0xFFFFC000  }
0xe3: {  	[spmem:s3] =	stream.indirect.scatter.add.f32 [tilespmem:s21], [sflag:$0x4], $0x80, s29, s20, $0xb8;
	[tilespmem:$0x1E000] =	vst v63  }
0xe4: {  	_ =	swait.ge [sflag:s17], $0x4000  }
0xe5: {  	[sflag:s17] =	ssyncset.done $0x0  }
0xe6: {  	s30 =	sor.u32 $0x180, s26;
	[sflag:s17] =	ssyncadd.s32 $0xFFFFC000  }
0xe7: {  	[tilespmem:s21], [sflag:$0x2] =	stream.indirect.gather [hbm4b:s0+s20], $0x80, s30, s20, $0xb8;
	[tilespmem:$0x1E000] =	vst v63  }
0xe8: {  	_ =	swait.ge [sflag:s22], $0x4000  }
0xe9: {  	[sflag:s22] =	ssyncset.done $0x0  }
0xea: {  	s31 =	sor.u32 $0x1100, s26;
	[sflag:s22] =	ssyncadd.s32 $0xFFFFC000  }
0xeb: {  	[spmem:s3] =	stream.indirect.scatter.add.f32 [tilespmem:s16], [sflag:$0x4], $0x80, s31, s20, $0xb8;
	[tilespmem:$0x1E000] =	vst v63  }
0xec: {  	_ =	swait.ge [sflag:s17], $0x4000  }
0xed: {  	[sflag:s17] =	ssyncset.done $0x0  }
0xee: {  	s29 =	sor.u32 $0x200, s26;
	[sflag:s17] =	ssyncadd.s32 $0xFFFFC000  }
0xef: {  	[tilespmem:s16], [sflag:$0x1] =	stream.indirect.gather [hbm4b:s0+s20], $0x80, s29, s20, $0xb8;
	[tilespmem:$0x1E000] =	vst v63  }
0xf0: {  	_ =	swait.ge [sflag:s23], $0x4000  }
0xf1: {  	[sflag:s23] =	ssyncset.done $0x0  }
0xf2: {  	s30 =	sor.u32 $0x1180, s26;
	[sflag:s23] =	ssyncadd.s32 $0xFFFFC000  }
0xf3: {  	[spmem:s3] =	stream.indirect.scatter.add.f32 [tilespmem:s21], [sflag:$0x4], $0x80, s30, s20, $0xb8;
	[tilespmem:$0x1E000] =	vst v63  }
0xf4: {  	_ =	swait.ge [sflag:s17], $0x4000  }
0xf5: {  	[sflag:s17] =	ssyncset.done $0x0  }
0xf6: {  	s31 =	sor.u32 $0x280, s26;
	[sflag:s17] =	ssyncadd.s32 $0xFFFFC000  }
0xf7: {  	[tilespmem:s21], [sflag:$0x2] =	stream.indirect.gather [hbm4b:s0+s20], $0x80, s31, s20, $0xb8;
	[tilespmem:$0x1E000] =	vst v63  }
0xf8: {  	_ =	swait.ge [sflag:s22], $0x4000  }
0xf9: {  	[sflag:s22] =	ssyncset.done $0x0  }
0xfa: {  	s29 =	sor.u32 $0x1200, s26;
	[sflag:s22] =	ssyncadd.s32 $0xFFFFC000  }
0xfb: {  	[spmem:s3] =	stream.indirect.scatter.add.f32 [tilespmem:s16], [sflag:$0x4], $0x80, s29, s20, $0xb8;
	[tilespmem:$0x1E000] =	vst v63  }
0xfc: {  	_ =	swait.ge [sflag:s17], $0x4000  }
0xfd: {  	[sflag:s17] =	ssyncset.done $0x0  }
0xfe: {  	s30 =	sor.u32 $0x300, s26;
	[sflag:s17] =	ssyncadd.s32 $0xFFFFC000  }
0xff: {  	[tilespmem:s16], [sflag:$0x1] =	stream.indirect.gather [hbm4b:s0+s20], $0x80, s30, s20, $0xb8;
	[tilespmem:$0x1E000] =	vst v63  }
0x100: {  	_ =	swait.ge [sflag:s23], $0x4000  }
0x101: {  	[sflag:s23] =	ssyncset.done $0x0  }
0x102: {  	s31 =	sor.u32 $0x1280, s26;
	[sflag:s23] =	ssyncadd.s32 $0xFFFFC000  }
0x103: {  	[spmem:s3] =	stream.indirect.scatter.add.f32 [tilespmem:s21], [sflag:$0x4], $0x80, s31, s20, $0xb8;
	[tilespmem:$0x1E000] =	vst v63  }
0x104: {  	_ =	swait.ge [sflag:s17], $0x4000  }
0x105: {  	[sflag:s17] =	ssyncset.done $0x0  }
0x106: {  	s29 =	sor.u32 $0x380, s26;
	[sflag:s17] =	ssyncadd.s32 $0xFFFFC000  }
0x107: {  	[tilespmem:s21], [sflag:$0x2] =	stream.indirect.gather [hbm4b:s0+s20], $0x80, s29, s20, $0xb8;
	[tilespmem:$0x1E000] =	vst v63  }
0x108: {  	_ =	swait.ge [sflag:s22], $0x4000  }
0x109: {  	[sflag:s22] =	ssyncset.done $0x0  }
0x10a: {  	s30 =	sor.u32 $0x1300, s26;
	[sflag:s22] =	ssyncadd.s32 $0xFFFFC000  }
0x10b: {  	[spmem:s3] =	stream.indirect.scatter.add.f32 [tilespmem:s16], [sflag:$0x4], $0x80, s30, s20, $0xb8;
	[tilespmem:$0x1E000] =	vst v63  }
0x10c: {  	_ =	swait.ge [sflag:s17], $0x4000  }
0x10d: {  	[sflag:s17] =	ssyncset.done $0x0  }
0x10e: {  	s31 =	sor.u32 $0x400, s26;
	[sflag:s17] =	ssyncadd.s32 $0xFFFFC000  }
0x10f: {  	[tilespmem:s16], [sflag:$0x1] =	stream.indirect.gather [hbm4b:s0+s20], $0x80, s31, s20, $0xb8;
	[tilespmem:$0x1E000] =	vst v63  }
0x110: {  	_ =	swait.ge [sflag:s23], $0x4000  }
0x111: {  	[sflag:s23] =	ssyncset.done $0x0  }
0x112: {  	s29 =	sor.u32 $0x1380, s26;
	[sflag:s23] =	ssyncadd.s32 $0xFFFFC000  }
0x113: {  	[spmem:s3] =	stream.indirect.scatter.add.f32 [tilespmem:s21], [sflag:$0x4], $0x80, s29, s20, $0xb8;
	[tilespmem:$0x1E000] =	vst v63  }
0x114: {  	_ =	swait.ge [sflag:s17], $0x4000  }
0x115: {  	[sflag:s17] =	ssyncset.done $0x0  }
0x116: {  	s30 =	sor.u32 $0x480, s26;
	[sflag:s17] =	ssyncadd.s32 $0xFFFFC000  }
0x117: {  	[tilespmem:s21], [sflag:$0x2] =	stream.indirect.gather [hbm4b:s0+s20], $0x80, s30, s20, $0xb8;
	[tilespmem:$0x1E000] =	vst v63  }
0x118: {  	_ =	swait.ge [sflag:s22], $0x4000  }
0x119: {  	[sflag:s22] =	ssyncset.done $0x0  }
0x11a: {  	s31 =	sor.u32 $0x1400, s26;
	[sflag:s22] =	ssyncadd.s32 $0xFFFFC000  }
0x11b: {  	[spmem:s3] =	stream.indirect.scatter.add.f32 [tilespmem:s16], [sflag:$0x4], $0x80, s31, s20, $0xb8;
	[tilespmem:$0x1E000] =	vst v63  }
0x11c: {  	_ =	swait.ge [sflag:s17], $0x4000  }
0x11d: {  	[sflag:s17] =	ssyncset.done $0x0  }
0x11e: {  	s29 =	sor.u32 $0x500, s26;
	[sflag:s17] =	ssyncadd.s32 $0xFFFFC000  }
0x11f: {  	[tilespmem:s16], [sflag:$0x1] =	stream.indirect.gather [hbm4b:s0+s20], $0x80, s29, s20, $0xb8;
	[tilespmem:$0x1E000] =	vst v63  }
0x120: {  	_ =	swait.ge [sflag:s23], $0x4000  }
0x121: {  	[sflag:s23] =	ssyncset.done $0x0  }
0x122: {  	s30 =	sor.u32 $0x1480, s26;
	[sflag:s23] =	ssyncadd.s32 $0xFFFFC000  }
0x123: {  	[spmem:s3] =	stream.indirect.scatter.add.f32 [tilespmem:s21], [sflag:$0x4], $0x80, s30, s20, $0xb8;
	[tilespmem:$0x1E000] =	vst v63  }
0x124: {  	_ =	swait.ge [sflag:s17], $0x4000  }
0x125: {  	[sflag:s17] =	ssyncset.done $0x0  }
0x126: {  	s31 =	sor.u32 $0x580, s26;
	[sflag:s17] =	ssyncadd.s32 $0xFFFFC000  }
0x127: {  	[tilespmem:s21], [sflag:$0x2] =	stream.indirect.gather [hbm4b:s0+s20], $0x80, s31, s20, $0xb8;
	[tilespmem:$0x1E000] =	vst v63  }
0x128: {  	_ =	swait.ge [sflag:s22], $0x4000  }
0x129: {  	[sflag:s22] =	ssyncset.done $0x0  }
0x12a: {  	s29 =	sor.u32 $0x1500, s26;
	[sflag:s22] =	ssyncadd.s32 $0xFFFFC000  }
0x12b: {  	[spmem:s3] =	stream.indirect.scatter.add.f32 [tilespmem:s16], [sflag:$0x4], $0x80, s29, s20, $0xb8;
	[tilespmem:$0x1E000] =	vst v63  }
0x12c: {  	_ =	swait.ge [sflag:s17], $0x4000  }
0x12d: {  	[sflag:s17] =	ssyncset.done $0x0  }
0x12e: {  	s30 =	sor.u32 $0x600, s26;
	[sflag:s17] =	ssyncadd.s32 $0xFFFFC000  }
0x12f: {  	[tilespmem:s16], [sflag:$0x1] =	stream.indirect.gather [hbm4b:s0+s20], $0x80, s30, s20, $0xb8;
	[tilespmem:$0x1E000] =	vst v63  }
0x130: {  	_ =	swait.ge [sflag:s23], $0x4000  }
0x131: {  	[sflag:s23] =	ssyncset.done $0x0  }
0x132: {  	s31 =	sor.u32 $0x1580, s26;
	[sflag:s23] =	ssyncadd.s32 $0xFFFFC000  }
0x133: {  	[spmem:s3] =	stream.indirect.scatter.add.f32 [tilespmem:s21], [sflag:$0x4], $0x80, s31, s20, $0xb8;
	[tilespmem:$0x1E000] =	vst v63  }
0x134: {  	_ =	swait.ge [sflag:s17], $0x4000  }
0x135: {  	[sflag:s17] =	ssyncset.done $0x0  }
0x136: {  	s29 =	sor.u32 $0x680, s26;
	[sflag:s17] =	ssyncadd.s32 $0xFFFFC000  }
0x137: {  	[tilespmem:s21], [sflag:$0x2] =	stream.indirect.gather [hbm4b:s0+s20], $0x80, s29, s20, $0xb8;
	[tilespmem:$0x1E000] =	vst v63  }
0x138: {  	_ =	swait.ge [sflag:s22], $0x4000  }
0x139: {  	[sflag:s22] =	ssyncset.done $0x0  }
0x13a: {  	s30 =	sor.u32 $0x1600, s26;
	[sflag:s22] =	ssyncadd.s32 $0xFFFFC000  }
0x13b: {  	[spmem:s3] =	stream.indirect.scatter.add.f32 [tilespmem:s16], [sflag:$0x4], $0x80, s30, s20, $0xb8;
	[tilespmem:$0x1E000] =	vst v63  }
0x13c: {  	_ =	swait.ge [sflag:s17], $0x4000  }
0x13d: {  	[sflag:s17] =	ssyncset.done $0x0  }
0x13e: {  	s31 =	sor.u32 $0x700, s26;
	[sflag:s17] =	ssyncadd.s32 $0xFFFFC000  }
0x13f: {  	[tilespmem:s16], [sflag:$0x1] =	stream.indirect.gather [hbm4b:s0+s20], $0x80, s31, s20, $0xb8;
	[tilespmem:$0x1E000] =	vst v63  }
0x140: {  	_ =	swait.ge [sflag:s23], $0x4000  }
0x141: {  	[sflag:s23] =	ssyncset.done $0x0  }
0x142: {  	s29 =	sor.u32 $0x1680, s26;
	[sflag:s23] =	ssyncadd.s32 $0xFFFFC000  }
0x143: {  	[spmem:s3] =	stream.indirect.scatter.add.f32 [tilespmem:s21], [sflag:$0x4], $0x80, s29, s20, $0xb8;
	[tilespmem:$0x1E000] =	vst v63  }
0x144: {  	_ =	swait.ge [sflag:s17], $0x4000  }
0x145: {  	[sflag:s17] =	ssyncset.done $0x0  }
0x146: {  	s30 =	sor.u32 $0x780, s26;
	[sflag:s17] =	ssyncadd.s32 $0xFFFFC000  }
0x147: {  	[tilespmem:s21], [sflag:$0x2] =	stream.indirect.gather [hbm4b:s0+s20], $0x80, s30, s20, $0xb8;
	[tilespmem:$0x1E000] =	vst v63  }
0x148: {  	_ =	swait.ge [sflag:s22], $0x4000  }
0x149: {  	[sflag:s22] =	ssyncset.done $0x0  }
0x14a: {  	s31 =	sor.u32 $0x1700, s26;
	[sflag:s22] =	ssyncadd.s32 $0xFFFFC000  }
0x14b: {  	[spmem:s3] =	stream.indirect.scatter.add.f32 [tilespmem:s16], [sflag:$0x4], $0x80, s31, s20, $0xb8;
	[tilespmem:$0x1E000] =	vst v63  }
0x14c: {  	_ =	swait.ge [sflag:s17], $0x4000  }
0x14d: {  	[sflag:s17] =	ssyncset.done $0x0  }
0x14e: {  	s24 =	sadd.s32 $0x800, s24;
	[sflag:s17] =	ssyncadd.s32 $0xFFFFC000  }
0x14f: {  	p0 =	sne.s32 s24, $0x2800;
	_ =	swait.ge [sflag:s23], $0x4000  }
.Ltmp1:
0x150: {  	[sflag:s23] =	ssyncset.done $0x0;
	(pc) =	sbr.rel @p0 .LBB2_4-.Ltmp1, $4  }
0x151: {  	s26 =	sor.u32 $0x1780, s26;
	[sflag:s23] =	ssyncadd.s32 $0xFFFFC000  }
0x152: {  	[spmem:s3] =	stream.indirect.scatter.add.f32 [tilespmem:s21], [sflag:$0x4], $0x80, s26, s20, $0xb8;
	[tilespmem:$0x1E000] =	vst v63  }
0x153: {  	_ =	swait.ge [sflag:s17], $0x4000  }
0x154: {  	[sflag:s17] =	ssyncset.done $0x0  }
0x155: {  	[sflag:s17] =	ssyncadd.s32 $0xFFFFC000;
	s4 =	sadd.s32 $0x1, s4  }
0x156: {  	s24 =	sshll.u32 s2, $0x6;
	s25 =	sshrl.u32 s6, $0x3;
	p0 =	sne.s32 s4, s14  }
.Ltmp2:
0x157: {  	[bflag:$0x0] =	sbarrier.arrive $0xFFFF;
	s24 =	sor.u32 $0x1C04, s24;
	(pc) =	sbr.rel @p0 .LBB2_1-.Ltmp2, $4  }
0x158: {  	[hbm:s13], [sflag:s24] =	dma.local [spmem:s25], $0x2800  }
0x159: {  	_ =	swait.ge [sflag:s17], $0x2800  }
0x15a: {  	[sflag:s17] =	ssyncset.done $0x0  }
0x15b: {  	[sflag:s17] =	ssyncadd.s32 $0xFFFFD800  }
0x15c: {  	_ =	sfence.sel $0x180000  }
0x15d: {  	[bflag:$0x0] =	sbarrier.arrive $0xFFFF  }
0x15e: {  	p0 =	sne.s32 s2, $0x0;
	_ =	strace $0x9000004A  }
0x15f: {  	s0 =	sadd.s32 @!p0 $0x100000, s1;
	[bflag:$0x2] =	sbarrier.arrive $0xFFFF  }
0x160: {  	[sflag:s0] =	ssyncadd.tile.s32 @!p0 $0x1;
	_ =	shalt  }
.Lfunc_end2:
_tile_overlayer_lowered:
.L_overlay_start_2:
0x161: {  	(tag) =	ssettag $0x2  }
0x162: {  	s0 =	rddreg [dreg:$0x0];
	s2 =	stileid.u32  }
0x163: {  	s1 =	rddreg [dreg:$0x1];
	p0 =	sne.s32 s2, $0x0  }
0x164: {  	s3 =	rddreg [dreg:$0x2];
	[bflag:$0x3] =	sbarrier.arrive $0xFFFF;
	s2 =	simm.s32 @!p0 $0x1C04  }
0x165: {  	[timem:s3], [sflag:s2] =	dma.local @!p0 [hbm:s0], s1  }
0x166: {  	s0 =	simm.s32 @!p0 $0x4  }
0x167: {  	_ =	swait.ge @!p0 [sflag:s0], s1  }
0x168: {  	s1 =	ssub.s32 @!p0 $0x0, s1;
	[sflag:s0] =	ssyncset.done @!p0 $0x0  }
0x169: {  	[sflag:s0] =	ssyncadd.s32 @!p0 s1  }
0x16a: {  	[bflag:$0x3] =	sbarrier.arrive $0xFFFF  }
0x16b: {  	_ =	shalt  }

// kernel: kernel.15.cloned.1.call-start
scs
__scs_entry_jumppad:
0x0: {  	(pc) =	sbr.rel $0x88, $3  }
0x1: {  	(tag) =	ssettag $0x0;
	lr =	simm.s32 $0x1  }
0x2: {  	[smem:$0x3F97] =	sst lr;
	_ =	strace $0xD0000000  }
0x3: {  	_ = 	snop  }
0x4: {  	_ = 	snop  }
0x5: {  	_ = 	snop  }
0x6: {  	_ = 	snop  }
0x7: {  	_ = 	snop  }
__scs_overlays_trampoline_lowered:
0x8: {  	[smem:$0x3FA6] =	sst s0  }
0x9: {  	[smem:$0x3FA7] =	sst s1  }
0xa: {  	[smem:$0x3FA8] =	sst s2  }
0xb: {  	[smem:$0x3FA9] =	sst s3  }
0xc: {  	[smem:$0x3FAA] =	sst s4  }
0xd: {  	[smem:$0x3FAB] =	sst s5  }
0xe: {  	[smem:$0x3FAC] =	sst s6  }
0xf: {  	[smem:$0x3FAD] =	sst s7  }
0x10: {  	[smem:$0x3FAE] =	sst s8  }
0x11: {  	[smem:$0x3FAF] =	sst s9;
	s0 =	simm.s32 @!p0 $0x0  }
0x12: {  	s1 =	sld [smem:$0x3F95];
	s0 =	simm.s32 @p0 $0x1  }
0x13: {  	[smem:$0x3FB0] =	sst s0;
	s0 =	simm.s32 @!p1 $0x0  }
0x14: {  	s2 =	sld [smem:$0x3F94];
	s0 =	simm.s32 @p1 $0x1  }
0x15: {  	[smem:$0x3FB1] =	sst s0;
	s0 =	simm.s32 @!p2 $0x0  }
0x16: {  	s3 =	sld [smem:$0x3FDB];
	s0 =	simm.s32 @p2 $0x1  }
0x17: {  	s4 =	simm.s32 $0x1BF5;
	[smem:$0x3FB3] =	sst s0  }
0x18: {  	s0 =	sld [smem:$0x3F96];
	_ =	swait.ge [sflag:s4], $0x0  }
0x19: {  	s7 =	sld [smem:$0x3F97]  }
0x1a: {  	s8 =	sadd.s32 $0xFFFFE003, lr  }
0x1b: {  	s9 =	sadd.s32 $0xFFFFFEF7, lr;
	s5 =	simm.s32 $0xFFFFFFFF;
	p2 =	slt.u32 s8, $0xFFFFF086  }
0x1c: {  	p1 =	slt.u32 s9, $0xF7A;
	s5 =	simm.s32 @!p2 $0x0  }
0x1d: {  	s5 =	simm.s32 @p1 $0x1;
	p0 =	seq.s32 s7, s2  }
0x1e: {  	s7 =	smul.u32 @!p0 $0xF7A, s2;
	p2 =	seq.s32 @!p0 s5, $0x0  }
0x1f: {  	s9 =	smul.u32 $0xF7A, s1;
	s8 =	simm.s32 @!p0 $0x1BF5;
	p2 =	por !p2, p0  }
0x20: {  	[sflag:s8] =	ssyncset.s32 @!p0 $0xFFFFF086;
	s6 =	sadd.s32 @!p0 s3, s7;
	s7 =	simm.s32 @!p0 $0x108  }
0x21: {  	s3 =	sadd.s32 s3, s9;
	s6 =	sadd.s32 @!p0 $0x88, s6;
	s7 =	simm.s32 @p2 $0x1082  }
0x22: {  	[simem:s7], [sflag:s8] =	dma.local @!p0 [hbm:s6], $0xF7A  }
0x23: {  	s9 =	sor.u32 $0xD0000000, s2;
	s6 =	simm.s32 $0x108;
	_ =	swait.ge @!p0 [sflag:s8], $0x0  }
0x24: {  	s3 =	sadd.s32 $0x88, s3;
	s6 =	simm.s32 @!p1 $0x1082;
	[sflag:s4] =	ssyncset.s32 $0xFFFFF086  }
0x25: {  	[simem:s6], [sflag:s4] =	dma.local [hbm:s3], $0xF7A  }
0x26: {  	[smem:$0x3F97] =	sst s1;
	(tag) =	ssettag s2;
	_ =	strace s9  }
0x27: {  	s1 =	sld [smem:$0x3FA7]  }
0x28: {  	s2 =	sld [smem:$0x3FA8]  }
0x29: {  	s4 =	sld [smem:$0x3FAA]  }
0x2a: {  	p0 =	seq.s32 s5, $0x0;
	s5 =	sld [smem:$0x3FAB]  }
0x2b: {  	s6 =	sld [smem:$0x3FAC]  }
0x2c: {  	s7 =	sld [smem:$0x3FAD]  }
0x2d: {  	s3 =	simm.s32 $0x108;
	s8 =	sld [smem:$0x3FAE]  }
0x2e: {  	s3 =	simm.s32 @!p0 $0x1082;
	s9 =	sld [smem:$0x3FAF]  }
0x2f: {  	lr =	sadd.s32 s0, s3;
	s0 =	sld [smem:$0x3FA6]  }
0x30: {  	s3 =	sld [smem:$0x3FA9]  }
0x31: {  	[smem:$0x3FB2] =	sst s10  }
0x32: {  	s10 =	sld [smem:$0x3FB0];
	_ =	sdelay $0x3  }
0x33: {  	p0 =	seq.s32 s10, $0x1;
	s10 =	sld [smem:$0x3FB2];
	_ =	sdelay $0x3  }
0x34: {  	[smem:$0x3FB2] =	sst s10  }
0x35: {  	s10 =	sld [smem:$0x3FB1];
	_ =	sdelay $0x3  }
0x36: {  	p1 =	seq.s32 s10, $0x1;
	s10 =	sld [smem:$0x3FB2];
	_ =	sdelay $0x3  }
0x37: {  	[smem:$0x3FB2] =	sst s10  }
0x38: {  	s10 =	sld [smem:$0x3FB3]  }
0x39: {  	_ = 	snop;
	(pc) =	sbr.ind lr, $3  }
0x3a: {  	_ = 	snop  }
0x3b: {  	_ = 	snop  }
0x3c: {  	p2 =	seq.s32 s10, $0x1;
	s10 =	sld [smem:$0x3FB2]  }
0x3d: {  	_ =	shalt  }
0x3e: {  	_ =	shalt  }
0x3f: {  	_ =	shalt  }
0x40: {  	_ =	shalt  }
0x41: {  	_ =	shalt  }
0x42: {  	_ =	shalt  }
0x43: {  	_ =	shalt  }
0x44: {  	_ =	shalt  }
0x45: {  	_ =	shalt  }
0x46: {  	_ =	shalt  }
0x47: {  	_ =	shalt  }
0x48: {  	_ =	shalt  }
0x49: {  	_ =	shalt  }
0x4a: {  	_ =	shalt  }
0x4b: {  	_ =	shalt  }
0x4c: {  	_ =	shalt  }
0x4d: {  	_ =	shalt  }
0x4e: {  	_ =	shalt  }
0x4f: {  	_ =	shalt  }
0x50: {  	_ =	shalt  }
0x51: {  	_ =	shalt  }
0x52: {  	_ =	shalt  }
0x53: {  	_ =	shalt  }
0x54: {  	_ =	shalt  }
0x55: {  	_ =	shalt  }
0x56: {  	_ =	shalt  }
0x57: {  	_ =	shalt  }
0x58: {  	_ =	shalt  }
0x59: {  	_ =	shalt  }
0x5a: {  	_ =	shalt  }
0x5b: {  	_ =	shalt  }
0x5c: {  	_ =	shalt  }
0x5d: {  	_ =	shalt  }
0x5e: {  	_ =	shalt  }
0x5f: {  	_ =	shalt  }
0x60: {  	_ =	shalt  }
0x61: {  	_ =	shalt  }
0x62: {  	_ =	shalt  }
0x63: {  	_ =	shalt  }
0x64: {  	_ =	shalt  }
0x65: {  	_ =	shalt  }
0x66: {  	_ =	shalt  }
0x67: {  	_ =	shalt  }
0x68: {  	_ =	shalt  }
0x69: {  	_ =	shalt  }
0x6a: {  	_ =	shalt  }
0x6b: {  	_ =	shalt  }
0x6c: {  	_ =	shalt  }
0x6d: {  	_ =	shalt  }
0x6e: {  	_ =	shalt  }
0x6f: {  	_ =	shalt  }
0x70: {  	_ =	shalt  }
0x71: {  	_ =	shalt  }
0x72: {  	_ =	shalt  }
0x73: {  	_ =	shalt  }
0x74: {  	_ =	shalt  }
0x75: {  	_ =	shalt  }
0x76: {  	_ =	shalt  }
0x77: {  	_ =	shalt  }
0x78: {  	_ =	shalt  }
0x79: {  	_ =	shalt  }
0x7a: {  	_ =	shalt  }
0x7b: {  	_ =	shalt  }
0x7c: {  	_ =	shalt  }
0x7d: {  	_ =	shalt  }
0x7e: {  	_ =	shalt  }
0x7f: {  	_ =	shalt  }
0x80: {  	_ =	shalt  }
0x81: {  	_ =	shalt  }
0x82: {  	_ =	shalt  }
0x83: {  	_ =	shalt  }
0x84: {  	_ =	shalt  }
0x85: {  	_ =	shalt  }
0x86: {  	_ =	shalt  }
0x87: {  	_ =	shalt  }
.Lfunc_end0:
.L_simem_size_0:
called_computation.2_lowered:
.L_overlay_start_0:
0x88: {  	s2 =	sld [smem:$0x3FD9]  }
0x89: {  	s3 =	sld [smem:$0x3FFE];
	_ =	sdelay $0x1  }
0x8a: {  	s1 =	srdreg.scid  }
0x8b: {  	s0 =	sand.u32 $0x1, s1  }
0x8c: {  	s17 =	sshll.u32 s0, $0xA;
	s2 =	sadd.s32 s3, s2  }
0x8d: {  	s2 =	sadd.s32 s2, s17  }
0x8e: {  	[smem:$0x3FBE] =	sst s2  }
0x8f: {  	_ = 	snop  }
0x90: {  	s2 =	sld [smem:$0x3FD0];
	(tm) =	ssettm $0x1  }
0x91: {  	s18 =	sld [smem:$0x3FFB];
	_ =	sdelay $0x3  }
0x92: {  	_ =	strace s18  }
0x93: {  	s3 =	sld [smem:$0x3FFC];
	_ =	sdelay $0x3  }
0x94: {  	_ =	strace s3  }
0x95: {  	s3 =	sld [smem:$0x3FFD];
	_ =	sdelay $0x3  }
0x96: {  	_ =	strace s3  }
0x97: {  	_ =	strace $0x8FFFFFFF  }
0x98: {  	s19 =	sld [smem:$0x3FDB];
	_ =	sdelay $0x1  }
0x99: {  	s4 =	simm.s32 $_scs_section_size  }
0x9a: {  	s5 =	simm.s32 $_size__tile_overlayer_lowered;
	s6 =	simm.s32 $_tile_overlayer_lowered  }
0x9b: {  	s22 =	simm.s32 $0x1BFF;
	s21 =	sshll.u32 s6, $0x1;
	s3 =	sadd.s32 s4, s19  }
0x9c: {  	s7 =	simm.s32 $0x0;
	s20 =	sshll.u32 s5, $0x1;
	s5 =	sadd.s32 s21, s3  }
0x9d: {  	[timem:s7], [sflag:s22] =	dma.local [hbm:s5], s20  }
0x9e: {  	_ =	swait.ge [sflag:s22], s20  }
0x9f: {  	s4 =	ssub.s32 $0x0, s20;
	[sflag:s22] =	ssyncset.done $0x0  }
0xa0: {  	[sflag:s22] =	ssyncadd.s32 s4;
	_ =	sdelay $0x1  }
0xa1: {  	s23 =	simm.s32 $0x1B8B  }
0xa2: {  	_ =	swait.ge [sflag:s23], $0x1  }
0xa3: {  	[sflag:s23] =	ssyncset.done $0x0  }
0xa4: {  	s25 =	simm.s32 $0x1B8E;
	s24 =	sld [smem:$0x3FFE];
	[sflag:s23] =	ssyncadd.s32 $0xFFFFFFFF  }
0xa5: {  	s26 =	simm.s32 $execute0_lowered;
	[smem:$0x3FD2] =	sst s25  }
0xa6: {  	s5 =	sshll.u32 s26, $0x1;
	_ =	strace $0x8000004C;
	[dreg:$0x1] =	wrdreg $0xFFFFFFFF  }
0xa7: {  	s28 =	simm.s32 $_size_execute0_lowered;
	s3 =	sadd.s32 s3, s5;
	[dreg:$0x0] =	wrdreg $0x0  }
0xa8: {  	s5 =	sshll.u32 s28, $0x1;
	[dreg:$0x2] =	wrdreg s3  }
0xa9: {  	[dreg:$0x3] =	wrdreg s5  }
0xaa: {  	[dreg:$0x4] =	wrdreg $0xC0  }
0xab: {  	_ =	task [dreg:s7], $0x5FFFF  }
0xac: {  	[dreg:$0x1] =	wrdreg $0xFFFFFFFF  }
0xad: {  	[dreg:$0x0] =	wrdreg $0x60  }
0xae: {  	[dreg:$0x2] =	wrdreg s2  }
0xaf: {  	[dreg:$0x3] =	wrdreg s24  }
0xb0: {  	[dreg:$0x4] =	wrdreg $0xA0000  }
0xb1: {  	[dreg:$0x5] =	wrdreg $0x9  }
0xb2: {  	_ =	task.clear_ibuf [dreg:s7], $0x6FFFF;
	_ =	strace $0x9000004C  }
0xb3: {  	s29 =	simm.s32 $0x9;
	_ =	strace $0x8000004E  }
0xb4: {  	_ =	swait.ge [sflag:s29], $0x1  }
0xb5: {  	[sflag:s29] =	ssyncadd.s32 $0xFFFFFFFF  }
0xb6: {  	_ =	strace $0x9000004E  }
0xb7: {  	_ =	sfence  }
0xb8: {  	s30 =	sld [smem:$0x0];
	_ =	sdelay $0x2  }
0xb9: {  	s31 =	sshll.u32 s1, $0xD;
	s1 =	sshrl.u32 s1, $0x2  }
0xba: {  	s3 =	sand.u32 $0x4000, s31;
	s1 =	sadd.s32 s1, s30  }
0xbb: {  	s0 =	sor.u32 s3, s0;
	s1 =	sshll.u32 s1, $0x11  }
0xbc: {  	s0 =	sor.u32 s1, s0  }
0xbd: {  	s0 =	sadd.s32 $0x8F2B, s0  }
0xbe: {  	[sflag:s0] =	ssyncadd.remote.s32 $0x1  }
0xbf: {  	_ =	sfence.sel $0xFFFF  }
0xc0: {  	[dreg:$0x0] =	wrdreg $0xFFFFFFFF;
	(pc) =	sbr.abs _section_cstart, $3  }
0xc1: {  	[dreg:$0x1] =	wrdreg $0xFFFFFFFF  }
0xc2: {  	_ =	task.clear_ibuf [dreg:s7], $0x2FFFF;
	_ =	strace $0x9FFFFFFF  }
0xc3: {  	(tm) =	ssettm $0x7FFFFFFF  }
tec
execute0_lowered:
.L_overlay_start_1:
0x0: {  	(tag) =	ssettag $0x1  }
0x1: {  	s0 =	rddreg [dreg:$0x0]  }
0x2: {  	s6 =	rddreg [dreg:$0x1];
	s1 =	srdreg.scid  }
0x3: {  	s3 =	rddreg [dreg:$0x2];
	s2 =	stileid.u32  }
0x4: {  	s4 =	simm.s32 $0x0;
	s17 =	simm.s32 $0x4;
	s18 =	simm.s32 $0x1000  }
0x5: {  	s19 =	simm.s32 $0x3;
	s20 =	simm.s32 $0x80;
	s21 =	simm.s32 $0x6000  }
0x6: {  	s22 =	simm.s32 $0x1;
	s23 =	simm.s32 $0x2;
	s9 =	smul.u32 $0x14000, s2  }
0x7: {  	s7 =	sand.u32 $0x1, s1;
	s1 =	rddreg [dreg:$0x3];
	s10 =	smul.u32 $0x50000, s2  }
0x8: {  	[smem:$0x7FF] =	sst s4;
	s5 =	sadd.s32 $0x3400, s6;
	s16 =	smul.u32 $0x2800, s2  }
0x9: {  	s8 =	smul.u32 $0x140000, s7;
	_ =	strace $0x8000004D;
	s26 =	sshll.u32 s7, $0x4  }
0xa: {  	s28 =	ssub.s32 $0x2, s7;
	s15 =	smul.u32 $0x28000, s7;
	s29 =	sor.u32 s2, s26  }
0xb: {  	s30 =	sshrl.u32 s28, $0x1;
	s10 =	sshrl.u32 s10, $0x2;
	s8 =	sadd.s32 s9, s8  }
0xc: {  	s14 =	ssub.s32 s28, s30;
	s15 =	sadd.s32 s16, s15;
	s8 =	sshrl.u32 s8, $0x3  }
0xd: {  	s16 =	sadd.s32 $0x800, s15;
	s15 =	sadd.s32 $0x50800, s15;
	s14 =	smax.u32 s14, $0x1  }
0xe: {  	s13 =	sadd.s32 s8, s6;
	s8 =	smul.u32 $0x2800, s29;
	s6 =	sadd.s32 s10, s3  }
0xf: {  	[dreg:$0x4] =	wrdreg s16;
	s15 =	sshrl.u32 s15, $0x3;
	s16 =	simm.s32 $0x2000  }
0x10: {  	s7 =	sadd.s32 $0x4000, s6;
	s9 =	sadd.s32 $0xC000, s6;
	s31 =	sshrl.u32 s8, $0x3  }
0x11: {  	s11 =	sadd.s32 $0x10000, s6;
	s13 =	sadd.s32 $0x17400, s13;
	s10 =	sadd.s32 s5, s31  }
0x12: {  	v0 =	vimm.f32 $0.0e+00;
	s15 =	sadd.s32 s15, s5;
	s8 =	sadd.s32 $0x8000, s6;
	s12 =	sadd.s32 $0xA000, s10  }
.LBB2_1:
0x13: {  	s24 =	simm.s32 $0x0;
	s25 =	simm.s32 $0x200  }
.LBB2_2:
0x14: {  	p0 =	sne.s32 s25, $0xFE00;
	[tilespmem:s24+$0x2070] =	vst v0  }
0x15: {  	[tilespmem:s24+$0x2000] =	vst v0  }
0x16: {  	[tilespmem:s24+$0x2010] =	vst v0  }
.Ltmp0:
0x17: {  	[tilespmem:s24+$0x2020] =	vst v0;
	(pc) =	sbr.rel @p0 .LBB2_2-.Ltmp0, $4  }
0x18: {  	[tilespmem:s24+$0x2030] =	vst v0  }
0x19: {  	[tilespmem:s24+$0x2040] =	vst v0  }
0x1a: {  	[tilespmem:s24+$0x2050] =	vst v0  }
0x1b: {  	[tilespmem:s24+$0x2060] =	vst v0;
	s24 =	sshra.s32 s25, $0x2;
	s25 =	sadd.s32 $0x200, s25  }
0x1c: {  	[tilespmem:s24+$0x2070] =	vst v0  }
0x1d: {  	[tilespmem:s24+$0x2000] =	vst v0  }
0x1e: {  	[tilespmem:s24+$0x2010] =	vst v0  }
0x1f: {  	[tilespmem:s24+$0x2020] =	vst v0  }
0x20: {  	[tilespmem:s24+$0x2030] =	vst v0  }
0x21: {  	[tilespmem:s24+$0x2040] =	vst v0  }
0x22: {  	[tilespmem:s24+$0x2050] =	vst v0  }
0x23: {  	[tilespmem:s24+$0x2060] =	vst v0  }
0x24: {  	[spmem:s6] =	stream.linear.scatter [tilespmem:s16], [sflag:$0x4], $0x4000, $0x38;
	[tilespmem:$0x1E000] =	vst v63  }
0x25: {  	_ =	swait.ge [sflag:s17], $0x4000  }
0x26: {  	[sflag:s17] =	ssyncset.done $0x0  }
0x27: {  	[sflag:s17] =	ssyncadd.s32 $0xFFFFC000  }
0x28: {  	[spmem:s7] =	stream.linear.scatter [tilespmem:s16], [sflag:$0x4], $0x4000, $0x38;
	[tilespmem:$0x1E000] =	vst v63  }
0x29: {  	_ =	swait.ge [sflag:s17], $0x4000  }
0x2a: {  	[sflag:s17] =	ssyncset.done $0x0  }
0x2b: {  	[sflag:s17] =	ssyncadd.s32 $0xFFFFC000  }
0x2c: {  	[spmem:s8] =	stream.linear.scatter [tilespmem:s16], [sflag:$0x4], $0x4000, $0x38;
	[tilespmem:$0x1E000] =	vst v63  }
0x2d: {  	_ =	swait.ge [sflag:s17], $0x4000  }
0x2e: {  	[sflag:s17] =	ssyncset.done $0x0  }
0x2f: {  	[sflag:s17] =	ssyncadd.s32 $0xFFFFC000  }
0x30: {  	[spmem:s9] =	stream.linear.scatter [tilespmem:s16], [sflag:$0x4], $0x4000, $0x38;
	[tilespmem:$0x1E000] =	vst v63  }
0x31: {  	_ =	swait.ge [sflag:s17], $0x4000  }
0x32: {  	[sflag:s17] =	ssyncset.done $0x0  }
0x33: {  	[sflag:s17] =	ssyncadd.s32 $0xFFFFC000  }
0x34: {  	[spmem:s11] =	stream.linear.scatter [tilespmem:s16], [sflag:$0x4], $0x4000, $0x38;
	[tilespmem:$0x1E000] =	vst v63  }
0x35: {  	_ =	swait.ge [sflag:s17], $0x4000  }
0x36: {  	[sflag:s17] =	ssyncset.done $0x0  }
0x37: {  	[sflag:s17] =	ssyncadd.s32 $0xFFFFC000  }
0x38: {  	s24 =	simm.s32 $0x0;
	[bflag:$0x0] =	sbarrier.arrive $0xFFFF  }
0x39: {  	[tilespmem:s24], [sflag:$0x3] =	stream.linear.gather [hbm4b:s10+s24], $0x800, $0x38;
	[tilespmem:$0x1E000] =	vst v63  }
0x3a: {  	_ = 	snop  }
0x3b: {  	[tilespmem:s18], [sflag:$0x3] =	stream.linear.gather [hbm4b:s12+s24], $0x800, $0x38;
	[tilespmem:$0x1E000] =	vst v63  }
0x3c: {  	_ =	swait.ge [sflag:s19], $0x800  }
0x3d: {  	[sflag:s19] =	ssyncset.done $0x0  }
0x3e: {  	[sflag:s19] =	ssyncadd.s32 $0xFFFFF800  }
0x3f: {  	_ =	swait.ge [sflag:s19], $0x800  }
0x40: {  	p0 =	por $0x0, $0x0;
	s25 =	rddreg [dreg:$0x4]  }
0x41: {  	s26 =	sxor.u32 @!p0 $0xFFFFFFFF, s24;
	s25 =	sadd.s32 @!p0 $0x0, s25  }
0x42: {  	s28 =	simm.s32 @!p0 $0x0;
	[sflag:s19] =	ssyncset.done $0x0;
	s25 =	sshrl.u32 @!p0 s25, $0x3  }
0x43: {  	s26 =	sand.u32 @!p0 $0x800, s26;
	[sflag:s19] =	ssyncadd.s32 $0xFFFFF800;
	s25 =	sadd.s32 @!p0 s5, s25  }
0x44: {  	[tilespmem:s26], [sflag:$0x3] =	stream.linear.gather @!p0 [hbm4b:s25+s28], $0x800, $0x38;
	[tilespmem:$0x1E000] =	vst v63  }
0x45: {  	s25 =	sor.u32 @!p0 $0x1000, s26  }
0x46: {  	[tilespmem:s25], [sflag:$0x3] =	stream.linear.gather @!p0 [hbm4b:s15+s28], $0x800, $0x38;
	[tilespmem:$0x1E000] =	vst v63  }
0x47: {  	s24 =	sand.u32 $0x800, s24  }
0x48: {  	[tilespmem:s16], [sflag:$0x1] =	stream.indirect.gather [hbm4b:s0+s20], $0x80, s24, s20, $0xb8;
	[tilespmem:$0x1E000] =	vst v63  }
0x49: {  	s26 =	sor.u32 $0x80, s24  }
0x4a: {  	[tilespmem:s21], [sflag:$0x2] =	stream.indirect.gather [hbm4b:s0+s20], $0x80, s26, s20, $0xb8;
	[tilespmem:$0x1E000] =	vst v63  }
0x4b: {  	_ =	swait.ge [sflag:s22], $0x4000  }
0x4c: {  	[sflag:s22] =	ssyncset.done $0x0  }
0x4d: {  	s28 =	sor.u32 $0x1000, s24;
	[sflag:s22] =	ssyncadd.s32 $0xFFFFC000  }
0x4e: {  	[spmem:s3] =	stream.indirect.scatter.add.f32 [tilespmem:s16], [sflag:$0x4], $0x80, s28, s20, $0xb8;
	[tilespmem:$0x1E000] =	vst v63  }
0x4f: {  	_ =	swait.ge [sflag:s17], $0x4000  }
0x50: {  	[sflag:s17] =	ssyncset.done $0x0  }
0x51: {  	s29 =	sor.u32 $0x100, s24;
	[sflag:s17] =	ssyncadd.s32 $0xFFFFC000  }
0x52: {  	[tilespmem:s16], [sflag:$0x1] =	stream.indirect.gather [hbm4b:s0+s20], $0x80, s29, s20, $0xb8;
	[tilespmem:$0x1E000] =	vst v63  }
0x53: {  	_ =	swait.ge [sflag:s23], $0x4000  }
0x54: {  	[sflag:s23] =	ssyncset.done $0x0  }
0x55: {  	s30 =	sor.u32 $0x1080, s24;
	[sflag:s23] =	ssyncadd.s32 $0xFFFFC000  }
0x56: {  	[spmem:s3] =	stream.indirect.scatter.add.f32 [tilespmem:s21], [sflag:$0x4], $0x80, s30, s20, $0xb8;
	[tilespmem:$0x1E000] =	vst v63  }
0x57: {  	_ =	swait.ge [sflag:s17], $0x4000  }
0x58: {  	[sflag:s17] =	ssyncset.done $0x0  }
0x59: {  	s31 =	sor.u32 $0x180, s24;
	[sflag:s17] =	ssyncadd.s32 $0xFFFFC000  }
0x5a: {  	[tilespmem:s21], [sflag:$0x2] =	stream.indirect.gather [hbm4b:s0+s20], $0x80, s31, s20, $0xb8;
	[tilespmem:$0x1E000] =	vst v63  }
0x5b: {  	_ =	swait.ge [sflag:s22], $0x4000  }
0x5c: {  	[sflag:s22] =	ssyncset.done $0x0  }
0x5d: {  	s26 =	sor.u32 $0x1100, s24;
	[sflag:s22] =	ssyncadd.s32 $0xFFFFC000  }
0x5e: {  	[spmem:s3] =	stream.indirect.scatter.add.f32 [tilespmem:s16], [sflag:$0x4], $0x80, s26, s20, $0xb8;
	[tilespmem:$0x1E000] =	vst v63  }
0x5f: {  	_ =	swait.ge [sflag:s17], $0x4000  }
0x60: {  	[sflag:s17] =	ssyncset.done $0x0  }
0x61: {  	s28 =	sor.u32 $0x200, s24;
	[sflag:s17] =	ssyncadd.s32 $0xFFFFC000  }
0x62: {  	[tilespmem:s16], [sflag:$0x1] =	stream.indirect.gather [hbm4b:s0+s20], $0x80, s28, s20, $0xb8;
	[tilespmem:$0x1E000] =	vst v63  }
0x63: {  	_ =	swait.ge [sflag:s23], $0x4000  }
0x64: {  	[sflag:s23] =	ssyncset.done $0x0  }
0x65: {  	s29 =	sor.u32 $0x1180, s24;
	[sflag:s23] =	ssyncadd.s32 $0xFFFFC000  }
0x66: {  	[spmem:s3] =	stream.indirect.scatter.add.f32 [tilespmem:s21], [sflag:$0x4], $0x80, s29, s20, $0xb8;
	[tilespmem:$0x1E000] =	vst v63  }
0x67: {  	_ =	swait.ge [sflag:s17], $0x4000  }
0x68: {  	[sflag:s17] =	ssyncset.done $0x0  }
0x69: {  	s30 =	sor.u32 $0x280, s24;
	[sflag:s17] =	ssyncadd.s32 $0xFFFFC000  }
0x6a: {  	[tilespmem:s21], [sflag:$0x2] =	stream.indirect.gather [hbm4b:s0+s20], $0x80, s30, s20, $0xb8;
	[tilespmem:$0x1E000] =	vst v63  }
0x6b: {  	_ =	swait.ge [sflag:s22], $0x4000  }
0x6c: {  	[sflag:s22] =	ssyncset.done $0x0  }
0x6d: {  	s31 =	sor.u32 $0x1200, s24;
	[sflag:s22] =	ssyncadd.s32 $0xFFFFC000  }
0x6e: {  	[spmem:s3] =	stream.indirect.scatter.add.f32 [tilespmem:s16], [sflag:$0x4], $0x80, s31, s20, $0xb8;
	[tilespmem:$0x1E000] =	vst v63  }
0x6f: {  	_ =	swait.ge [sflag:s17], $0x4000  }
0x70: {  	[sflag:s17] =	ssyncset.done $0x0  }
0x71: {  	s26 =	sor.u32 $0x300, s24;
	[sflag:s17] =	ssyncadd.s32 $0xFFFFC000  }
0x72: {  	[tilespmem:s16], [sflag:$0x1] =	stream.indirect.gather [hbm4b:s0+s20], $0x80, s26, s20, $0xb8;
	[tilespmem:$0x1E000] =	vst v63  }
0x73: {  	_ =	swait.ge [sflag:s23], $0x4000  }
0x74: {  	[sflag:s23] =	ssyncset.done $0x0  }
0x75: {  	s28 =	sor.u32 $0x1280, s24;
	[sflag:s23] =	ssyncadd.s32 $0xFFFFC000  }
0x76: {  	[spmem:s3] =	stream.indirect.scatter.add.f32 [tilespmem:s21], [sflag:$0x4], $0x80, s28, s20, $0xb8;
	[tilespmem:$0x1E000] =	vst v63  }
0x77: {  	_ =	swait.ge [sflag:s17], $0x4000  }
0x78: {  	[sflag:s17] =	ssyncset.done $0x0  }
0x79: {  	s29 =	sor.u32 $0x380, s24;
	[sflag:s17] =	ssyncadd.s32 $0xFFFFC000  }
0x7a: {  	[tilespmem:s21], [sflag:$0x2] =	stream.indirect.gather [hbm4b:s0+s20], $0x80, s29, s20, $0xb8;
	[tilespmem:$0x1E000] =	vst v63  }
0x7b: {  	_ =	swait.ge [sflag:s22], $0x4000  }
0x7c: {  	[sflag:s22] =	ssyncset.done $0x0  }
0x7d: {  	s30 =	sor.u32 $0x1300, s24;
	[sflag:s22] =	ssyncadd.s32 $0xFFFFC000  }
0x7e: {  	[spmem:s3] =	stream.indirect.scatter.add.f32 [tilespmem:s16], [sflag:$0x4], $0x80, s30, s20, $0xb8;
	[tilespmem:$0x1E000] =	vst v63  }
0x7f: {  	_ =	swait.ge [sflag:s17], $0x4000  }
0x80: {  	[sflag:s17] =	ssyncset.done $0x0  }
0x81: {  	s31 =	sor.u32 $0x400, s24;
	[sflag:s17] =	ssyncadd.s32 $0xFFFFC000  }
0x82: {  	[tilespmem:s16], [sflag:$0x1] =	stream.indirect.gather [hbm4b:s0+s20], $0x80, s31, s20, $0xb8;
	[tilespmem:$0x1E000] =	vst v63  }
0x83: {  	_ =	swait.ge [sflag:s23], $0x4000  }
0x84: {  	[sflag:s23] =	ssyncset.done $0x0  }
0x85: {  	s26 =	sor.u32 $0x1380, s24;
	[sflag:s23] =	ssyncadd.s32 $0xFFFFC000  }
0x86: {  	[spmem:s3] =	stream.indirect.scatter.add.f32 [tilespmem:s21], [sflag:$0x4], $0x80, s26, s20, $0xb8;
	[tilespmem:$0x1E000] =	vst v63  }
0x87: {  	_ =	swait.ge [sflag:s17], $0x4000  }
0x88: {  	[sflag:s17] =	ssyncset.done $0x0  }
0x89: {  	s28 =	sor.u32 $0x480, s24;
	[sflag:s17] =	ssyncadd.s32 $0xFFFFC000  }
0x8a: {  	[tilespmem:s21], [sflag:$0x2] =	stream.indirect.gather [hbm4b:s0+s20], $0x80, s28, s20, $0xb8;
	[tilespmem:$0x1E000] =	vst v63  }
0x8b: {  	_ =	swait.ge [sflag:s22], $0x4000  }
0x8c: {  	[sflag:s22] =	ssyncset.done $0x0  }
0x8d: {  	s29 =	sor.u32 $0x1400, s24;
	[sflag:s22] =	ssyncadd.s32 $0xFFFFC000  }
0x8e: {  	[spmem:s3] =	stream.indirect.scatter.add.f32 [tilespmem:s16], [sflag:$0x4], $0x80, s29, s20, $0xb8;
	[tilespmem:$0x1E000] =	vst v63  }
0x8f: {  	_ =	swait.ge [sflag:s17], $0x4000  }
0x90: {  	[sflag:s17] =	ssyncset.done $0x0  }
0x91: {  	s30 =	sor.u32 $0x500, s24;
	[sflag:s17] =	ssyncadd.s32 $0xFFFFC000  }
0x92: {  	[tilespmem:s16], [sflag:$0x1] =	stream.indirect.gather [hbm4b:s0+s20], $0x80, s30, s20, $0xb8;
	[tilespmem:$0x1E000] =	vst v63  }
0x93: {  	_ =	swait.ge [sflag:s23], $0x4000  }
0x94: {  	[sflag:s23] =	ssyncset.done $0x0  }
0x95: {  	s31 =	sor.u32 $0x1480, s24;
	[sflag:s23] =	ssyncadd.s32 $0xFFFFC000  }
0x96: {  	[spmem:s3] =	stream.indirect.scatter.add.f32 [tilespmem:s21], [sflag:$0x4], $0x80, s31, s20, $0xb8;
	[tilespmem:$0x1E000] =	vst v63  }
0x97: {  	_ =	swait.ge [sflag:s17], $0x4000  }
0x98: {  	[sflag:s17] =	ssyncset.done $0x0  }
0x99: {  	s26 =	sor.u32 $0x580, s24;
	[sflag:s17] =	ssyncadd.s32 $0xFFFFC000  }
0x9a: {  	[tilespmem:s21], [sflag:$0x2] =	stream.indirect.gather [hbm4b:s0+s20], $0x80, s26, s20, $0xb8;
	[tilespmem:$0x1E000] =	vst v63  }
0x9b: {  	_ =	swait.ge [sflag:s22], $0x4000  }
0x9c: {  	[sflag:s22] =	ssyncset.done $0x0  }
0x9d: {  	s28 =	sor.u32 $0x1500, s24;
	[sflag:s22] =	ssyncadd.s32 $0xFFFFC000  }
0x9e: {  	[spmem:s3] =	stream.indirect.scatter.add.f32 [tilespmem:s16], [sflag:$0x4], $0x80, s28, s20, $0xb8;
	[tilespmem:$0x1E000] =	vst v63  }
0x9f: {  	_ =	swait.ge [sflag:s17], $0x4000  }
0xa0: {  	[sflag:s17] =	ssyncset.done $0x0  }
0xa1: {  	s29 =	sor.u32 $0x600, s24;
	[sflag:s17] =	ssyncadd.s32 $0xFFFFC000  }
0xa2: {  	[tilespmem:s16], [sflag:$0x1] =	stream.indirect.gather [hbm4b:s0+s20], $0x80, s29, s20, $0xb8;
	[tilespmem:$0x1E000] =	vst v63  }
0xa3: {  	_ =	swait.ge [sflag:s23], $0x4000  }
0xa4: {  	[sflag:s23] =	ssyncset.done $0x0  }
0xa5: {  	s30 =	sor.u32 $0x1580, s24;
	[sflag:s23] =	ssyncadd.s32 $0xFFFFC000  }
0xa6: {  	[spmem:s3] =	stream.indirect.scatter.add.f32 [tilespmem:s21], [sflag:$0x4], $0x80, s30, s20, $0xb8;
	[tilespmem:$0x1E000] =	vst v63  }
0xa7: {  	_ =	swait.ge [sflag:s17], $0x4000  }
0xa8: {  	[sflag:s17] =	ssyncset.done $0x0  }
0xa9: {  	s31 =	sor.u32 $0x680, s24;
	[sflag:s17] =	ssyncadd.s32 $0xFFFFC000  }
0xaa: {  	[tilespmem:s21], [sflag:$0x2] =	stream.indirect.gather [hbm4b:s0+s20], $0x80, s31, s20, $0xb8;
	[tilespmem:$0x1E000] =	vst v63  }
0xab: {  	_ =	swait.ge [sflag:s22], $0x4000  }
0xac: {  	[sflag:s22] =	ssyncset.done $0x0  }
0xad: {  	s26 =	sor.u32 $0x1600, s24;
	[sflag:s22] =	ssyncadd.s32 $0xFFFFC000  }
0xae: {  	[spmem:s3] =	stream.indirect.scatter.add.f32 [tilespmem:s16], [sflag:$0x4], $0x80, s26, s20, $0xb8;
	[tilespmem:$0x1E000] =	vst v63  }
0xaf: {  	_ =	swait.ge [sflag:s17], $0x4000  }
0xb0: {  	[sflag:s17] =	ssyncset.done $0x0  }
0xb1: {  	s28 =	sor.u32 $0x700, s24;
	[sflag:s17] =	ssyncadd.s32 $0xFFFFC000  }
0xb2: {  	[tilespmem:s16], [sflag:$0x1] =	stream.indirect.gather [hbm4b:s0+s20], $0x80, s28, s20, $0xb8;
	[tilespmem:$0x1E000] =	vst v63  }
0xb3: {  	_ =	swait.ge [sflag:s23], $0x4000  }
0xb4: {  	[sflag:s23] =	ssyncset.done $0x0  }
0xb5: {  	s29 =	sor.u32 $0x1680, s24;
	[sflag:s23] =	ssyncadd.s32 $0xFFFFC000  }
0xb6: {  	[spmem:s3] =	stream.indirect.scatter.add.f32 [tilespmem:s21], [sflag:$0x4], $0x80, s29, s20, $0xb8;
	[tilespmem:$0x1E000] =	vst v63  }
0xb7: {  	_ =	swait.ge [sflag:s17], $0x4000  }
0xb8: {  	[sflag:s17] =	ssyncset.done $0x0  }
0xb9: {  	s30 =	sor.u32 $0x780, s24;
	[sflag:s17] =	ssyncadd.s32 $0xFFFFC000  }
0xba: {  	[tilespmem:s21], [sflag:$0x2] =	stream.indirect.gather [hbm4b:s0+s20], $0x80, s30, s20, $0xb8;
	[tilespmem:$0x1E000] =	vst v63  }
0xbb: {  	_ =	swait.ge [sflag:s22], $0x4000  }
0xbc: {  	[sflag:s22] =	ssyncset.done $0x0  }
0xbd: {  	s31 =	sor.u32 $0x1700, s24;
	[sflag:s22] =	ssyncadd.s32 $0xFFFFC000  }
0xbe: {  	[spmem:s3] =	stream.indirect.scatter.add.f32 [tilespmem:s16], [sflag:$0x4], $0x80, s31, s20, $0xb8;
	[tilespmem:$0x1E000] =	vst v63  }
0xbf: {  	_ =	swait.ge [sflag:s17], $0x4000  }
0xc0: {  	[sflag:s17] =	ssyncset.done $0x0  }
0xc1: {  	[sflag:s17] =	ssyncadd.s32 $0xFFFFC000  }
0xc2: {  	_ =	swait.ge [sflag:s23], $0x4000  }
0xc3: {  	[sflag:s23] =	ssyncset.done $0x0  }
0xc4: {  	s24 =	sor.u32 $0x1780, s24;
	[sflag:s23] =	ssyncadd.s32 $0xFFFFC000  }
0xc5: {  	[spmem:s3] =	stream.indirect.scatter.add.f32 [tilespmem:s21], [sflag:$0x4], $0x80, s24, s20, $0xb8;
	[tilespmem:$0x1E000] =	vst v63  }
0xc6: {  	_ =	swait.ge [sflag:s17], $0x4000  }
0xc7: {  	s25 =	smov.u32 s15;
	s24 =	simm.s32 $0x800;
	[sflag:s17] =	ssyncset.done $0x0  }
.LBB2_4:
0xc8: {  	[sflag:s17] =	ssyncadd.s32 $0xFFFFC000  }
0xc9: {  	_ =	swait.ge [sflag:s19], $0x800  }
0xca: {  	[sflag:s19] =	ssyncset.done $0x0  }
0xcb: {  	[sflag:s19] =	ssyncadd.s32 $0xFFFFF800  }
0xcc: {  	s26 =	smov.u32 s24;
	_ =	swait.ge [sflag:s19], $0x800  }
0xcd: {  	p1 =	seq.s32 s26, $0x2000;
	s28 =	rddreg [dreg:$0x4]  }
0xce: {  	s29 =	sxor.u32 @!p1 $0xFFFFFFFF, s26;
	s28 =	sadd.s32 @!p1 s26, s28  }
0xcf: {  	s30 =	simm.s32 @!p1 $0x0;
	[sflag:s19] =	ssyncset.done $0x0;
	s28 =	sshrl.u32 @!p1 s28, $0x3  }
0xd0: {  	s29 =	sand.u32 @!p1 $0x800, s29;
	[sflag:s19] =	ssyncadd.s32 $0xFFFFF800;
	s28 =	sadd.s32 @!p1 s5, s28  }
0xd1: {  	[tilespmem:s29], [sflag:$0x3] =	stream.linear.gather @!p1 [hbm4b:s28+s30], $0x800, $0x38;
	[tilespmem:$0x1E000] =	vst v63  }
0xd2: {  	s25 =	sadd.s32 $0x100, s25;
	s28 =	sor.u32 @!p1 $0x1000, s29  }
0xd3: {  	[tilespmem:s28], [sflag:$0x3] =	stream.linear.gather @!p1 [hbm4b:s25+s30], $0x800, $0x38;
	[tilespmem:$0x1E000] =	vst v63  }
0xd4: {  	s26 =	sand.u32 $0x800, s26  }
0xd5: {  	[tilespmem:s16], [sflag:$0x1] =	stream.indirect.gather [hbm4b:s0+s20], $0x80, s26, s20, $0xb8;
	[tilespmem:$0x1E000] =	vst v63  }
0xd6: {  	s29 =	sor.u32 $0x80, s26  }
0xd7: {  	[tilespmem:s21], [sflag:$0x2] =	stream.indirect.gather [hbm4b:s0+s20], $0x80, s29, s20, $0xb8;
	[tilespmem:$0x1E000] =	vst v63  }
0xd8: {  	_ =	swait.ge [sflag:s22], $0x4000  }
0xd9: {  	[sflag:s22] =	ssyncset.done $0x0  }
0xda: {  	s30 =	sor.u32 $0x1000, s26;
	[sflag:s22] =	ssyncadd.s32 $0xFFFFC000  }
0xdb: {  	[spmem:s3] =	stream.indirect.scatter.add.f32 [tilespmem:s16], [sflag:$0x4], $0x80, s30, s20, $0xb8;
	[tilespmem:$0x1E000] =	vst v63  }
0xdc: {  	_ =	swait.ge [sflag:s17], $0x4000  }
0xdd: {  	[sflag:s17] =	ssyncset.done $0x0  }
0xde: {  	s31 =	sor.u32 $0x100, s26;
	[sflag:s17] =	ssyncadd.s32 $0xFFFFC000  }
0xdf: {  	[tilespmem:s16], [sflag:$0x1] =	stream.indirect.gather [hbm4b:s0+s20], $0x80, s31, s20, $0xb8;
	[tilespmem:$0x1E000] =	vst v63  }
0xe0: {  	_ =	swait.ge [sflag:s23], $0x4000  }
0xe1: {  	[sflag:s23] =	ssyncset.done $0x0  }
0xe2: {  	s29 =	sor.u32 $0x1080, s26;
	[sflag:s23] =	ssyncadd.s32 $0xFFFFC000  }
0xe3: {  	[spmem:s3] =	stream.indirect.scatter.add.f32 [tilespmem:s21], [sflag:$0x4], $0x80, s29, s20, $0xb8;
	[tilespmem:$0x1E000] =	vst v63  }
0xe4: {  	_ =	swait.ge [sflag:s17], $0x4000  }
0xe5: {  	[sflag:s17] =	ssyncset.done $0x0  }
0xe6: {  	s30 =	sor.u32 $0x180, s26;
	[sflag:s17] =	ssyncadd.s32 $0xFFFFC000  }
0xe7: {  	[tilespmem:s21], [sflag:$0x2] =	stream.indirect.gather [hbm4b:s0+s20], $0x80, s30, s20, $0xb8;
	[tilespmem:$0x1E000] =	vst v63  }
0xe8: {  	_ =	swait.ge [sflag:s22], $0x4000  }
0xe9: {  	[sflag:s22] =	ssyncset.done $0x0  }
0xea: {  	s31 =	sor.u32 $0x1100, s26;
	[sflag:s22] =	ssyncadd.s32 $0xFFFFC000  }
0xeb: {  	[spmem:s3] =	stream.indirect.scatter.add.f32 [tilespmem:s16], [sflag:$0x4], $0x80, s31, s20, $0xb8;
	[tilespmem:$0x1E000] =	vst v63  }
0xec: {  	_ =	swait.ge [sflag:s17], $0x4000  }
0xed: {  	[sflag:s17] =	ssyncset.done $0x0  }
0xee: {  	s29 =	sor.u32 $0x200, s26;
	[sflag:s17] =	ssyncadd.s32 $0xFFFFC000  }
0xef: {  	[tilespmem:s16], [sflag:$0x1] =	stream.indirect.gather [hbm4b:s0+s20], $0x80, s29, s20, $0xb8;
	[tilespmem:$0x1E000] =	vst v63  }
0xf0: {  	_ =	swait.ge [sflag:s23], $0x4000  }
0xf1: {  	[sflag:s23] =	ssyncset.done $0x0  }
0xf2: {  	s30 =	sor.u32 $0x1180, s26;
	[sflag:s23] =	ssyncadd.s32 $0xFFFFC000  }
0xf3: {  	[spmem:s3] =	stream.indirect.scatter.add.f32 [tilespmem:s21], [sflag:$0x4], $0x80, s30, s20, $0xb8;
	[tilespmem:$0x1E000] =	vst v63  }
0xf4: {  	_ =	swait.ge [sflag:s17], $0x4000  }
0xf5: {  	[sflag:s17] =	ssyncset.done $0x0  }
0xf6: {  	s31 =	sor.u32 $0x280, s26;
	[sflag:s17] =	ssyncadd.s32 $0xFFFFC000  }
0xf7: {  	[tilespmem:s21], [sflag:$0x2] =	stream.indirect.gather [hbm4b:s0+s20], $0x80, s31, s20, $0xb8;
	[tilespmem:$0x1E000] =	vst v63  }
0xf8: {  	_ =	swait.ge [sflag:s22], $0x4000  }
0xf9: {  	[sflag:s22] =	ssyncset.done $0x0  }
0xfa: {  	s29 =	sor.u32 $0x1200, s26;
	[sflag:s22] =	ssyncadd.s32 $0xFFFFC000  }
0xfb: {  	[spmem:s3] =	stream.indirect.scatter.add.f32 [tilespmem:s16], [sflag:$0x4], $0x80, s29, s20, $0xb8;
	[tilespmem:$0x1E000] =	vst v63  }
0xfc: {  	_ =	swait.ge [sflag:s17], $0x4000  }
0xfd: {  	[sflag:s17] =	ssyncset.done $0x0  }
0xfe: {  	s30 =	sor.u32 $0x300, s26;
	[sflag:s17] =	ssyncadd.s32 $0xFFFFC000  }
0xff: {  	[tilespmem:s16], [sflag:$0x1] =	stream.indirect.gather [hbm4b:s0+s20], $0x80, s30, s20, $0xb8;
	[tilespmem:$0x1E000] =	vst v63  }
0x100: {  	_ =	swait.ge [sflag:s23], $0x4000  }
0x101: {  	[sflag:s23] =	ssyncset.done $0x0  }
0x102: {  	s31 =	sor.u32 $0x1280, s26;
	[sflag:s23] =	ssyncadd.s32 $0xFFFFC000  }
0x103: {  	[spmem:s3] =	stream.indirect.scatter.add.f32 [tilespmem:s21], [sflag:$0x4], $0x80, s31, s20, $0xb8;
	[tilespmem:$0x1E000] =	vst v63  }
0x104: {  	_ =	swait.ge [sflag:s17], $0x4000  }
0x105: {  	[sflag:s17] =	ssyncset.done $0x0  }
0x106: {  	s29 =	sor.u32 $0x380, s26;
	[sflag:s17] =	ssyncadd.s32 $0xFFFFC000  }
0x107: {  	[tilespmem:s21], [sflag:$0x2] =	stream.indirect.gather [hbm4b:s0+s20], $0x80, s29, s20, $0xb8;
	[tilespmem:$0x1E000] =	vst v63  }
0x108: {  	_ =	swait.ge [sflag:s22], $0x4000  }
0x109: {  	[sflag:s22] =	ssyncset.done $0x0  }
0x10a: {  	s30 =	sor.u32 $0x1300, s26;
	[sflag:s22] =	ssyncadd.s32 $0xFFFFC000  }
0x10b: {  	[spmem:s3] =	stream.indirect.scatter.add.f32 [tilespmem:s16], [sflag:$0x4], $0x80, s30, s20, $0xb8;
	[tilespmem:$0x1E000] =	vst v63  }
0x10c: {  	_ =	swait.ge [sflag:s17], $0x4000  }
0x10d: {  	[sflag:s17] =	ssyncset.done $0x0  }
0x10e: {  	s31 =	sor.u32 $0x400, s26;
	[sflag:s17] =	ssyncadd.s32 $0xFFFFC000  }
0x10f: {  	[tilespmem:s16], [sflag:$0x1] =	stream.indirect.gather [hbm4b:s0+s20], $0x80, s31, s20, $0xb8;
	[tilespmem:$0x1E000] =	vst v63  }
0x110: {  	_ =	swait.ge [sflag:s23], $0x4000  }
0x111: {  	[sflag:s23] =	ssyncset.done $0x0  }
0x112: {  	s29 =	sor.u32 $0x1380, s26;
	[sflag:s23] =	ssyncadd.s32 $0xFFFFC000  }
0x113: {  	[spmem:s3] =	stream.indirect.scatter.add.f32 [tilespmem:s21], [sflag:$0x4], $0x80, s29, s20, $0xb8;
	[tilespmem:$0x1E000] =	vst v63  }
0x114: {  	_ =	swait.ge [sflag:s17], $0x4000  }
0x115: {  	[sflag:s17] =	ssyncset.done $0x0  }
0x116: {  	s30 =	sor.u32 $0x480, s26;
	[sflag:s17] =	ssyncadd.s32 $0xFFFFC000  }
0x117: {  	[tilespmem:s21], [sflag:$0x2] =	stream.indirect.gather [hbm4b:s0+s20], $0x80, s30, s20, $0xb8;
	[tilespmem:$0x1E000] =	vst v63  }
0x118: {  	_ =	swait.ge [sflag:s22], $0x4000  }
0x119: {  	[sflag:s22] =	ssyncset.done $0x0  }
0x11a: {  	s31 =	sor.u32 $0x1400, s26;
	[sflag:s22] =	ssyncadd.s32 $0xFFFFC000  }
0x11b: {  	[spmem:s3] =	stream.indirect.scatter.add.f32 [tilespmem:s16], [sflag:$0x4], $0x80, s31, s20, $0xb8;
	[tilespmem:$0x1E000] =	vst v63  }
0x11c: {  	_ =	swait.ge [sflag:s17], $0x4000  }
0x11d: {  	[sflag:s17] =	ssyncset.done $0x0  }
0x11e: {  	s29 =	sor.u32 $0x500, s26;
	[sflag:s17] =	ssyncadd.s32 $0xFFFFC000  }
0x11f: {  	[tilespmem:s16], [sflag:$0x1] =	stream.indirect.gather [hbm4b:s0+s20], $0x80, s29, s20, $0xb8;
	[tilespmem:$0x1E000] =	vst v63  }
0x120: {  	_ =	swait.ge [sflag:s23], $0x4000  }
0x121: {  	[sflag:s23] =	ssyncset.done $0x0  }
0x122: {  	s30 =	sor.u32 $0x1480, s26;
	[sflag:s23] =	ssyncadd.s32 $0xFFFFC000  }
0x123: {  	[spmem:s3] =	stream.indirect.scatter.add.f32 [tilespmem:s21], [sflag:$0x4], $0x80, s30, s20, $0xb8;
	[tilespmem:$0x1E000] =	vst v63  }
0x124: {  	_ =	swait.ge [sflag:s17], $0x4000  }
0x125: {  	[sflag:s17] =	ssyncset.done $0x0  }
0x126: {  	s31 =	sor.u32 $0x580, s26;
	[sflag:s17] =	ssyncadd.s32 $0xFFFFC000  }
0x127: {  	[tilespmem:s21], [sflag:$0x2] =	stream.indirect.gather [hbm4b:s0+s20], $0x80, s31, s20, $0xb8;
	[tilespmem:$0x1E000] =	vst v63  }
0x128: {  	_ =	swait.ge [sflag:s22], $0x4000  }
0x129: {  	[sflag:s22] =	ssyncset.done $0x0  }
0x12a: {  	s29 =	sor.u32 $0x1500, s26;
	[sflag:s22] =	ssyncadd.s32 $0xFFFFC000  }
0x12b: {  	[spmem:s3] =	stream.indirect.scatter.add.f32 [tilespmem:s16], [sflag:$0x4], $0x80, s29, s20, $0xb8;
	[tilespmem:$0x1E000] =	vst v63  }
0x12c: {  	_ =	swait.ge [sflag:s17], $0x4000  }
0x12d: {  	[sflag:s17] =	ssyncset.done $0x0  }
0x12e: {  	s30 =	sor.u32 $0x600, s26;
	[sflag:s17] =	ssyncadd.s32 $0xFFFFC000  }
0x12f: {  	[tilespmem:s16], [sflag:$0x1] =	stream.indirect.gather [hbm4b:s0+s20], $0x80, s30, s20, $0xb8;
	[tilespmem:$0x1E000] =	vst v63  }
0x130: {  	_ =	swait.ge [sflag:s23], $0x4000  }
0x131: {  	[sflag:s23] =	ssyncset.done $0x0  }
0x132: {  	s31 =	sor.u32 $0x1580, s26;
	[sflag:s23] =	ssyncadd.s32 $0xFFFFC000  }
0x133: {  	[spmem:s3] =	stream.indirect.scatter.add.f32 [tilespmem:s21], [sflag:$0x4], $0x80, s31, s20, $0xb8;
	[tilespmem:$0x1E000] =	vst v63  }
0x134: {  	_ =	swait.ge [sflag:s17], $0x4000  }
0x135: {  	[sflag:s17] =	ssyncset.done $0x0  }
0x136: {  	s29 =	sor.u32 $0x680, s26;
	[sflag:s17] =	ssyncadd.s32 $0xFFFFC000  }
0x137: {  	[tilespmem:s21], [sflag:$0x2] =	stream.indirect.gather [hbm4b:s0+s20], $0x80, s29, s20, $0xb8;
	[tilespmem:$0x1E000] =	vst v63  }
0x138: {  	_ =	swait.ge [sflag:s22], $0x4000  }
0x139: {  	[sflag:s22] =	ssyncset.done $0x0  }
0x13a: {  	s30 =	sor.u32 $0x1600, s26;
	[sflag:s22] =	ssyncadd.s32 $0xFFFFC000  }
0x13b: {  	[spmem:s3] =	stream.indirect.scatter.add.f32 [tilespmem:s16], [sflag:$0x4], $0x80, s30, s20, $0xb8;
	[tilespmem:$0x1E000] =	vst v63  }
0x13c: {  	_ =	swait.ge [sflag:s17], $0x4000  }
0x13d: {  	[sflag:s17] =	ssyncset.done $0x0  }
0x13e: {  	s31 =	sor.u32 $0x700, s26;
	[sflag:s17] =	ssyncadd.s32 $0xFFFFC000  }
0x13f: {  	[tilespmem:s16], [sflag:$0x1] =	stream.indirect.gather [hbm4b:s0+s20], $0x80, s31, s20, $0xb8;
	[tilespmem:$0x1E000] =	vst v63  }
0x140: {  	_ =	swait.ge [sflag:s23], $0x4000  }
0x141: {  	[sflag:s23] =	ssyncset.done $0x0  }
0x142: {  	s29 =	sor.u32 $0x1680, s26;
	[sflag:s23] =	ssyncadd.s32 $0xFFFFC000  }
0x143: {  	[spmem:s3] =	stream.indirect.scatter.add.f32 [tilespmem:s21], [sflag:$0x4], $0x80, s29, s20, $0xb8;
	[tilespmem:$0x1E000] =	vst v63  }
0x144: {  	_ =	swait.ge [sflag:s17], $0x4000  }
0x145: {  	[sflag:s17] =	ssyncset.done $0x0  }
0x146: {  	s30 =	sor.u32 $0x780, s26;
	[sflag:s17] =	ssyncadd.s32 $0xFFFFC000  }
0x147: {  	[tilespmem:s21], [sflag:$0x2] =	stream.indirect.gather [hbm4b:s0+s20], $0x80, s30, s20, $0xb8;
	[tilespmem:$0x1E000] =	vst v63  }
0x148: {  	_ =	swait.ge [sflag:s22], $0x4000  }
0x149: {  	[sflag:s22] =	ssyncset.done $0x0  }
0x14a: {  	s31 =	sor.u32 $0x1700, s26;
	[sflag:s22] =	ssyncadd.s32 $0xFFFFC000  }
0x14b: {  	[spmem:s3] =	stream.indirect.scatter.add.f32 [tilespmem:s16], [sflag:$0x4], $0x80, s31, s20, $0xb8;
	[tilespmem:$0x1E000] =	vst v63  }
0x14c: {  	_ =	swait.ge [sflag:s17], $0x4000  }
0x14d: {  	[sflag:s17] =	ssyncset.done $0x0  }
0x14e: {  	s24 =	sadd.s32 $0x800, s24;
	[sflag:s17] =	ssyncadd.s32 $0xFFFFC000  }
0x14f: {  	p0 =	sne.s32 s24, $0x2800;
	_ =	swait.ge [sflag:s23], $0x4000  }
.Ltmp1:
0x150: {  	[sflag:s23] =	ssyncset.done $0x0;
	(pc) =	sbr.rel @p0 .LBB2_4-.Ltmp1, $4  }
0x151: {  	s26 =	sor.u32 $0x1780, s26;
	[sflag:s23] =	ssyncadd.s32 $0xFFFFC000  }
0x152: {  	[spmem:s3] =	stream.indirect.scatter.add.f32 [tilespmem:s21], [sflag:$0x4], $0x80, s26, s20, $0xb8;
	[tilespmem:$0x1E000] =	vst v63  }
0x153: {  	_ =	swait.ge [sflag:s17], $0x4000  }
0x154: {  	[sflag:s17] =	ssyncset.done $0x0  }
0x155: {  	[sflag:s17] =	ssyncadd.s32 $0xFFFFC000;
	s4 =	sadd.s32 $0x1, s4  }
0x156: {  	s24 =	sshll.u32 s2, $0x6;
	s25 =	sshrl.u32 s6, $0x3;
	p0 =	sne.s32 s4, s14  }
.Ltmp2:
0x157: {  	[bflag:$0x0] =	sbarrier.arrive $0xFFFF;
	s24 =	sor.u32 $0x1C04, s24;
	(pc) =	sbr.rel @p0 .LBB2_1-.Ltmp2, $4  }
0x158: {  	[hbm:s13], [sflag:s24] =	dma.local [spmem:s25], $0x2800  }
0x159: {  	_ =	swait.ge [sflag:s17], $0x2800  }
0x15a: {  	[sflag:s17] =	ssyncset.done $0x0  }
0x15b: {  	[sflag:s17] =	ssyncadd.s32 $0xFFFFD800  }
0x15c: {  	_ =	sfence.sel $0x180000  }
0x15d: {  	[bflag:$0x0] =	sbarrier.arrive $0xFFFF  }
0x15e: {  	p0 =	sne.s32 s2, $0x0;
	_ =	strace $0x9000004D  }
0x15f: {  	s0 =	sadd.s32 @!p0 $0x100000, s1;
	[bflag:$0x2] =	sbarrier.arrive $0xFFFF  }
0x160: {  	[sflag:s0] =	ssyncadd.tile.s32 @!p0 $0x1;
	_ =	shalt  }
.Lfunc_end2:
_tile_overlayer_lowered:
.L_overlay_start_2:
0x161: {  	(tag) =	ssettag $0x2  }
0x162: {  	s0 =	rddreg [dreg:$0x0];
	s2 =	stileid.u32  }
0x163: {  	s1 =	rddreg [dreg:$0x1];
	p0 =	sne.s32 s2, $0x0  }
0x164: {  	s3 =	rddreg [dreg:$0x2];
	[bflag:$0x3] =	sbarrier.arrive $0xFFFF;
	s2 =	simm.s32 @!p0 $0x1C04  }
0x165: {  	[timem:s3], [sflag:s2] =	dma.local @!p0 [hbm:s0], s1  }
0x166: {  	s0 =	simm.s32 @!p0 $0x4  }
0x167: {  	_ =	swait.ge @!p0 [sflag:s0], s1  }
0x168: {  	s1 =	ssub.s32 @!p0 $0x0, s1;
	[sflag:s0] =	ssyncset.done @!p0 $0x0  }
0x169: {  	[sflag:s0] =	ssyncadd.s32 @!p0 s1  }
0x16a: {  	[bflag:$0x3] =	sbarrier.arrive $0xFFFF  }
0x16b: {  	_ =	shalt  }

// kernel: kernel.9.cloned.1.call-start
scs
__scs_entry_jumppad:
0x0: {  	(pc) =	sbr.rel $0x88, $3  }
0x1: {  	(tag) =	ssettag $0x0;
	lr =	simm.s32 $0x1  }
0x2: {  	[smem:$0x3F97] =	sst lr;
	_ =	strace $0xD0000000  }
0x3: {  	_ = 	snop  }
0x4: {  	_ = 	snop  }
0x5: {  	_ = 	snop  }
0x6: {  	_ = 	snop  }
0x7: {  	_ = 	snop  }
__scs_overlays_trampoline_lowered:
0x8: {  	[smem:$0x3FA6] =	sst s0  }
0x9: {  	[smem:$0x3FA7] =	sst s1  }
0xa: {  	[smem:$0x3FA8] =	sst s2  }
0xb: {  	[smem:$0x3FA9] =	sst s3  }
0xc: {  	[smem:$0x3FAA] =	sst s4  }
0xd: {  	[smem:$0x3FAB] =	sst s5  }
0xe: {  	[smem:$0x3FAC] =	sst s6  }
0xf: {  	[smem:$0x3FAD] =	sst s7  }
0x10: {  	[smem:$0x3FAE] =	sst s8  }
0x11: {  	[smem:$0x3FAF] =	sst s9;
	s0 =	simm.s32 @!p0 $0x0  }
0x12: {  	s1 =	sld [smem:$0x3F95];
	s0 =	simm.s32 @p0 $0x1  }
0x13: {  	[smem:$0x3FB0] =	sst s0;
	s0 =	simm.s32 @!p1 $0x0  }
0x14: {  	s2 =	sld [smem:$0x3F94];
	s0 =	simm.s32 @p1 $0x1  }
0x15: {  	[smem:$0x3FB1] =	sst s0;
	s0 =	simm.s32 @!p2 $0x0  }
0x16: {  	s3 =	sld [smem:$0x3FDB];
	s0 =	simm.s32 @p2 $0x1  }
0x17: {  	s4 =	simm.s32 $0x1BF5;
	[smem:$0x3FB3] =	sst s0  }
0x18: {  	s0 =	sld [smem:$0x3F96];
	_ =	swait.ge [sflag:s4], $0x0  }
0x19: {  	s7 =	sld [smem:$0x3F97]  }
0x1a: {  	s8 =	sadd.s32 $0xFFFFE003, lr  }
0x1b: {  	s9 =	sadd.s32 $0xFFFFFEF7, lr;
	s5 =	simm.s32 $0xFFFFFFFF;
	p2 =	slt.u32 s8, $0xFFFFF086  }
0x1c: {  	p1 =	slt.u32 s9, $0xF7A;
	s5 =	simm.s32 @!p2 $0x0  }
0x1d: {  	s5 =	simm.s32 @p1 $0x1;
	p0 =	seq.s32 s7, s2  }
0x1e: {  	s7 =	smul.u32 @!p0 $0xF7A, s2;
	p2 =	seq.s32 @!p0 s5, $0x0  }
0x1f: {  	s9 =	smul.u32 $0xF7A, s1;
	s8 =	simm.s32 @!p0 $0x1BF5;
	p2 =	por !p2, p0  }
0x20: {  	[sflag:s8] =	ssyncset.s32 @!p0 $0xFFFFF086;
	s6 =	sadd.s32 @!p0 s3, s7;
	s7 =	simm.s32 @!p0 $0x108  }
0x21: {  	s3 =	sadd.s32 s3, s9;
	s6 =	sadd.s32 @!p0 $0x88, s6;
	s7 =	simm.s32 @p2 $0x1082  }
0x22: {  	[simem:s7], [sflag:s8] =	dma.local @!p0 [hbm:s6], $0xF7A  }
0x23: {  	s9 =	sor.u32 $0xD0000000, s2;
	s6 =	simm.s32 $0x108;
	_ =	swait.ge @!p0 [sflag:s8], $0x0  }
0x24: {  	s3 =	sadd.s32 $0x88, s3;
	s6 =	simm.s32 @!p1 $0x1082;
	[sflag:s4] =	ssyncset.s32 $0xFFFFF086  }
0x25: {  	[simem:s6], [sflag:s4] =	dma.local [hbm:s3], $0xF7A  }
0x26: {  	[smem:$0x3F97] =	sst s1;
	(tag) =	ssettag s2;
	_ =	strace s9  }
0x27: {  	s1 =	sld [smem:$0x3FA7]  }
0x28: {  	s2 =	sld [smem:$0x3FA8]  }
0x29: {  	s4 =	sld [smem:$0x3FAA]  }
0x2a: {  	p0 =	seq.s32 s5, $0x0;
	s5 =	sld [smem:$0x3FAB]  }
0x2b: {  	s6 =	sld [smem:$0x3FAC]  }
0x2c: {  	s7 =	sld [smem:$0x3FAD]  }
0x2d: {  	s3 =	simm.s32 $0x108;
	s8 =	sld [smem:$0x3FAE]  }
0x2e: {  	s3 =	simm.s32 @!p0 $0x1082;
	s9 =	sld [smem:$0x3FAF]  }
0x2f: {  	lr =	sadd.s32 s0, s3;
	s0 =	sld [smem:$0x3FA6]  }
0x30: {  	s3 =	sld [smem:$0x3FA9]  }
0x31: {  	[smem:$0x3FB2] =	sst s10  }
0x32: {  	s10 =	sld [smem:$0x3FB0];
	_ =	sdelay $0x3  }
0x33: {  	p0 =	seq.s32 s10, $0x1;
	s10 =	sld [smem:$0x3FB2];
	_ =	sdelay $0x3  }
0x34: {  	[smem:$0x3FB2] =	sst s10  }
0x35: {  	s10 =	sld [smem:$0x3FB1];
	_ =	sdelay $0x3  }
0x36: {  	p1 =	seq.s32 s10, $0x1;
	s10 =	sld [smem:$0x3FB2];
	_ =	sdelay $0x3  }
0x37: {  	[smem:$0x3FB2] =	sst s10  }
0x38: {  	s10 =	sld [smem:$0x3FB3]  }
0x39: {  	_ = 	snop;
	(pc) =	sbr.ind lr, $3  }
0x3a: {  	_ = 	snop  }
0x3b: {  	_ = 	snop  }
0x3c: {  	p2 =	seq.s32 s10, $0x1;
	s10 =	sld [smem:$0x3FB2]  }
0x3d: {  	_ =	shalt  }
0x3e: {  	_ =	shalt  }
0x3f: {  	_ =	shalt  }
0x40: {  	_ =	shalt  }
0x41: {  	_ =	shalt  }
0x42: {  	_ =	shalt  }
0x43: {  	_ =	shalt  }
0x44: {  	_ =	shalt  }
0x45: {  	_ =	shalt  }
0x46: {  	_ =	shalt  }
0x47: {  	_ =	shalt  }
0x48: {  	_ =	shalt  }
0x49: {  	_ =	shalt  }
0x4a: {  	_ =	shalt  }
0x4b: {  	_ =	shalt  }
0x4c: {  	_ =	shalt  }
0x4d: {  	_ =	shalt  }
0x4e: {  	_ =	shalt  }
0x4f: {  	_ =	shalt  }
0x50: {  	_ =	shalt  }
0x51: {  	_ =	shalt  }
0x52: {  	_ =	shalt  }
0x53: {  	_ =	shalt  }
0x54: {  	_ =	shalt  }
0x55: {  	_ =	shalt  }
0x56: {  	_ =	shalt  }
0x57: {  	_ =	shalt  }
0x58: {  	_ =	shalt  }
0x59: {  	_ =	shalt  }
0x5a: {  	_ =	shalt  }
0x5b: {  	_ =	shalt  }
0x5c: {  	_ =	shalt  }
0x5d: {  	_ =	shalt  }
0x5e: {  	_ =	shalt  }
0x5f: {  	_ =	shalt  }
0x60: {  	_ =	shalt  }
0x61: {  	_ =	shalt  }
0x62: {  	_ =	shalt  }
0x63: {  	_ =	shalt  }
0x64: {  	_ =	shalt  }
0x65: {  	_ =	shalt  }
0x66: {  	_ =	shalt  }
0x67: {  	_ =	shalt  }
0x68: {  	_ =	shalt  }
0x69: {  	_ =	shalt  }
0x6a: {  	_ =	shalt  }
0x6b: {  	_ =	shalt  }
0x6c: {  	_ =	shalt  }
0x6d: {  	_ =	shalt  }
0x6e: {  	_ =	shalt  }
0x6f: {  	_ =	shalt  }
0x70: {  	_ =	shalt  }
0x71: {  	_ =	shalt  }
0x72: {  	_ =	shalt  }
0x73: {  	_ =	shalt  }
0x74: {  	_ =	shalt  }
0x75: {  	_ =	shalt  }
0x76: {  	_ =	shalt  }
0x77: {  	_ =	shalt  }
0x78: {  	_ =	shalt  }
0x79: {  	_ =	shalt  }
0x7a: {  	_ =	shalt  }
0x7b: {  	_ =	shalt  }
0x7c: {  	_ =	shalt  }
0x7d: {  	_ =	shalt  }
0x7e: {  	_ =	shalt  }
0x7f: {  	_ =	shalt  }
0x80: {  	_ =	shalt  }
0x81: {  	_ =	shalt  }
0x82: {  	_ =	shalt  }
0x83: {  	_ =	shalt  }
0x84: {  	_ =	shalt  }
0x85: {  	_ =	shalt  }
0x86: {  	_ =	shalt  }
0x87: {  	_ =	shalt  }
.Lfunc_end0:
.L_simem_size_0:
called_computation_lowered:
.L_overlay_start_0:
0x88: {  	s2 =	sld [smem:$0x3FD9]  }
0x89: {  	s3 =	sld [smem:$0x3FFE];
	_ =	sdelay $0x1  }
0x8a: {  	s1 =	srdreg.scid  }
0x8b: {  	s0 =	sand.u32 $0x1, s1  }
0x8c: {  	s17 =	sshll.u32 s0, $0xA;
	s2 =	sadd.s32 s3, s2  }
0x8d: {  	s2 =	sadd.s32 s2, s17  }
0x8e: {  	[smem:$0x3FBE] =	sst s2  }
0x8f: {  	_ = 	snop  }
0x90: {  	s2 =	sld [smem:$0x3FD0];
	(tm) =	ssettm $0x1  }
0x91: {  	s18 =	sld [smem:$0x3FFB];
	_ =	sdelay $0x3  }
0x92: {  	_ =	strace s18  }
0x93: {  	s3 =	sld [smem:$0x3FFC];
	_ =	sdelay $0x3  }
0x94: {  	_ =	strace s3  }
0x95: {  	s3 =	sld [smem:$0x3FFD];
	_ =	sdelay $0x3  }
0x96: {  	_ =	strace s3  }
0x97: {  	_ =	strace $0x8FFFFFFF  }
0x98: {  	s19 =	sld [smem:$0x3FDB];
	_ =	sdelay $0x1  }
0x99: {  	s4 =	simm.s32 $_scs_section_size  }
0x9a: {  	s5 =	simm.s32 $_size__tile_overlayer_lowered;
	s6 =	simm.s32 $_tile_overlayer_lowered  }
0x9b: {  	s22 =	simm.s32 $0x1BFF;
	s21 =	sshll.u32 s6, $0x1;
	s3 =	sadd.s32 s4, s19  }
0x9c: {  	s7 =	simm.s32 $0x0;
	s20 =	sshll.u32 s5, $0x1;
	s5 =	sadd.s32 s21, s3  }
0x9d: {  	[timem:s7], [sflag:s22] =	dma.local [hbm:s5], s20  }
0x9e: {  	_ =	swait.ge [sflag:s22], s20  }
0x9f: {  	s4 =	ssub.s32 $0x0, s20;
	[sflag:s22] =	ssyncset.done $0x0  }
0xa0: {  	[sflag:s22] =	ssyncadd.s32 s4;
	_ =	sdelay $0x1  }
0xa1: {  	s23 =	simm.s32 $0x1B8B  }
0xa2: {  	_ =	swait.ge [sflag:s23], $0x1  }
0xa3: {  	[sflag:s23] =	ssyncset.done $0x0  }
0xa4: {  	s25 =	simm.s32 $0x1B8E;
	s24 =	sld [smem:$0x3FFE];
	[sflag:s23] =	ssyncadd.s32 $0xFFFFFFFF  }
0xa5: {  	s26 =	simm.s32 $execute0_lowered;
	[smem:$0x3FD2] =	sst s25  }
0xa6: {  	s5 =	sshll.u32 s26, $0x1;
	_ =	strace $0x80000046;
	[dreg:$0x1] =	wrdreg $0xFFFFFFFF  }
0xa7: {  	s28 =	simm.s32 $_size_execute0_lowered;
	s3 =	sadd.s32 s3, s5;
	[dreg:$0x0] =	wrdreg $0x0  }
0xa8: {  	s5 =	sshll.u32 s28, $0x1;
	[dreg:$0x2] =	wrdreg s3  }
0xa9: {  	[dreg:$0x3] =	wrdreg s5  }
0xaa: {  	[dreg:$0x4] =	wrdreg $0xC0  }
0xab: {  	_ =	task [dreg:s7], $0x5FFFF  }
0xac: {  	[dreg:$0x1] =	wrdreg $0xFFFFFFFF  }
0xad: {  	[dreg:$0x0] =	wrdreg $0x60  }
0xae: {  	[dreg:$0x2] =	wrdreg s24  }
0xaf: {  	[dreg:$0x3] =	wrdreg s2  }
0xb0: {  	[dreg:$0x4] =	wrdreg $0x29000  }
0xb1: {  	[dreg:$0x5] =	wrdreg $0x9  }
0xb2: {  	_ =	task.clear_ibuf [dreg:s7], $0x6FFFF;
	_ =	strace $0x90000046  }
0xb3: {  	s29 =	simm.s32 $0x9;
	_ =	strace $0x80000048  }
0xb4: {  	_ =	swait.ge [sflag:s29], $0x1  }
0xb5: {  	[sflag:s29] =	ssyncadd.s32 $0xFFFFFFFF  }
0xb6: {  	_ =	strace $0x90000048  }
0xb7: {  	_ =	sfence  }
0xb8: {  	s30 =	sld [smem:$0x0];
	_ =	sdelay $0x2  }
0xb9: {  	s31 =	sshll.u32 s1, $0xD;
	s1 =	sshrl.u32 s1, $0x2  }
0xba: {  	s3 =	sand.u32 $0x4000, s31;
	s1 =	sadd.s32 s1, s30  }
0xbb: {  	s0 =	sor.u32 s3, s0;
	s1 =	sshll.u32 s1, $0x11  }
0xbc: {  	s0 =	sor.u32 s1, s0  }
0xbd: {  	s0 =	sadd.s32 $0x8F2B, s0  }
0xbe: {  	[sflag:s0] =	ssyncadd.remote.s32 $0x1  }
0xbf: {  	_ =	sfence.sel $0xFFFF  }
0xc0: {  	[dreg:$0x0] =	wrdreg $0xFFFFFFFF;
	(pc) =	sbr.abs _section_cstart, $3  }
0xc1: {  	[dreg:$0x1] =	wrdreg $0xFFFFFFFF  }
0xc2: {  	_ =	task.clear_ibuf [dreg:s7], $0x2FFFF;
	_ =	strace $0x9FFFFFFF  }
0xc3: {  	(tm) =	ssettm $0x7FFFFFFF  }
tec
execute0_lowered:
.L_overlay_start_1:
0x0: {  	(tag) =	ssettag $0x1  }
0x1: {  	s8 =	rddreg [dreg:$0x0]  }
0x2: {  	s10 =	rddreg [dreg:$0x1]  }
0x3: {  	s2 =	rddreg [dreg:$0x2]  }
0x4: {  	s0 =	rddreg [dreg:$0x3]  }
0x5: {  	s4 =	srdreg.scid;
	s3 =	simm.s32 $0x0;
	s1 =	stileid.u32  }
0x6: {  	s13 =	simm.s32 $0x2;
	s14 =	simm.s32 $0x80;
	s15 =	simm.s32 $0x2880  }
0x7: {  	s16 =	simm.s32 $0x1;
	s19 =	simm.s32 $0x20;
	s20 =	simm.s32 $0x10  }
0x8: {  	s21 =	simm.s32 $0x0;
	s6 =	sand.u32 $0x1, s4;
	s29 =	smul.u32 $0xA00, s1  }
0x9: {  	[smem:$0x7FF] =	sst s3;
	s11 =	smul.u32 $0x500, s1;
	s17 =	sshll.u32 s1, $0x6  }
0xa: {  	s5 =	sshll.u32 s6, $0x4;
	_ =	strace $0x80000047;
	s7 =	ssub.s32 $0x2, s6  }
0xb: {  	s31 =	sshll.u32 s6, $0x7;
	s17 =	sor.u32 $0x1C02, s17;
	s5 =	sor.u32 s1, s5  }
0xc: {  	s4 =	sshrl.u32 s29, $0x2;
	s30 =	sshrl.u32 s7, $0x1;
	s11 =	sor.u32 s31, s11  }
0xd: {  	s9 =	smul.u32 $0x2800, s5;
	s4 =	sadd.s32 s4, s2;
	s12 =	ssub.s32 s7, s30  }
0xe: {  	s11 =	sshrl.u32 s11, $0x3;
	s5 =	sadd.s32 $0x80, s4;
	s6 =	sadd.s32 $0x100, s4  }
0xf: {  	s7 =	sadd.s32 $0x180, s4;
	s10 =	sadd.s32 s10, s11;
	s9 =	sshrl.u32 s9, $0x3  }
0x10: {  	s11 =	smax.u32 s12, $0x1;
	s12 =	simm.s32 $0x2800;
	s9 =	sadd.s32 s8, s9  }
0x11: {  	v0 =	vimm.f32 $0.0e+00;
	v1 =	vimm.f32 $1.000000000e+00;
	s18 =	sshrl.u32 s4, $0x3;
	s8 =	sadd.s32 $0x200, s4;
	s9 =	sadd.s32 $0xD400, s9  }
.LBB2_1:
0x12: {  	[tilespmem:$0x2800] =	vst v0  }
0x13: {  	[tilespmem:$0x2880] =	vst v1  }
0x14: {  	[tilespmem:$0x2810] =	vst v0  }
0x15: {  	[tilespmem:$0x2890] =	vst v1  }
0x16: {  	[tilespmem:$0x2820] =	vst v0  }
0x17: {  	[tilespmem:$0x28A0] =	vst v1  }
0x18: {  	[tilespmem:$0x2830] =	vst v0  }
0x19: {  	[tilespmem:$0x28B0] =	vst v1  }
0x1a: {  	[tilespmem:$0x2840] =	vst v0  }
0x1b: {  	[tilespmem:$0x28C0] =	vst v1  }
0x1c: {  	[tilespmem:$0x2850] =	vst v0  }
0x1d: {  	[tilespmem:$0x28D0] =	vst v1  }
0x1e: {  	[tilespmem:$0x2860] =	vst v0  }
0x1f: {  	[tilespmem:$0x28E0] =	vst v1  }
0x20: {  	[tilespmem:$0x2870] =	vst v0  }
0x21: {  	[tilespmem:$0x28F0] =	vst v1  }
0x22: {  	[spmem:s4] =	stream.linear.scatter [tilespmem:s12], [sflag:$0x2], $0x80, $0x38;
	[tilespmem:$0x2B80] =	vst v63  }
0x23: {  	_ =	swait.ge [sflag:s13], $0x80  }
0x24: {  	[sflag:s13] =	ssyncset.done $0x0  }
0x25: {  	[sflag:s13] =	ssyncadd.s32 $0xFFFFFF80  }
0x26: {  	[spmem:s5] =	stream.linear.scatter [tilespmem:s12], [sflag:$0x2], $0x80, $0x38;
	[tilespmem:$0x2B80] =	vst v63  }
0x27: {  	_ =	swait.ge [sflag:s13], $0x80  }
0x28: {  	[sflag:s13] =	ssyncset.done $0x0  }
0x29: {  	[sflag:s13] =	ssyncadd.s32 $0xFFFFFF80  }
0x2a: {  	[spmem:s6] =	stream.linear.scatter [tilespmem:s12], [sflag:$0x2], $0x80, $0x38;
	[tilespmem:$0x2B80] =	vst v63  }
0x2b: {  	_ =	swait.ge [sflag:s13], $0x80  }
0x2c: {  	[sflag:s13] =	ssyncset.done $0x0  }
0x2d: {  	[sflag:s13] =	ssyncadd.s32 $0xFFFFFF80  }
0x2e: {  	[spmem:s7] =	stream.linear.scatter [tilespmem:s12], [sflag:$0x2], $0x80, $0x38;
	[tilespmem:$0x2B80] =	vst v63  }
0x2f: {  	_ =	swait.ge [sflag:s13], $0x80  }
0x30: {  	[sflag:s13] =	ssyncset.done $0x0  }
0x31: {  	[sflag:s13] =	ssyncadd.s32 $0xFFFFFF80  }
0x32: {  	[spmem:s8] =	stream.linear.scatter [tilespmem:s12], [sflag:$0x2], $0x80, $0x38;
	[tilespmem:$0x2B80] =	vst v63  }
0x33: {  	_ =	swait.ge [sflag:s13], $0x80  }
0x34: {  	[sflag:s13] =	ssyncset.done $0x0  }
0x35: {  	[sflag:s13] =	ssyncadd.s32 $0xFFFFFF80  }
0x36: {  	[tilespmem:s3], [sflag:$0x2] =	stream.linear.gather [hbm4b:s9+s3], $0x2800, $0x38;
	[tilespmem:$0x2B80] =	vst v63  }
0x37: {  	_ =	swait.ge [sflag:s13], $0x2800  }
0x38: {  	[sflag:s13] =	ssyncset.done $0x0  }
0x39: {  	[sflag:s13] =	ssyncadd.s32 $0xFFFFD800  }
0x3a: {  	s22 =	simm.s32 $0x0;
	[bflag:$0x0] =	sbarrier.arrive $0xFFFF  }
.LBB2_2:
0x3b: {  	p0 =	sne.s32 s22, $0x9E00  }
.Ltmp0:
0x3c: {  	_ = 	snop;
	(pc) =	sbr.rel @p0 .LBB2_2-.Ltmp0, $3  }
0x3d: {  	_ =	sdelay $0x1  }
0x3e: {  	s23 =	sshra.s32 s22, $0x2;
	s22 =	sadd.s32 $0x200, s22  }
0x3f: {  	[spmem:s2] =	stream.indirect.scatter.add.f32 [tilespmem:s15], [sflag:$0x1], $0x1, s23, s14, $0xb8;
	[tilespmem:$0x2B80] =	vst v63  }
0x40: {  	_ =	swait.ge [sflag:s16], $0x80  }
0x41: {  	s22 =	simm.s32 $0x4F;
	[sflag:s16] =	ssyncset.done $0x0  }
.LBB2_4:
0x42: {  	p0 =	sne.s32 s22, $0x1;
	s22 =	sadd.s32 $0xFFFFFFFF, s22;
	[sflag:s16] =	ssyncadd.s32 $0xFFFFFF80  }
.Ltmp1:
0x43: {  	(pc) =	sbr.rel @p0 .LBB2_4-.Ltmp1, $3  }
0x44: {  	_ =	sdelay $0x1  }
0x45: {  	_ =	swait.ge [sflag:s16], $0x80  }
0x46: {  	[sflag:s16] =	ssyncset.done $0x0  }
0x47: {  	s21 =	sadd.s32 $0x1, s21  }
0x48: {  	[sflag:s16] =	ssyncadd.s32 $0xFFFFFF80;
	p0 =	sne.s32 s21, s11  }
.Ltmp2:
0x49: {  	[bflag:$0x0] =	sbarrier.arrive $0xFFFF;
	(pc) =	sbr.rel @p0 .LBB2_1-.Ltmp2, $4  }
0x4a: {  	[hbm:s10@s19], [sflag:s17] =	dma.strided [spmem:s18@s20], $0x50, s16, $0x10   }
0x4b: {  	_ =	swait.ge [sflag:s13], $0x50  }
0x4c: {  	[sflag:s13] =	ssyncset.done $0x0  }
0x4d: {  	[sflag:s13] =	ssyncadd.s32 $0xFFFFFFB0  }
0x4e: {  	_ =	sfence.sel $0x180000  }
0x4f: {  	[bflag:$0x0] =	sbarrier.arrive $0xFFFF  }
0x50: {  	p0 =	sne.s32 s1, $0x0;
	_ =	strace $0x90000047  }
0x51: {  	s0 =	sadd.s32 @!p0 $0x100000, s0;
	[bflag:$0x2] =	sbarrier.arrive $0xFFFF  }
0x52: {  	[sflag:s0] =	ssyncadd.tile.s32 @!p0 $0x1;
	_ =	shalt  }
.Lfunc_end2:
_tile_overlayer_lowered:
.L_overlay_start_2:
0x53: {  	(tag) =	ssettag $0x2  }
0x54: {  	s0 =	rddreg [dreg:$0x0];
	s2 =	stileid.u32  }
0x55: {  	s1 =	rddreg [dreg:$0x1];
	p0 =	sne.s32 s2, $0x0  }
0x56: {  	s3 =	rddreg [dreg:$0x2];
	[bflag:$0x3] =	sbarrier.arrive $0xFFFF;
	s2 =	simm.s32 @!p0 $0x1C02  }
0x57: {  	[timem:s3], [sflag:s2] =	dma.local @!p0 [hbm:s0], s1  }
0x58: {  	s0 =	simm.s32 @!p0 $0x2  }
0x59: {  	_ =	swait.ge @!p0 [sflag:s0], s1  }
0x5a: {  	s1 =	ssub.s32 @!p0 $0x0, s1;
	[sflag:s0] =	ssyncset.done @!p0 $0x0  }
0x5b: {  	[sflag:s0] =	ssyncadd.s32 @!p0 s1  }
0x5c: {  	[bflag:$0x3] =	sbarrier.arrive $0xFFFF  }
0x5d: {  	_ =	shalt  }

</sc_bundles>
